<compile_context>
chip_gen: v7x
topology: tpu7x:2x2x1
jax: 0.10.2.dev20260603
libtpu: 0.0.44.dev20260713+nightly
codegen_flags: <defaults>
</compile_context>

<pallas_src>
import functools

import jax
import jax.numpy as jnp
from jax import lax
from jax.experimental import pallas as pl
from jax.experimental.pallas import tpu as pltpu
from jax.experimental.pallas import tpu_sc as plsc

_NC = 2
_NS = 16
_NW = _NC * _NS
_RANK = 128
_ACC_ROWS = 10240
_CHUNK = 80
_CCHUNK = 128
_R = 7
_D = 5
_SR = 4
_SG = 1
_SLOPE = (1.0 / 8.0 + 1.0 / 3.0) / 2.0


def _scatter_sum(table, idx, dst, zeros):
    ne = idx.shape[0]
    e_pt = ne // _NW
    nch = e_pt // _CHUNK
    ngroups = nch // _SG
    assert e_pt * _NW == ne and ngroups * _SG * _CHUNK == e_pt
    assert ngroups >= _SR
    rpt = _ACC_ROWS // _NS
    assert zeros.shape[0] == rpt

    mesh = plsc.VectorSubcoreMesh(core_axis_name="c", subcore_axis_name="s")

    nb = _SR * _SG
    scratch = ([pltpu.VMEM((_CHUNK, _RANK), jnp.float32)] * nb
               + [pltpu.VMEM((_CHUNK,), jnp.int32)] * (2 * nb)
               + [pltpu.VMEM_SHARED((_ACC_ROWS, _RANK), jnp.float32)]
               + [pltpu.SemaphoreType.DMA] * (3 * _SR))

    @functools.partial(
        pl.kernel,
        out_type=jax.ShapeDtypeStruct((_NC, _ACC_ROWS, _RANK), jnp.float32),
        mesh=mesh,
        scratch_types=scratch,
    )
    def k(table_hbm, idx_hbm, dst_hbm, z_hbm, out_hbm, *refs):
        rows = [refs[r * _SG:(r + 1) * _SG] for r in range(_SR)]
        idxb = [refs[nb + r * _SG:nb + (r + 1) * _SG] for r in range(_SR)]
        dstb = [refs[2 * nb + r * _SG:2 * nb + (r + 1) * _SG]
                for r in range(_SR)]
        acc = refs[3 * nb]
        sem_i = refs[3 * nb + 1:3 * nb + 1 + _SR]
        sem_g = refs[3 * nb + 1 + _SR:3 * nb + 1 + 2 * _SR]
        sem_s = refs[3 * nb + 1 + 2 * _SR:3 * nb + 1 + 3 * _SR]

        c = lax.axis_index("c")
        s = lax.axis_index("s")
        w = c * _NS + s
        eb = w * e_pt

        pltpu.sync_copy(z_hbm, acc.at[pl.ds(s * rpt, rpt), :])
        plsc.subcore_barrier()

        for g in (0, 1):
            for j in range(_SG):
                b = eb + (g * _SG + j) * _CHUNK
                pltpu.sync_copy(idx_hbm.at[pl.ds(b, _CHUNK)], idxb[g][j])
                pltpu.sync_copy(dst_hbm.at[pl.ds(b, _CHUNK)], dstb[g][j])
        for j in range(_SG):
            pltpu.async_copy(table_hbm.at[idxb[0][j]], rows[0][j], sem_g[0])

        def group(t, r):
            sc = (r + 2) % _SR
            g1 = (r + 1) % _SR

            @pl.when(t >= 2)
            def _():
                for j in range(_SG):
                    pltpu.make_async_copy(rows[sc][j], acc.at[dstb[sc][j]],
                                          sem_s[sc]).wait()
            @pl.when(t + 2 < ngroups)
            def _():
                for j in range(_SG):
                    b2 = eb + ((t + 2) * _SG + j) * _CHUNK
                    pltpu.async_copy(idx_hbm.at[pl.ds(b2, _CHUNK)],
                                     idxb[sc][j], sem_i[sc])
                    pltpu.async_copy(dst_hbm.at[pl.ds(b2, _CHUNK)],
                                     dstb[sc][j], sem_i[sc])
            @pl.when(t + 1 < ngroups)
            def _():
                @pl.when(t >= 1)
                def _():
                    for j in range(_SG):
                        b1 = eb + ((t + 1) * _SG + j) * _CHUNK
                        pltpu.make_async_copy(idx_hbm.at[pl.ds(b1, _CHUNK)],
                                              idxb[g1][j], sem_i[g1]).wait()
                        pltpu.make_async_copy(dst_hbm.at[pl.ds(b1, _CHUNK)],
                                              dstb[g1][j], sem_i[g1]).wait()
                for j in range(_SG):
                    pltpu.async_copy(table_hbm.at[idxb[g1][j]], rows[g1][j],
                                     sem_g[g1])
            for j in range(_SG):
                pltpu.make_async_copy(table_hbm.at[idxb[r][j]], rows[r][j],
                                      sem_g[r]).wait()
            for j in range(_SG):
                pltpu.async_copy(rows[r][j], acc.at[dstb[r][j]], sem_s[r],
                                 add=True)

        def body(t, carry):
            for r in range(_SR):
                @pl.when(lax.rem(t, _SR) == r)
                def _(r=r):
                    group(t, r)
            return carry

        lax.fori_loop(0, ngroups, body, 0)
        for t in range(ngroups - 2, ngroups):
            r = t % _SR
            for j in range(_SG):
                pltpu.make_async_copy(rows[r][j], acc.at[dstb[r][j]],
                                      sem_s[r]).wait()

        plsc.subcore_barrier()
        pltpu.sync_copy(acc.at[pl.ds(s * rpt, rpt), :],
                        out_hbm.at[c, pl.ds(s * rpt, rpt), :])

    return k(table, idx, dst, zeros)


def _count(flat, n_rows, zeros_c, ones):
    ne = flat.shape[0]
    e_pt = ne // _NW
    ngroups = e_pt // _CCHUNK
    assert ngroups * _CCHUNK == e_pt and ngroups >= _R
    rpt = n_rows // _NS
    assert rpt * _NS == n_rows and rpt % 128 == 0
    assert zeros_c.shape[0] == rpt

    mesh = plsc.VectorSubcoreMesh(core_axis_name="c", subcore_axis_name="s")

    scratch = ([pltpu.VMEM((_CCHUNK,), jnp.int32)] * _R
               + [pltpu.VMEM((_CCHUNK,), jnp.float32)]
               + [pltpu.VMEM_SHARED((n_rows,), jnp.float32)]
               + [pltpu.SemaphoreType.DMA] * (2 * _R))

    @functools.partial(
        pl.kernel,
        out_type=[jax.ShapeDtypeStruct((n_rows,), jnp.float32),
                  jax.ShapeDtypeStruct((n_rows,), jnp.float32)],
        mesh=mesh,
        scratch_types=scratch,
    )
    def k(flat_hbm, z_hbm, ones_hbm, out0_hbm, out1_hbm, *refs):
        idxb = refs[0:_R]
        ones_v = refs[_R]
        acc = refs[_R + 1]
        sem_i = refs[_R + 2:2 * _R + 2]
        sem_s = refs[2 * _R + 2:3 * _R + 2]
        c = lax.axis_index("c")
        s = lax.axis_index("s")
        w = c * _NS + s
        eb = w * e_pt

        pltpu.sync_copy(z_hbm, acc.at[pl.ds(s * rpt, rpt)])
        pltpu.sync_copy(ones_hbm, ones_v)
        plsc.subcore_barrier()

        for g in (0, 1):
            pltpu.sync_copy(flat_hbm.at[pl.ds(eb + g * _CCHUNK, _CCHUNK)],
                            idxb[g])

        def group(t, r):
            sc = (r + 2) % _R

            @pl.when(t >= _D)
            def _():
                pltpu.make_async_copy(ones_v, acc.at[idxb[sc]],
                                      sem_s[sc]).wait()

            @pl.when(t + 2 < ngroups)
            def _():
                pltpu.async_copy(
                    flat_hbm.at[pl.ds(eb + (t + 2) * _CCHUNK, _CCHUNK)],
                    idxb[sc], sem_i[sc])

            @pl.when(t >= 2)
            def _():
                pltpu.make_async_copy(
                    flat_hbm.at[pl.ds(eb + t * _CCHUNK, _CCHUNK)],
                    idxb[r], sem_i[r]).wait()

            pltpu.async_copy(ones_v, acc.at[idxb[r]], sem_s[r], add=True)

        def body(t, carry):
            for r in range(_R):
                @pl.when(lax.rem(t, _R) == r)
                def _(r=r):
                    group(t, r)
            return carry

        lax.fori_loop(0, ngroups, body, 0)
        for t in range(ngroups - _D, ngroups):
            r = t % _R
            pltpu.make_async_copy(ones_v, acc.at[idxb[r]], sem_s[r]).wait()

        plsc.subcore_barrier()

        @pl.when(c == 0)
        def _():
            pltpu.sync_copy(acc.at[pl.ds(s * rpt, rpt)],
                            out0_hbm.at[pl.ds(s * rpt, rpt)])

        @pl.when(c == 1)
        def _():
            pltpu.sync_copy(acc.at[pl.ds(s * rpt, rpt)],
                            out1_hbm.at[pl.ds(s * rpt, rpt)])

    return k(flat, zeros_c, ones)


def _rel_matmul(c0, c1, rel):
    nn, nr = c0.shape
    blk = 1000
    assert nn % blk == 0

    def body(c0_ref, c1_ref, r_ref, o_ref):
        cm = c0_ref[...] + c1_ref[...]
        o_ref[...] = jnp.dot(cm, r_ref[...], preferred_element_type=jnp.float32)

    return pl.pallas_call(
        body,
        grid=(nn // blk,),
        in_specs=[pl.BlockSpec((blk, nr), lambda i: (i, 0)),
                  pl.BlockSpec((blk, nr), lambda i: (i, 0)),
                  pl.BlockSpec((nr, _RANK), lambda i: (0, 0))],
        out_specs=pl.BlockSpec((blk, _RANK), lambda i: (i, 0)),
        out_shape=jax.ShapeDtypeStruct((nn, _RANK), jnp.float32),
    )(c0, c1, rel)


def _fused_layer(pair, extra, w, norm):
    nn = extra.shape[0]
    blk = 1000
    assert nn % blk == 0

    def body(p0_ref, p1_ref, e_ref, w_ref, norm_ref, o_ref):
        x = p0_ref[0] + p1_ref[0] + e_ref[...]
        y = jnp.dot(x, w_ref[...], preferred_element_type=jnp.float32)
        y = y * norm_ref[...]
        o_ref[...] = jnp.where(y >= 0, y, y * _SLOPE)

    in_specs = [pl.BlockSpec((1, blk, _RANK), lambda i: (0, i, 0)),
                pl.BlockSpec((1, blk, _RANK), lambda i: (1, i, 0)),
                pl.BlockSpec((blk, _RANK), lambda i: (i, 0)),
                pl.BlockSpec((_RANK, _RANK), lambda i: (0, 0)),
                pl.BlockSpec((blk, 1), lambda i: (i, 0))]
    return pl.pallas_call(
        body,
        grid=(nn // blk,),
        in_specs=in_specs,
        out_specs=pl.BlockSpec((blk, _RANK), lambda i: (i, 0)),
        out_shape=jax.ShapeDtypeStruct((nn, _RANK), jnp.float32),
    )(pair, pair, extra, w, norm)


def kernel(ent_emb, rel_emb, norm, edge_index, edge_type, W0, W1):
    src = edge_index[0].astype(jnp.int32)
    dst = edge_index[1].astype(jnp.int32)
    et = edge_type.astype(jnp.int32)
    n_nodes = ent_emb.shape[0]
    nr = rel_emb.shape[0]
    n_rows = n_nodes * nr
    n_pad = -(-n_rows // (128 * _NS)) * (128 * _NS)
    if n_pad == n_rows:
        n_pad += 128 * _NS
    zeros = jnp.zeros((_ACC_ROWS // _NS, _RANK), jnp.float32)
    zeros_c = jnp.zeros((n_pad // _NS,), jnp.float32)
    ones = jnp.ones((_CCHUNK,), jnp.float32)

    flat = dst * nr + et
    ne = flat.shape[0]
    ec_raw = ne // _NW
    ec_pad = -(-ec_raw // _CCHUNK) * _CCHUNK
    cpadn = ec_pad - ec_raw
    if cpadn:
        pad_flat = jnp.broadcast_to(
            n_rows + jnp.arange(cpadn, dtype=jnp.int32) % (n_pad - n_rows),
            (_NW, cpadn))
        flat = jnp.concatenate(
            [flat.reshape(_NW, ec_raw), pad_flat], axis=1).reshape(-1)
    cpart = _count(flat, n_pad, zeros_c, ones)
    r_rel = _rel_matmul(cpart[0][:n_rows].reshape(n_nodes, nr),
                        cpart[1][:n_rows].reshape(n_nodes, nr), rel_emb)

    p = _scatter_sum(ent_emb, src, dst, zeros)
    h1 = _fused_layer(p, r_rel, W0, norm)

    q = _scatter_sum(h1, src, dst, zeros)
    h2 = _fused_layer(q, r_rel, W1, norm)
    return h2

# --- scband reference (transcript-rebuilt; emitter-appended) ---
"""Pipeline reference for scband-rgcncell-49624052138542 (READ-ONLY COPY).

The authoritative reference and input builder live on the scoring server;
editing this copy changes nothing except your own understanding.
"""

import jax, jax.numpy as jnp
import numpy as np

N_NODES = 10000
N_EDGES = 320000
N_RELS = 200
RANK = 128
RRELU_SLOPE = (1.0/8.0 + 1.0/3.0) / 2.0  # F.rrelu eval-mode negative slope


def setup_inputs(seed: int = 0) -> dict:
    key = jax.random.key(seed)
    k1, k2, k3, k4, k5, k6, k7 = jax.random.split(key, 7)
    ent_emb = jax.random.normal(k1, (N_NODES, RANK), dtype=jnp.float32)
    rel_emb = jax.random.normal(k2, (N_RELS, RANK), dtype=jnp.float32)
    norm = jax.random.uniform(k3, (N_NODES, 1), dtype=jnp.float32)
    edge_index = jax.random.randint(k4, (2, N_EDGES), 0, N_NODES, dtype=jnp.int64)
    edge_type = jax.random.randint(k5, (N_EDGES,), 0, N_RELS, dtype=jnp.int64)
    # Xavier-uniform-ish init for the two layers' weight_neighbor params
    lim = np.sqrt(6.0 / (RANK + RANK)) * np.sqrt(2.0)
    W0 = jax.random.uniform(k6, (RANK, RANK), dtype=jnp.float32, minval=-lim, maxval=lim)
    W1 = jax.random.uniform(k7, (RANK, RANK), dtype=jnp.float32, minval=-lim, maxval=lim)
    return {"ent_emb": ent_emb, "rel_emb": rel_emb, "norm": norm,
            "edge_index": edge_index, "edge_type": edge_type, "W0": W0, "W1": W1}


def reference(ent_emb, rel_emb, norm, edge_index, edge_type, W0, W1):
    # RGCNCell with num_layers=2, self_loop=False, dropout=0 (eval / identity)
    src = edge_index[0]
    dst = edge_index[1]
    h = ent_emb
    for W in (W0, W1):
        # msg_func: msg = (h[src] + rel_emb[edge_type]) @ weight_neighbor
        msg = (jnp.take(h, src, axis=0) + jnp.take(rel_emb, edge_type, axis=0)) @ W
        # fn.sum over incoming edges -> scatter-add by dst
        agg = jax.ops.segment_sum(msg, dst, num_segments=h.shape[0])
        # apply_func: h = h * norm
        h = agg * norm
        # activation = F.rrelu (eval): leaky relu with slope (lower+upper)/2
        h = jnp.where(h >= 0, h, h * RRELU_SLOPE)
        # dropout(p=0) is identity
    return h

if __name__ == "__main__":
    import jax
    _d = setup_inputs()
    print(jax.jit(kernel)(*tuple(_d.values())))

</pallas_src>

<mosaic_0001>
#map = affine_map<(d0, d1) -> (0)>
module attributes {stable_mosaic.version = 14 : i64} {
  func.func @k(%arg0: i32, %arg1: i32, %arg2: memref<323584xi32, #tpu.memory_space<hbm>>, %arg3: memref<125056xf32, #tpu.memory_space<hbm>>, %arg4: memref<128xf32, #tpu.memory_space<hbm>>, %arg5: memref<2000896xf32, #tpu.memory_space<hbm>>, %arg6: memref<2000896xf32, #tpu.memory_space<hbm>>, %arg7: memref<128xi32, #tpu.memory_space<vmem>>, %arg8: memref<128xi32, #tpu.memory_space<vmem>>, %arg9: memref<128xi32, #tpu.memory_space<vmem>>, %arg10: memref<128xi32, #tpu.memory_space<vmem>>, %arg11: memref<128xi32, #tpu.memory_space<vmem>>, %arg12: memref<128xi32, #tpu.memory_space<vmem>>, %arg13: memref<128xi32, #tpu.memory_space<vmem>>, %arg14: memref<128xf32, #tpu.memory_space<vmem>>, %arg15: memref<2000896xf32, #tpu.memory_space<vmem_shared>>, %arg16: memref<!tpu.dma_semaphore, #tpu.memory_space<semaphore_mem>>, %arg17: memref<!tpu.dma_semaphore, #tpu.memory_space<semaphore_mem>>, %arg18: memref<!tpu.dma_semaphore, #tpu.memory_space<semaphore_mem>>, %arg19: memref<!tpu.dma_semaphore, #tpu.memory_space<semaphore_mem>>, %arg20: memref<!tpu.dma_semaphore, #tpu.memory_space<semaphore_mem>>, %arg21: memref<!tpu.dma_semaphore, #tpu.memory_space<semaphore_mem>>, %arg22: memref<!tpu.dma_semaphore, #tpu.memory_space<semaphore_mem>>, %arg23: memref<!tpu.dma_semaphore, #tpu.memory_space<semaphore_mem>>, %arg24: memref<!tpu.dma_semaphore, #tpu.memory_space<semaphore_mem>>, %arg25: memref<!tpu.dma_semaphore, #tpu.memory_space<semaphore_mem>>, %arg26: memref<!tpu.dma_semaphore, #tpu.memory_space<semaphore_mem>>, %arg27: memref<!tpu.dma_semaphore, #tpu.memory_space<semaphore_mem>>, %arg28: memref<!tpu.dma_semaphore, #tpu.memory_space<semaphore_mem>>, %arg29: memref<!tpu.dma_semaphore, #tpu.memory_space<semaphore_mem>>) attributes {dimension_semantics = [#tpu.dimension_semantics<core_parallel>, #tpu.dimension_semantics<subcore_parallel>], iteration_bounds = array<i64: 2, 16>, scalar_prefetch = 0 : i64, scratch_operands = 23 : i64, tpu.core_type = #tpu.core_type<sc_vector_subcore>, window_params = [{transform_indices = #map}, {transform_indices = #map}, {transform_indices = #map}, {transform_indices = #map}, {transform_indices = #map}]} {
    %mul3A = arith.constant 16 : i32
    %mul3A_0 = arith.muli %arg0, %mul3A : i32
    %add3A = arith.addi %mul3A_0, %arg1 : i32
    %mul3A_1 = arith.constant 10112 : i32
    %mul3A_2 = arith.muli %add3A, %mul3A_1 : i32
    %mul3A_3 = arith.constant 125056 : i32
    %mul3A_4 = arith.muli %arg1, %mul3A_3 : i32
    "tpu.region"() ({
      %run_scoped3A = tpu.sem_alloc : memref<!tpu.dma_semaphore, #tpu.memory_space<semaphore_mem>>
      %dma_start3A = tpu.memref_slice %arg15[%mul3A_4] : memref<2000896xf32, #tpu.memory_space<vmem_shared>> -> memref<125056xf32, #tpu.memory_space<vmem_shared>>
      tpu.enqueue_dma source(%arg3 : memref<125056xf32, #tpu.memory_space<hbm>>) target(%dma_start3A : memref<125056xf32, #tpu.memory_space<vmem_shared>>) target_semaphore(%run_scoped3A : memref<!tpu.dma_semaphore, #tpu.memory_space<semaphore_mem>>)
      %dma_wait3A_31 = tpu.memref_slice %arg15[%mul3A_4] : memref<2000896xf32, #tpu.memory_space<vmem_shared>> -> memref<125056xf32, #tpu.memory_space<vmem_shared>>
      tpu.wait_dma2 semaphore(%run_scoped3A : memref<!tpu.dma_semaphore, #tpu.memory_space<semaphore_mem>>) src(%arg3 : memref<125056xf32, #tpu.memory_space<hbm>>) dst(%dma_wait3A_31 : memref<125056xf32, #tpu.memory_space<vmem_shared>>)
      tpu.yield
    }) : () -> ()
    "tpu.region"() ({
      %run_scoped3A = tpu.sem_alloc : memref<!tpu.dma_semaphore, #tpu.memory_space<semaphore_mem>>
      tpu.enqueue_dma source(%arg4 : memref<128xf32, #tpu.memory_space<hbm>>) target(%arg14 : memref<128xf32, #tpu.memory_space<vmem>>) target_semaphore(%run_scoped3A : memref<!tpu.dma_semaphore, #tpu.memory_space<semaphore_mem>>)
      tpu.wait_dma2 semaphore(%run_scoped3A : memref<!tpu.dma_semaphore, #tpu.memory_space<semaphore_mem>>) src(%arg4 : memref<128xf32, #tpu.memory_space<hbm>>) dst(%arg14 : memref<128xf32, #tpu.memory_space<vmem>>)
      tpu.yield
    }) : () -> ()
    %barrier3A = arith.constant 0 : index
    tpu.barrier barrier_id(%barrier3A)
    %add3A_5 = arith.constant 0 : i32
    %add3A_6 = arith.addi %mul3A_2, %add3A_5 : i32
    "tpu.region"() ({
      %run_scoped3A = tpu.sem_alloc : memref<!tpu.dma_semaphore, #tpu.memory_space<semaphore_mem>>
      %dma_start3A = tpu.memref_slice %arg2[%add3A_6] : memref<323584xi32, #tpu.memory_space<hbm>> -> memref<128xi32, #tpu.memory_space<hbm>>
      %dma_start3A_31 = tpu.memref_slice %arg2[%add3A_6] : memref<323584xi32, #tpu.memory_space<hbm>> -> memref<128xi32, #tpu.memory_space<hbm>>
      tpu.enqueue_dma source(%dma_start3A_31 : memref<128xi32, #tpu.memory_space<hbm>>) target(%arg7 : memref<128xi32, #tpu.memory_space<vmem>>) target_semaphore(%run_scoped3A : memref<!tpu.dma_semaphore, #tpu.memory_space<semaphore_mem>>)
      %dma_wait3A_32 = tpu.memref_slice %arg2[%add3A_6] : memref<323584xi32, #tpu.memory_space<hbm>> -> memref<128xi32, #tpu.memory_space<hbm>>
      %dma_wait3A_33 = tpu.memref_slice %arg2[%add3A_6] : memref<323584xi32, #tpu.memory_space<hbm>> -> memref<128xi32, #tpu.memory_space<hbm>>
      tpu.wait_dma2 semaphore(%run_scoped3A : memref<!tpu.dma_semaphore, #tpu.memory_space<semaphore_mem>>) src(%dma_wait3A_33 : memref<128xi32, #tpu.memory_space<hbm>>) dst(%arg7 : memref<128xi32, #tpu.memory_space<vmem>>)
      tpu.yield
    }) : () -> ()
    %add3A_7 = arith.constant 128 : i32
    %add3A_8 = arith.addi %mul3A_2, %add3A_7 : i32
    "tpu.region"() ({
      %run_scoped3A = tpu.sem_alloc : memref<!tpu.dma_semaphore, #tpu.memory_space<semaphore_mem>>
      %dma_start3A = tpu.memref_slice %arg2[%add3A_8] : memref<323584xi32, #tpu.memory_space<hbm>> -> memref<128xi32, #tpu.memory_space<hbm>>
      %dma_start3A_31 = tpu.memref_slice %arg2[%add3A_8] : memref<323584xi32, #tpu.memory_space<hbm>> -> memref<128xi32, #tpu.memory_space<hbm>>
      tpu.enqueue_dma source(%dma_start3A_31 : memref<128xi32, #tpu.memory_space<hbm>>) target(%arg8 : memref<128xi32, #tpu.memory_space<vmem>>) target_semaphore(%run_scoped3A : memref<!tpu.dma_semaphore, #tpu.memory_space<semaphore_mem>>)
      %dma_wait3A_32 = tpu.memref_slice %arg2[%add3A_8] : memref<323584xi32, #tpu.memory_space<hbm>> -> memref<128xi32, #tpu.memory_space<hbm>>
      %dma_wait3A_33 = tpu.memref_slice %arg2[%add3A_8] : memref<323584xi32, #tpu.memory_space<hbm>> -> memref<128xi32, #tpu.memory_space<hbm>>
      tpu.wait_dma2 semaphore(%run_scoped3A : memref<!tpu.dma_semaphore, #tpu.memory_space<semaphore_mem>>) src(%dma_wait3A_33 : memref<128xi32, #tpu.memory_space<hbm>>) dst(%arg8 : memref<128xi32, #tpu.memory_space<vmem>>)
      tpu.yield
    }) : () -> ()
    %scan3A = arith.constant 0 : i32
    %scan3A_9 = arith.constant 0 : i32
    %scan3A_10 = arith.constant 79 : i32
    %scan3A_11 = arith.addi %scan3A_9, %scan3A_10 : i32
    %scan3A_12 = arith.constant 1 : i32
    scf.for %scan3A_31 = %scan3A_9 to %scan3A_11 step %scan3A_12  : i32 {
      %rem3A = arith.constant 7 : i32
      %rem3A_32 = arith.remsi %scan3A_31, %rem3A : i32
      %eq3A_33 = arith.constant 0 : i32
      %eq3A_34 = arith.cmpi eq, %rem3A_32, %eq3A_33 : i32
      %convert_element_type3A_35 = arith.extui %eq3A_34 : i1 to i32
      %cond3A_36 = arith.constant 0 : i32
      %cond3A_37 = arith.cmpi ne, %convert_element_type3A_35, %cond3A_36 : i32
      scf.if %cond3A_37 {
        %ge3A = arith.constant 5 : i32
        %ge3A_80 = arith.cmpi sge, %scan3A_31, %ge3A : i32
        %convert_element_type3A_81 = arith.extui %ge3A_80 : i1 to i32
        %cond3A_82 = arith.constant 0 : i32
        %cond3A_83 = arith.cmpi ne, %convert_element_type3A_81, %cond3A_82 : i32
        scf.if %cond3A_83 {
          %dma_wait3A_96 = arith.constant 0 : i32
          %dma_wait3A_97 = tpu.memref_slice %arg15[%dma_wait3A_96] : memref<2000896xf32, #tpu.memory_space<vmem_shared>> -> memref<2000896xf32, #tpu.memory_space<vmem_shared>>
          tpu.wait_indirect_dma semaphore(%arg25 : memref<!tpu.dma_semaphore, #tpu.memory_space<semaphore_mem>>) src(%arg14 : memref<128xf32, #tpu.memory_space<vmem>>) dst(%dma_wait3A_97 : memref<2000896xf32, #tpu.memory_space<vmem_shared>>)
        } else {
        }
        %add3A_84 = arith.constant 2 : i32
        %add3A_85 = arith.addi %scan3A_31, %add3A_84 : i32
        %lt3A = arith.constant 79 : i32
        %lt3A_86 = arith.cmpi slt, %add3A_85, %lt3A : i32
        %convert_element_type3A_87 = arith.extui %lt3A_86 : i1 to i32
        %cond3A_88 = arith.constant 0 : i32
        %cond3A_89 = arith.cmpi ne, %convert_element_type3A_87, %cond3A_88 : i32
        scf.if %cond3A_89 {
          %add3A_96 = arith.constant 2 : i32
          %add3A_97 = arith.addi %scan3A_31, %add3A_96 : i32
          %mul3A_98 = arith.constant 128 : i32
          %mul3A_99 = arith.muli %add3A_97, %mul3A_98 : i32
          %add3A_100 = arith.addi %mul3A_2, %mul3A_99 : i32
          %dma_start3A_101 = tpu.memref_slice %arg2[%add3A_100] : memref<323584xi32, #tpu.memory_space<hbm>> -> memref<128xi32, #tpu.memory_space<hbm>>
          %dma_start3A_102 = tpu.memref_slice %arg2[%add3A_100] : memref<323584xi32, #tpu.memory_space<hbm>> -> memref<128xi32, #tpu.memory_space<hbm>>
          tpu.enqueue_dma source(%dma_start3A_102 : memref<128xi32, #tpu.memory_space<hbm>>) target(%arg9 : memref<128xi32, #tpu.memory_space<vmem>>) target_semaphore(%arg18 : memref<!tpu.dma_semaphore, #tpu.memory_space<semaphore_mem>>)
        } else {
        }
        %ge3A_90 = arith.constant 2 : i32
        %ge3A_91 = arith.cmpi sge, %scan3A_31, %ge3A_90 : i32
        %convert_element_type3A_92 = arith.extui %ge3A_91 : i1 to i32
        %cond3A_93 = arith.constant 0 : i32
        %cond3A_94 = arith.cmpi ne, %convert_element_type3A_92, %cond3A_93 : i32
        scf.if %cond3A_94 {
          %mul3A_96 = arith.constant 128 : i32
          %mul3A_97 = arith.muli %scan3A_31, %mul3A_96 : i32
          %add3A_98 = arith.addi %mul3A_2, %mul3A_97 : i32
          %dma_wait3A_99 = tpu.memref_slice %arg2[%add3A_98] : memref<323584xi32, #tpu.memory_space<hbm>> -> memref<128xi32, #tpu.memory_space<hbm>>
          %dma_wait3A_100 = tpu.memref_slice %arg2[%add3A_98] : memref<323584xi32, #tpu.memory_space<hbm>> -> memref<128xi32, #tpu.memory_space<hbm>>
          tpu.wait_dma2 semaphore(%arg16 : memref<!tpu.dma_semaphore, #tpu.memory_space<semaphore_mem>>) src(%dma_wait3A_100 : memref<128xi32, #tpu.memory_space<hbm>>) dst(%arg7 : memref<128xi32, #tpu.memory_space<vmem>>)
        } else {
        }
        %dma_start3A = arith.constant 0 : i32
        %dma_start3A_95 = tpu.memref_slice %arg15[%dma_start3A] : memref<2000896xf32, #tpu.memory_space<vmem_shared>> -> memref<2000896xf32, #tpu.memory_space<vmem_shared>>
        tpu.enqueue_indirect_dma source(%arg14 : memref<128xf32, #tpu.memory_space<vmem>>) target(%dma_start3A_95 : memref<2000896xf32, #tpu.memory_space<vmem_shared>>) offsets(%arg7 : memref<128xi32, #tpu.memory_space<vmem>>) semaphore(%arg23 : memref<!tpu.dma_semaphore, #tpu.memory_space<semaphore_mem>>) {add = true}
      } else {
      }
      %rem3A_38 = arith.constant 7 : i32
      %rem3A_39 = arith.remsi %scan3A_31, %rem3A_38 : i32
      %eq3A_40 = arith.constant 1 : i32
      %eq3A_41 = arith.cmpi eq, %rem3A_39, %eq3A_40 : i32
      %convert_element_type3A_42 = arith.extui %eq3A_41 : i1 to i32
      %cond3A_43 = arith.constant 0 : i32
      %cond3A_44 = arith.cmpi ne, %convert_element_type3A_42, %cond3A_43 : i32
      scf.if %cond3A_44 {
        %ge3A = arith.constant 5 : i32
        %ge3A_80 = arith.cmpi sge, %scan3A_31, %ge3A : i32
        %convert_element_type3A_81 = arith.extui %ge3A_80 : i1 to i32
        %cond3A_82 = arith.constant 0 : i32
        %cond3A_83 = arith.cmpi ne, %convert_element_type3A_81, %cond3A_82 : i32
        scf.if %cond3A_83 {
          %dma_wait3A_96 = arith.constant 0 : i32
          %dma_wait3A_97 = tpu.memref_slice %arg15[%dma_wait3A_96] : memref<2000896xf32, #tpu.memory_space<vmem_shared>> -> memref<2000896xf32, #tpu.memory_space<vmem_shared>>
          tpu.wait_indirect_dma semaphore(%arg26 : memref<!tpu.dma_semaphore, #tpu.memory_space<semaphore_mem>>) src(%arg14 : memref<128xf32, #tpu.memory_space<vmem>>) dst(%dma_wait3A_97 : memref<2000896xf32, #tpu.memory_space<vmem_shared>>)
        } else {
        }
        %add3A_84 = arith.constant 2 : i32
        %add3A_85 = arith.addi %scan3A_31, %add3A_84 : i32
        %lt3A = arith.constant 79 : i32
        %lt3A_86 = arith.cmpi slt, %add3A_85, %lt3A : i32
        %convert_element_type3A_87 = arith.extui %lt3A_86 : i1 to i32
        %cond3A_88 = arith.constant 0 : i32
        %cond3A_89 = arith.cmpi ne, %convert_element_type3A_87, %cond3A_88 : i32
        scf.if %cond3A_89 {
          %add3A_96 = arith.constant 2 : i32
          %add3A_97 = arith.addi %scan3A_31, %add3A_96 : i32
          %mul3A_98 = arith.constant 128 : i32
          %mul3A_99 = arith.muli %add3A_97, %mul3A_98 : i32
          %add3A_100 = arith.addi %mul3A_2, %mul3A_99 : i32
          %dma_start3A_101 = tpu.memref_slice %arg2[%add3A_100] : memref<323584xi32, #tpu.memory_space<hbm>> -> memref<128xi32, #tpu.memory_space<hbm>>
          %dma_start3A_102 = tpu.memref_slice %arg2[%add3A_100] : memref<323584xi32, #tpu.memory_space<hbm>> -> memref<128xi32, #tpu.memory_space<hbm>>
          tpu.enqueue_dma source(%dma_start3A_102 : memref<128xi32, #tpu.memory_space<hbm>>) target(%arg10 : memref<128xi32, #tpu.memory_space<vmem>>) target_semaphore(%arg19 : memref<!tpu.dma_semaphore, #tpu.memory_space<semaphore_mem>>)
        } else {
        }
        %ge3A_90 = arith.constant 2 : i32
        %ge3A_91 = arith.cmpi sge, %scan3A_31, %ge3A_90 : i32
        %convert_element_type3A_92 = arith.extui %ge3A_91 : i1 to i32
        %cond3A_93 = arith.constant 0 : i32
        %cond3A_94 = arith.cmpi ne, %convert_element_type3A_92, %cond3A_93 : i32
        scf.if %cond3A_94 {
          %mul3A_96 = arith.constant 128 : i32
          %mul3A_97 = arith.muli %scan3A_31, %mul3A_96 : i32
          %add3A_98 = arith.addi %mul3A_2, %mul3A_97 : i32
          %dma_wait3A_99 = tpu.memref_slice %arg2[%add3A_98] : memref<323584xi32, #tpu.memory_space<hbm>> -> memref<128xi32, #tpu.memory_space<hbm>>
          %dma_wait3A_100 = tpu.memref_slice %arg2[%add3A_98] : memref<323584xi32, #tpu.memory_space<hbm>> -> memref<128xi32, #tpu.memory_space<hbm>>
          tpu.wait_dma2 semaphore(%arg17 : memref<!tpu.dma_semaphore, #tpu.memory_space<semaphore_mem>>) src(%dma_wait3A_100 : memref<128xi32, #tpu.memory_space<hbm>>) dst(%arg8 : memref<128xi32, #tpu.memory_space<vmem>>)
        } else {
        }
        %dma_start3A = arith.constant 0 : i32
        %dma_start3A_95 = tpu.memref_slice %arg15[%dma_start3A] : memref<2000896xf32, #tpu.memory_space<vmem_shared>> -> memref<2000896xf32, #tpu.memory_space<vmem_shared>>
        tpu.enqueue_indirect_dma source(%arg14 : memref<128xf32, #tpu.memory_space<vmem>>) target(%dma_start3A_95 : memref<2000896xf32, #tpu.memory_space<vmem_shared>>) offsets(%arg8 : memref<128xi32, #tpu.memory_space<vmem>>) semaphore(%arg24 : memref<!tpu.dma_semaphore, #tpu.memory_space<semaphore_mem>>) {add = true}
      } else {
      }
      %rem3A_45 = arith.constant 7 : i32
      %rem3A_46 = arith.remsi %scan3A_31, %rem3A_45 : i32
      %eq3A_47 = arith.constant 2 : i32
      %eq3A_48 = arith.cmpi eq, %rem3A_46, %eq3A_47 : i32
      %convert_element_type3A_49 = arith.extui %eq3A_48 : i1 to i32
      %cond3A_50 = arith.constant 0 : i32
      %cond3A_51 = arith.cmpi ne, %convert_element_type3A_49, %cond3A_50 : i32
      scf.if %cond3A_51 {
        %ge3A = arith.constant 5 : i32
        %ge3A_80 = arith.cmpi sge, %scan3A_31, %ge3A : i32
        %convert_element_type3A_81 = arith.extui %ge3A_80 : i1 to i32
        %cond3A_82 = arith.constant 0 : i32
        %cond3A_83 = arith.cmpi ne, %convert_element_type3A_81, %cond3A_82 : i32
        scf.if %cond3A_83 {
          %dma_wait3A_96 = arith.constant 0 : i32
          %dma_wait3A_97 = tpu.memref_slice %arg15[%dma_wait3A_96] : memref<2000896xf32, #tpu.memory_space<vmem_shared>> -> memref<2000896xf32, #tpu.memory_space<vmem_shared>>
          tpu.wait_indirect_dma semaphore(%arg27 : memref<!tpu.dma_semaphore, #tpu.memory_space<semaphore_mem>>) src(%arg14 : memref<128xf32, #tpu.memory_space<vmem>>) dst(%dma_wait3A_97 : memref<2000896xf32, #tpu.memory_space<vmem_shared>>)
        } else {
        }
        %add3A_84 = arith.constant 2 : i32
        %add3A_85 = arith.addi %scan3A_31, %add3A_84 : i32
        %lt3A = arith.constant 79 : i32
        %lt3A_86 = arith.cmpi slt, %add3A_85, %lt3A : i32
        %convert_element_type3A_87 = arith.extui %lt3A_86 : i1 to i32
        %cond3A_88 = arith.constant 0 : i32
        %cond3A_89 = arith.cmpi ne, %convert_element_type3A_87, %cond3A_88 : i32
        scf.if %cond3A_89 {
          %add3A_96 = arith.constant 2 : i32
          %add3A_97 = arith.addi %scan3A_31, %add3A_96 : i32
          %mul3A_98 = arith.constant 128 : i32
          %mul3A_99 = arith.muli %add3A_97, %mul3A_98 : i32
          %add3A_100 = arith.addi %mul3A_2, %mul3A_99 : i32
          %dma_start3A_101 = tpu.memref_slice %arg2[%add3A_100] : memref<323584xi32, #tpu.memory_space<hbm>> -> memref<128xi32, #tpu.memory_space<hbm>>
          %dma_start3A_102 = tpu.memref_slice %arg2[%add3A_100] : memref<323584xi32, #tpu.memory_space<hbm>> -> memref<128xi32, #tpu.memory_space<hbm>>
          tpu.enqueue_dma source(%dma_start3A_102 : memref<128xi32, #tpu.memory_space<hbm>>) target(%arg11 : memref<128xi32, #tpu.memory_space<vmem>>) target_semaphore(%arg20 : memref<!tpu.dma_semaphore, #tpu.memory_space<semaphore_mem>>)
        } else {
        }
        %ge3A_90 = arith.constant 2 : i32
        %ge3A_91 = arith.cmpi sge, %scan3A_31, %ge3A_90 : i32
        %convert_element_type3A_92 = arith.extui %ge3A_91 : i1 to i32
        %cond3A_93 = arith.constant 0 : i32
        %cond3A_94 = arith.cmpi ne, %convert_element_type3A_92, %cond3A_93 : i32
        scf.if %cond3A_94 {
          %mul3A_96 = arith.constant 128 : i32
          %mul3A_97 = arith.muli %scan3A_31, %mul3A_96 : i32
          %add3A_98 = arith.addi %mul3A_2, %mul3A_97 : i32
          %dma_wait3A_99 = tpu.memref_slice %arg2[%add3A_98] : memref<323584xi32, #tpu.memory_space<hbm>> -> memref<128xi32, #tpu.memory_space<hbm>>
          %dma_wait3A_100 = tpu.memref_slice %arg2[%add3A_98] : memref<323584xi32, #tpu.memory_space<hbm>> -> memref<128xi32, #tpu.memory_space<hbm>>
          tpu.wait_dma2 semaphore(%arg18 : memref<!tpu.dma_semaphore, #tpu.memory_space<semaphore_mem>>) src(%dma_wait3A_100 : memref<128xi32, #tpu.memory_space<hbm>>) dst(%arg9 : memref<128xi32, #tpu.memory_space<vmem>>)
        } else {
        }
        %dma_start3A = arith.constant 0 : i32
        %dma_start3A_95 = tpu.memref_slice %arg15[%dma_start3A] : memref<2000896xf32, #tpu.memory_space<vmem_shared>> -> memref<2000896xf32, #tpu.memory_space<vmem_shared>>
        tpu.enqueue_indirect_dma source(%arg14 : memref<128xf32, #tpu.memory_space<vmem>>) target(%dma_start3A_95 : memref<2000896xf32, #tpu.memory_space<vmem_shared>>) offsets(%arg9 : memref<128xi32, #tpu.memory_space<vmem>>) semaphore(%arg25 : memref<!tpu.dma_semaphore, #tpu.memory_space<semaphore_mem>>) {add = true}
      } else {
      }
      %rem3A_52 = arith.constant 7 : i32
      %rem3A_53 = arith.remsi %scan3A_31, %rem3A_52 : i32
      %eq3A_54 = arith.constant 3 : i32
      %eq3A_55 = arith.cmpi eq, %rem3A_53, %eq3A_54 : i32
      %convert_element_type3A_56 = arith.extui %eq3A_55 : i1 to i32
      %cond3A_57 = arith.constant 0 : i32
      %cond3A_58 = arith.cmpi ne, %convert_element_type3A_56, %cond3A_57 : i32
      scf.if %cond3A_58 {
        %ge3A = arith.constant 5 : i32
        %ge3A_80 = arith.cmpi sge, %scan3A_31, %ge3A : i32
        %convert_element_type3A_81 = arith.extui %ge3A_80 : i1 to i32
        %cond3A_82 = arith.constant 0 : i32
        %cond3A_83 = arith.cmpi ne, %convert_element_type3A_81, %cond3A_82 : i32
        scf.if %cond3A_83 {
          %dma_wait3A_96 = arith.constant 0 : i32
          %dma_wait3A_97 = tpu.memref_slice %arg15[%dma_wait3A_96] : memref<2000896xf32, #tpu.memory_space<vmem_shared>> -> memref<2000896xf32, #tpu.memory_space<vmem_shared>>
          tpu.wait_indirect_dma semaphore(%arg28 : memref<!tpu.dma_semaphore, #tpu.memory_space<semaphore_mem>>) src(%arg14 : memref<128xf32, #tpu.memory_space<vmem>>) dst(%dma_wait3A_97 : memref<2000896xf32, #tpu.memory_space<vmem_shared>>)
        } else {
        }
        %add3A_84 = arith.constant 2 : i32
        %add3A_85 = arith.addi %scan3A_31, %add3A_84 : i32
        %lt3A = arith.constant 79 : i32
        %lt3A_86 = arith.cmpi slt, %add3A_85, %lt3A : i32
        %convert_element_type3A_87 = arith.extui %lt3A_86 : i1 to i32
        %cond3A_88 = arith.constant 0 : i32
        %cond3A_89 = arith.cmpi ne, %convert_element_type3A_87, %cond3A_88 : i32
        scf.if %cond3A_89 {
          %add3A_96 = arith.constant 2 : i32
          %add3A_97 = arith.addi %scan3A_31, %add3A_96 : i32
          %mul3A_98 = arith.constant 128 : i32
          %mul3A_99 = arith.muli %add3A_97, %mul3A_98 : i32
          %add3A_100 = arith.addi %mul3A_2, %mul3A_99 : i32
          %dma_start3A_101 = tpu.memref_slice %arg2[%add3A_100] : memref<323584xi32, #tpu.memory_space<hbm>> -> memref<128xi32, #tpu.memory_space<hbm>>
          %dma_start3A_102 = tpu.memref_slice %arg2[%add3A_100] : memref<323584xi32, #tpu.memory_space<hbm>> -> memref<128xi32, #tpu.memory_space<hbm>>
          tpu.enqueue_dma source(%dma_start3A_102 : memref<128xi32, #tpu.memory_space<hbm>>) target(%arg12 : memref<128xi32, #tpu.memory_space<vmem>>) target_semaphore(%arg21 : memref<!tpu.dma_semaphore, #tpu.memory_space<semaphore_mem>>)
        } else {
        }
        %ge3A_90 = arith.constant 2 : i32
        %ge3A_91 = arith.cmpi sge, %scan3A_31, %ge3A_90 : i32
        %convert_element_type3A_92 = arith.extui %ge3A_91 : i1 to i32
        %cond3A_93 = arith.constant 0 : i32
        %cond3A_94 = arith.cmpi ne, %convert_element_type3A_92, %cond3A_93 : i32
        scf.if %cond3A_94 {
          %mul3A_96 = arith.constant 128 : i32
          %mul3A_97 = arith.muli %scan3A_31, %mul3A_96 : i32
          %add3A_98 = arith.addi %mul3A_2, %mul3A_97 : i32
          %dma_wait3A_99 = tpu.memref_slice %arg2[%add3A_98] : memref<323584xi32, #tpu.memory_space<hbm>> -> memref<128xi32, #tpu.memory_space<hbm>>
          %dma_wait3A_100 = tpu.memref_slice %arg2[%add3A_98] : memref<323584xi32, #tpu.memory_space<hbm>> -> memref<128xi32, #tpu.memory_space<hbm>>
          tpu.wait_dma2 semaphore(%arg19 : memref<!tpu.dma_semaphore, #tpu.memory_space<semaphore_mem>>) src(%dma_wait3A_100 : memref<128xi32, #tpu.memory_space<hbm>>) dst(%arg10 : memref<128xi32, #tpu.memory_space<vmem>>)
        } else {
        }
        %dma_start3A = arith.constant 0 : i32
        %dma_start3A_95 = tpu.memref_slice %arg15[%dma_start3A] : memref<2000896xf32, #tpu.memory_space<vmem_shared>> -> memref<2000896xf32, #tpu.memory_space<vmem_shared>>
        tpu.enqueue_indirect_dma source(%arg14 : memref<128xf32, #tpu.memory_space<vmem>>) target(%dma_start3A_95 : memref<2000896xf32, #tpu.memory_space<vmem_shared>>) offsets(%arg10 : memref<128xi32, #tpu.memory_space<vmem>>) semaphore(%arg26 : memref<!tpu.dma_semaphore, #tpu.memory_space<semaphore_mem>>) {add = true}
      } else {
      }
      %rem3A_59 = arith.constant 7 : i32
      %rem3A_60 = arith.remsi %scan3A_31, %rem3A_59 : i32
      %eq3A_61 = arith.constant 4 : i32
      %eq3A_62 = arith.cmpi eq, %rem3A_60, %eq3A_61 : i32
      %convert_element_type3A_63 = arith.extui %eq3A_62 : i1 to i32
      %cond3A_64 = arith.constant 0 : i32
      %cond3A_65 = arith.cmpi ne, %convert_element_type3A_63, %cond3A_64 : i32
      scf.if %cond3A_65 {
        %ge3A = arith.constant 5 : i32
        %ge3A_80 = arith.cmpi sge, %scan3A_31, %ge3A : i32
        %convert_element_type3A_81 = arith.extui %ge3A_80 : i1 to i32
        %cond3A_82 = arith.constant 0 : i32
        %cond3A_83 = arith.cmpi ne, %convert_element_type3A_81, %cond3A_82 : i32
        scf.if %cond3A_83 {
          %dma_wait3A_96 = arith.constant 0 : i32
          %dma_wait3A_97 = tpu.memref_slice %arg15[%dma_wait3A_96] : memref<2000896xf32, #tpu.memory_space<vmem_shared>> -> memref<2000896xf32, #tpu.memory_space<vmem_shared>>
          tpu.wait_indirect_dma semaphore(%arg29 : memref<!tpu.dma_semaphore, #tpu.memory_space<semaphore_mem>>) src(%arg14 : memref<128xf32, #tpu.memory_space<vmem>>) dst(%dma_wait3A_97 : memref<2000896xf32, #tpu.memory_space<vmem_shared>>)
        } else {
        }
        %add3A_84 = arith.constant 2 : i32
        %add3A_85 = arith.addi %scan3A_31, %add3A_84 : i32
        %lt3A = arith.constant 79 : i32
        %lt3A_86 = arith.cmpi slt, %add3A_85, %lt3A : i32
        %convert_element_type3A_87 = arith.extui %lt3A_86 : i1 to i32
        %cond3A_88 = arith.constant 0 : i32
        %cond3A_89 = arith.cmpi ne, %convert_element_type3A_87, %cond3A_88 : i32
        scf.if %cond3A_89 {
          %add3A_96 = arith.constant 2 : i32
          %add3A_97 = arith.addi %scan3A_31, %add3A_96 : i32
          %mul3A_98 = arith.constant 128 : i32
          %mul3A_99 = arith.muli %add3A_97, %mul3A_98 : i32
          %add3A_100 = arith.addi %mul3A_2, %mul3A_99 : i32
          %dma_start3A_101 = tpu.memref_slice %arg2[%add3A_100] : memref<323584xi32, #tpu.memory_space<hbm>> -> memref<128xi32, #tpu.memory_space<hbm>>
          %dma_start3A_102 = tpu.memref_slice %arg2[%add3A_100] : memref<323584xi32, #tpu.memory_space<hbm>> -> memref<128xi32, #tpu.memory_space<hbm>>
          tpu.enqueue_dma source(%dma_start3A_102 : memref<128xi32, #tpu.memory_space<hbm>>) target(%arg13 : memref<128xi32, #tpu.memory_space<vmem>>) target_semaphore(%arg22 : memref<!tpu.dma_semaphore, #tpu.memory_space<semaphore_mem>>)
        } else {
        }
        %ge3A_90 = arith.constant 2 : i32
        %ge3A_91 = arith.cmpi sge, %scan3A_31, %ge3A_90 : i32
        %convert_element_type3A_92 = arith.extui %ge3A_91 : i1 to i32
        %cond3A_93 = arith.constant 0 : i32
        %cond3A_94 = arith.cmpi ne, %convert_element_type3A_92, %cond3A_93 : i32
        scf.if %cond3A_94 {
          %mul3A_96 = arith.constant 128 : i32
          %mul3A_97 = arith.muli %scan3A_31, %mul3A_96 : i32
          %add3A_98 = arith.addi %mul3A_2, %mul3A_97 : i32
          %dma_wait3A_99 = tpu.memref_slice %arg2[%add3A_98] : memref<323584xi32, #tpu.memory_space<hbm>> -> memref<128xi32, #tpu.memory_space<hbm>>
          %dma_wait3A_100 = tpu.memref_slice %arg2[%add3A_98] : memref<323584xi32, #tpu.memory_space<hbm>> -> memref<128xi32, #tpu.memory_space<hbm>>
          tpu.wait_dma2 semaphore(%arg20 : memref<!tpu.dma_semaphore, #tpu.memory_space<semaphore_mem>>) src(%dma_wait3A_100 : memref<128xi32, #tpu.memory_space<hbm>>) dst(%arg11 : memref<128xi32, #tpu.memory_space<vmem>>)
        } else {
        }
        %dma_start3A = arith.constant 0 : i32
        %dma_start3A_95 = tpu.memref_slice %arg15[%dma_start3A] : memref<2000896xf32, #tpu.memory_space<vmem_shared>> -> memref<2000896xf32, #tpu.memory_space<vmem_shared>>
        tpu.enqueue_indirect_dma source(%arg14 : memref<128xf32, #tpu.memory_space<vmem>>) target(%dma_start3A_95 : memref<2000896xf32, #tpu.memory_space<vmem_shared>>) offsets(%arg11 : memref<128xi32, #tpu.memory_space<vmem>>) semaphore(%arg27 : memref<!tpu.dma_semaphore, #tpu.memory_space<semaphore_mem>>) {add = true}
      } else {
      }
      %rem3A_66 = arith.constant 7 : i32
      %rem3A_67 = arith.remsi %scan3A_31, %rem3A_66 : i32
      %eq3A_68 = arith.constant 5 : i32
      %eq3A_69 = arith.cmpi eq, %rem3A_67, %eq3A_68 : i32
      %convert_element_type3A_70 = arith.extui %eq3A_69 : i1 to i32
      %cond3A_71 = arith.constant 0 : i32
      %cond3A_72 = arith.cmpi ne, %convert_element_type3A_70, %cond3A_71 : i32
      scf.if %cond3A_72 {
        %ge3A = arith.constant 5 : i32
        %ge3A_80 = arith.cmpi sge, %scan3A_31, %ge3A : i32
        %convert_element_type3A_81 = arith.extui %ge3A_80 : i1 to i32
        %cond3A_82 = arith.constant 0 : i32
        %cond3A_83 = arith.cmpi ne, %convert_element_type3A_81, %cond3A_82 : i32
        scf.if %cond3A_83 {
          %dma_wait3A_96 = arith.constant 0 : i32
          %dma_wait3A_97 = tpu.memref_slice %arg15[%dma_wait3A_96] : memref<2000896xf32, #tpu.memory_space<vmem_shared>> -> memref<2000896xf32, #tpu.memory_space<vmem_shared>>
          tpu.wait_indirect_dma semaphore(%arg23 : memref<!tpu.dma_semaphore, #tpu.memory_space<semaphore_mem>>) src(%arg14 : memref<128xf32, #tpu.memory_space<vmem>>) dst(%dma_wait3A_97 : memref<2000896xf32, #tpu.memory_space<vmem_shared>>)
        } else {
        }
        %add3A_84 = arith.constant 2 : i32
        %add3A_85 = arith.addi %scan3A_31, %add3A_84 : i32
        %lt3A = arith.constant 79 : i32
        %lt3A_86 = arith.cmpi slt, %add3A_85, %lt3A : i32
        %convert_element_type3A_87 = arith.extui %lt3A_86 : i1 to i32
        %cond3A_88 = arith.constant 0 : i32
        %cond3A_89 = arith.cmpi ne, %convert_element_type3A_87, %cond3A_88 : i32
        scf.if %cond3A_89 {
          %add3A_96 = arith.constant 2 : i32
          %add3A_97 = arith.addi %scan3A_31, %add3A_96 : i32
          %mul3A_98 = arith.constant 128 : i32
          %mul3A_99 = arith.muli %add3A_97, %mul3A_98 : i32
          %add3A_100 = arith.addi %mul3A_2, %mul3A_99 : i32
          %dma_start3A_101 = tpu.memref_slice %arg2[%add3A_100] : memref<323584xi32, #tpu.memory_space<hbm>> -> memref<128xi32, #tpu.memory_space<hbm>>
          %dma_start3A_102 = tpu.memref_slice %arg2[%add3A_100] : memref<323584xi32, #tpu.memory_space<hbm>> -> memref<128xi32, #tpu.memory_space<hbm>>
          tpu.enqueue_dma source(%dma_start3A_102 : memref<128xi32, #tpu.memory_space<hbm>>) target(%arg7 : memref<128xi32, #tpu.memory_space<vmem>>) target_semaphore(%arg16 : memref<!tpu.dma_semaphore, #tpu.memory_space<semaphore_mem>>)
        } else {
        }
        %ge3A_90 = arith.constant 2 : i32
        %ge3A_91 = arith.cmpi sge, %scan3A_31, %ge3A_90 : i32
        %convert_element_type3A_92 = arith.extui %ge3A_91 : i1 to i32
        %cond3A_93 = arith.constant 0 : i32
        %cond3A_94 = arith.cmpi ne, %convert_element_type3A_92, %cond3A_93 : i32
        scf.if %cond3A_94 {
          %mul3A_96 = arith.constant 128 : i32
          %mul3A_97 = arith.muli %scan3A_31, %mul3A_96 : i32
          %add3A_98 = arith.addi %mul3A_2, %mul3A_97 : i32
          %dma_wait3A_99 = tpu.memref_slice %arg2[%add3A_98] : memref<323584xi32, #tpu.memory_space<hbm>> -> memref<128xi32, #tpu.memory_space<hbm>>
          %dma_wait3A_100 = tpu.memref_slice %arg2[%add3A_98] : memref<323584xi32, #tpu.memory_space<hbm>> -> memref<128xi32, #tpu.memory_space<hbm>>
          tpu.wait_dma2 semaphore(%arg21 : memref<!tpu.dma_semaphore, #tpu.memory_space<semaphore_mem>>) src(%dma_wait3A_100 : memref<128xi32, #tpu.memory_space<hbm>>) dst(%arg12 : memref<128xi32, #tpu.memory_space<vmem>>)
        } else {
        }
        %dma_start3A = arith.constant 0 : i32
        %dma_start3A_95 = tpu.memref_slice %arg15[%dma_start3A] : memref<2000896xf32, #tpu.memory_space<vmem_shared>> -> memref<2000896xf32, #tpu.memory_space<vmem_shared>>
        tpu.enqueue_indirect_dma source(%arg14 : memref<128xf32, #tpu.memory_space<vmem>>) target(%dma_start3A_95 : memref<2000896xf32, #tpu.memory_space<vmem_shared>>) offsets(%arg12 : memref<128xi32, #tpu.memory_space<vmem>>) semaphore(%arg28 : memref<!tpu.dma_semaphore, #tpu.memory_space<semaphore_mem>>) {add = true}
      } else {
      }
      %rem3A_73 = arith.constant 7 : i32
      %rem3A_74 = arith.remsi %scan3A_31, %rem3A_73 : i32
      %eq3A_75 = arith.constant 6 : i32
      %eq3A_76 = arith.cmpi eq, %rem3A_74, %eq3A_75 : i32
      %convert_element_type3A_77 = arith.extui %eq3A_76 : i1 to i32
      %cond3A_78 = arith.constant 0 : i32
      %cond3A_79 = arith.cmpi ne, %convert_element_type3A_77, %cond3A_78 : i32
      scf.if %cond3A_79 {
        %ge3A = arith.constant 5 : i32
        %ge3A_80 = arith.cmpi sge, %scan3A_31, %ge3A : i32
        %convert_element_type3A_81 = arith.extui %ge3A_80 : i1 to i32
        %cond3A_82 = arith.constant 0 : i32
        %cond3A_83 = arith.cmpi ne, %convert_element_type3A_81, %cond3A_82 : i32
        scf.if %cond3A_83 {
          %dma_wait3A_96 = arith.constant 0 : i32
          %dma_wait3A_97 = tpu.memref_slice %arg15[%dma_wait3A_96] : memref<2000896xf32, #tpu.memory_space<vmem_shared>> -> memref<2000896xf32, #tpu.memory_space<vmem_shared>>
          tpu.wait_indirect_dma semaphore(%arg24 : memref<!tpu.dma_semaphore, #tpu.memory_space<semaphore_mem>>) src(%arg14 : memref<128xf32, #tpu.memory_space<vmem>>) dst(%dma_wait3A_97 : memref<2000896xf32, #tpu.memory_space<vmem_shared>>)
        } else {
        }
        %add3A_84 = arith.constant 2 : i32
        %add3A_85 = arith.addi %scan3A_31, %add3A_84 : i32
        %lt3A = arith.constant 79 : i32
        %lt3A_86 = arith.cmpi slt, %add3A_85, %lt3A : i32
        %convert_element_type3A_87 = arith.extui %lt3A_86 : i1 to i32
        %cond3A_88 = arith.constant 0 : i32
        %cond3A_89 = arith.cmpi ne, %convert_element_type3A_87, %cond3A_88 : i32
        scf.if %cond3A_89 {
          %add3A_96 = arith.constant 2 : i32
          %add3A_97 = arith.addi %scan3A_31, %add3A_96 : i32
          %mul3A_98 = arith.constant 128 : i32
          %mul3A_99 = arith.muli %add3A_97, %mul3A_98 : i32
          %add3A_100 = arith.addi %mul3A_2, %mul3A_99 : i32
          %dma_start3A_101 = tpu.memref_slice %arg2[%add3A_100] : memref<323584xi32, #tpu.memory_space<hbm>> -> memref<128xi32, #tpu.memory_space<hbm>>
          %dma_start3A_102 = tpu.memref_slice %arg2[%add3A_100] : memref<323584xi32, #tpu.memory_space<hbm>> -> memref<128xi32, #tpu.memory_space<hbm>>
          tpu.enqueue_dma source(%dma_start3A_102 : memref<128xi32, #tpu.memory_space<hbm>>) target(%arg8 : memref<128xi32, #tpu.memory_space<vmem>>) target_semaphore(%arg17 : memref<!tpu.dma_semaphore, #tpu.memory_space<semaphore_mem>>)
        } else {
        }
        %ge3A_90 = arith.constant 2 : i32
        %ge3A_91 = arith.cmpi sge, %scan3A_31, %ge3A_90 : i32
        %convert_element_type3A_92 = arith.extui %ge3A_91 : i1 to i32
        %cond3A_93 = arith.constant 0 : i32
        %cond3A_94 = arith.cmpi ne, %convert_element_type3A_92, %cond3A_93 : i32
        scf.if %cond3A_94 {
          %mul3A_96 = arith.constant 128 : i32
          %mul3A_97 = arith.muli %scan3A_31, %mul3A_96 : i32
          %add3A_98 = arith.addi %mul3A_2, %mul3A_97 : i32
          %dma_wait3A_99 = tpu.memref_slice %arg2[%add3A_98] : memref<323584xi32, #tpu.memory_space<hbm>> -> memref<128xi32, #tpu.memory_space<hbm>>
          %dma_wait3A_100 = tpu.memref_slice %arg2[%add3A_98] : memref<323584xi32, #tpu.memory_space<hbm>> -> memref<128xi32, #tpu.memory_space<hbm>>
          tpu.wait_dma2 semaphore(%arg22 : memref<!tpu.dma_semaphore, #tpu.memory_space<semaphore_mem>>) src(%dma_wait3A_100 : memref<128xi32, #tpu.memory_space<hbm>>) dst(%arg13 : memref<128xi32, #tpu.memory_space<vmem>>)
        } else {
        }
        %dma_start3A = arith.constant 0 : i32
        %dma_start3A_95 = tpu.memref_slice %arg15[%dma_start3A] : memref<2000896xf32, #tpu.memory_space<vmem_shared>> -> memref<2000896xf32, #tpu.memory_space<vmem_shared>>
        tpu.enqueue_indirect_dma source(%arg14 : memref<128xf32, #tpu.memory_space<vmem>>) target(%dma_start3A_95 : memref<2000896xf32, #tpu.memory_space<vmem_shared>>) offsets(%arg13 : memref<128xi32, #tpu.memory_space<vmem>>) semaphore(%arg29 : memref<!tpu.dma_semaphore, #tpu.memory_space<semaphore_mem>>) {add = true}
      } else {
      }
    }
    %scan3A_13 = arith.constant 79 : i32
    %dma_wait3A = arith.constant 0 : i32
    %dma_wait3A_14 = tpu.memref_slice %arg15[%dma_wait3A] : memref<2000896xf32, #tpu.memory_space<vmem_shared>> -> memref<2000896xf32, #tpu.memory_space<vmem_shared>>
    tpu.wait_indirect_dma semaphore(%arg27 : memref<!tpu.dma_semaphore, #tpu.memory_space<semaphore_mem>>) src(%arg14 : memref<128xf32, #tpu.memory_space<vmem>>) dst(%dma_wait3A_14 : memref<2000896xf32, #tpu.memory_space<vmem_shared>>)
    %dma_wait3A_15 = arith.constant 0 : i32
    %dma_wait3A_16 = tpu.memref_slice %arg15[%dma_wait3A_15] : memref<2000896xf32, #tpu.memory_space<vmem_shared>> -> memref<2000896xf32, #tpu.memory_space<vmem_shared>>
    tpu.wait_indirect_dma semaphore(%arg28 : memref<!tpu.dma_semaphore, #tpu.memory_space<semaphore_mem>>) src(%arg14 : memref<128xf32, #tpu.memory_space<vmem>>) dst(%dma_wait3A_16 : memref<2000896xf32, #tpu.memory_space<vmem_shared>>)
    %dma_wait3A_17 = arith.constant 0 : i32
    %dma_wait3A_18 = tpu.memref_slice %arg15[%dma_wait3A_17] : memref<2000896xf32, #tpu.memory_space<vmem_shared>> -> memref<2000896xf32, #tpu.memory_space<vmem_shared>>
    tpu.wait_indirect_dma semaphore(%arg29 : memref<!tpu.dma_semaphore, #tpu.memory_space<semaphore_mem>>) src(%arg14 : memref<128xf32, #tpu.memory_space<vmem>>) dst(%dma_wait3A_18 : memref<2000896xf32, #tpu.memory_space<vmem_shared>>)
    %dma_wait3A_19 = arith.constant 0 : i32
    %dma_wait3A_20 = tpu.memref_slice %arg15[%dma_wait3A_19] : memref<2000896xf32, #tpu.memory_space<vmem_shared>> -> memref<2000896xf32, #tpu.memory_space<vmem_shared>>
    tpu.wait_indirect_dma semaphore(%arg23 : memref<!tpu.dma_semaphore, #tpu.memory_space<semaphore_mem>>) src(%arg14 : memref<128xf32, #tpu.memory_space<vmem>>) dst(%dma_wait3A_20 : memref<2000896xf32, #tpu.memory_space<vmem_shared>>)
    %dma_wait3A_21 = arith.constant 0 : i32
    %dma_wait3A_22 = tpu.memref_slice %arg15[%dma_wait3A_21] : memref<2000896xf32, #tpu.memory_space<vmem_shared>> -> memref<2000896xf32, #tpu.memory_space<vmem_shared>>
    tpu.wait_indirect_dma semaphore(%arg24 : memref<!tpu.dma_semaphore, #tpu.memory_space<semaphore_mem>>) src(%arg14 : memref<128xf32, #tpu.memory_space<vmem>>) dst(%dma_wait3A_22 : memref<2000896xf32, #tpu.memory_space<vmem_shared>>)
    %barrier3A_23 = arith.constant 0 : index
    tpu.barrier barrier_id(%barrier3A_23)
    %eq3A = arith.constant 0 : i32
    %eq3A_24 = arith.cmpi eq, %arg0, %eq3A : i32
    %convert_element_type3A = arith.extui %eq3A_24 : i1 to i32
    %cond3A = arith.constant 0 : i32
    %cond3A_25 = arith.cmpi ne, %convert_element_type3A, %cond3A : i32
    scf.if %cond3A_25 {
      %mul3A_31 = arith.constant 125056 : i32
      %mul3A_32 = arith.muli %arg1, %mul3A_31 : i32
      %mul3A_33 = arith.constant 125056 : i32
      %mul3A_34 = arith.muli %arg1, %mul3A_33 : i32
      "tpu.region"() ({
        %run_scoped3A = tpu.sem_alloc : memref<!tpu.dma_semaphore, #tpu.memory_space<semaphore_mem>>
        %dma_start3A = tpu.memref_slice %arg5[%mul3A_34] : memref<2000896xf32, #tpu.memory_space<hbm>> -> memref<125056xf32, #tpu.memory_space<hbm>>
        %dma_start3A_35 = tpu.memref_slice %arg15[%mul3A_32] : memref<2000896xf32, #tpu.memory_space<vmem_shared>> -> memref<125056xf32, #tpu.memory_space<vmem_shared>>
        tpu.enqueue_dma source(%dma_start3A_35 : memref<125056xf32, #tpu.memory_space<vmem_shared>>) target(%dma_start3A : memref<125056xf32, #tpu.memory_space<hbm>>) target_semaphore(%run_scoped3A : memref<!tpu.dma_semaphore, #tpu.memory_space<semaphore_mem>>)
        %dma_wait3A_36 = tpu.memref_slice %arg5[%mul3A_34] : memref<2000896xf32, #tpu.memory_space<hbm>> -> memref<125056xf32, #tpu.memory_space<hbm>>
        %dma_wait3A_37 = tpu.memref_slice %arg15[%mul3A_32] : memref<2000896xf32, #tpu.memory_space<vmem_shared>> -> memref<125056xf32, #tpu.memory_space<vmem_shared>>
        tpu.wait_dma2 semaphore(%run_scoped3A : memref<!tpu.dma_semaphore, #tpu.memory_space<semaphore_mem>>) src(%dma_wait3A_37 : memref<125056xf32, #tpu.memory_space<vmem_shared>>) dst(%dma_wait3A_36 : memref<125056xf32, #tpu.memory_space<hbm>>)
        tpu.yield
      }) : () -> ()
    } else {
    }
    %eq3A_26 = arith.constant 1 : i32
    %eq3A_27 = arith.cmpi eq, %arg0, %eq3A_26 : i32
    %convert_element_type3A_28 = arith.extui %eq3A_27 : i1 to i32
    %cond3A_29 = arith.constant 0 : i32
    %cond3A_30 = arith.cmpi ne, %convert_element_type3A_28, %cond3A_29 : i32
    scf.if %cond3A_30 {
      %mul3A_31 = arith.constant 125056 : i32
      %mul3A_32 = arith.muli %arg1, %mul3A_31 : i32
      %mul3A_33 = arith.constant 125056 : i32
      %mul3A_34 = arith.muli %arg1, %mul3A_33 : i32
      "tpu.region"() ({
        %run_scoped3A = tpu.sem_alloc : memref<!tpu.dma_semaphore, #tpu.memory_space<semaphore_mem>>
        %dma_start3A = tpu.memref_slice %arg6[%mul3A_34] : memref<2000896xf32, #tpu.memory_space<hbm>> -> memref<125056xf32, #tpu.memory_space<hbm>>
        %dma_start3A_35 = tpu.memref_slice %arg15[%mul3A_32] : memref<2000896xf32, #tpu.memory_space<vmem_shared>> -> memref<125056xf32, #tpu.memory_space<vmem_shared>>
        tpu.enqueue_dma source(%dma_start3A_35 : memref<125056xf32, #tpu.memory_space<vmem_shared>>) target(%dma_start3A : memref<125056xf32, #tpu.memory_space<hbm>>) target_semaphore(%run_scoped3A : memref<!tpu.dma_semaphore, #tpu.memory_space<semaphore_mem>>)
        %dma_wait3A_36 = tpu.memref_slice %arg6[%mul3A_34] : memref<2000896xf32, #tpu.memory_space<hbm>> -> memref<125056xf32, #tpu.memory_space<hbm>>
        %dma_wait3A_37 = tpu.memref_slice %arg15[%mul3A_32] : memref<2000896xf32, #tpu.memory_space<vmem_shared>> -> memref<125056xf32, #tpu.memory_space<vmem_shared>>
        tpu.wait_dma2 semaphore(%run_scoped3A : memref<!tpu.dma_semaphore, #tpu.memory_space<semaphore_mem>>) src(%dma_wait3A_37 : memref<125056xf32, #tpu.memory_space<vmem_shared>>) dst(%dma_wait3A_36 : memref<125056xf32, #tpu.memory_space<hbm>>)
        tpu.yield
      }) : () -> ()
    } else {
    }
    return
  }
}

#map = affine_map<(d0, d1) -> (0, 0)>
#map1 = affine_map<(d0, d1) -> (0)>
#map2 = affine_map<(d0, d1) -> (0, 0, 0)>
module attributes {stable_mosaic.version = 14 : i64} {
  func.func @k(%arg0: i32, %arg1: i32, %arg2: memref<10000x128xf32, #tpu.memory_space<hbm>>, %arg3: memref<320000xi32, #tpu.memory_space<hbm>>, %arg4: memref<320000xi32, #tpu.memory_space<hbm>>, %arg5: memref<640x128xf32, #tpu.memory_space<hbm>>, %arg6: memref<2x10240x128xf32, #tpu.memory_space<hbm>>, %arg7: memref<80x128xf32, #tpu.memory_space<vmem>>, %arg8: memref<80x128xf32, #tpu.memory_space<vmem>>, %arg9: memref<80x128xf32, #tpu.memory_space<vmem>>, %arg10: memref<80x128xf32, #tpu.memory_space<vmem>>, %arg11: memref<80xi32, #tpu.memory_space<vmem>>, %arg12: memref<80xi32, #tpu.memory_space<vmem>>, %arg13: memref<80xi32, #tpu.memory_space<vmem>>, %arg14: memref<80xi32, #tpu.memory_space<vmem>>, %arg15: memref<80xi32, #tpu.memory_space<vmem>>, %arg16: memref<80xi32, #tpu.memory_space<vmem>>, %arg17: memref<80xi32, #tpu.memory_space<vmem>>, %arg18: memref<80xi32, #tpu.memory_space<vmem>>, %arg19: memref<10240x128xf32, #tpu.memory_space<vmem_shared>>, %arg20: memref<!tpu.dma_semaphore, #tpu.memory_space<semaphore_mem>>, %arg21: memref<!tpu.dma_semaphore, #tpu.memory_space<semaphore_mem>>, %arg22: memref<!tpu.dma_semaphore, #tpu.memory_space<semaphore_mem>>, %arg23: memref<!tpu.dma_semaphore, #tpu.memory_space<semaphore_mem>>, %arg24: memref<!tpu.dma_semaphore, #tpu.memory_space<semaphore_mem>>, %arg25: memref<!tpu.dma_semaphore, #tpu.memory_space<semaphore_mem>>, %arg26: memref<!tpu.dma_semaphore, #tpu.memory_space<semaphore_mem>>, %arg27: memref<!tpu.dma_semaphore, #tpu.memory_space<semaphore_mem>>, %arg28: memref<!tpu.dma_semaphore, #tpu.memory_space<semaphore_mem>>, %arg29: memref<!tpu.dma_semaphore, #tpu.memory_space<semaphore_mem>>, %arg30: memref<!tpu.dma_semaphore, #tpu.memory_space<semaphore_mem>>, %arg31: memref<!tpu.dma_semaphore, #tpu.memory_space<semaphore_mem>>) attributes {dimension_semantics = [#tpu.dimension_semantics<core_parallel>, #tpu.dimension_semantics<subcore_parallel>], iteration_bounds = array<i64: 2, 16>, scalar_prefetch = 0 : i64, scratch_operands = 25 : i64, tpu.core_type = #tpu.core_type<sc_vector_subcore>, window_params = [{transform_indices = #map}, {transform_indices = #map1}, {transform_indices = #map1}, {transform_indices = #map}, {transform_indices = #map2}]} {
    %mul3A = arith.constant 16 : i32
    %mul3A_0 = arith.muli %arg0, %mul3A : i32
    %add3A = arith.addi %mul3A_0, %arg1 : i32
    %mul3A_1 = arith.constant 10000 : i32
    %mul3A_2 = arith.muli %add3A, %mul3A_1 : i32
    %mul3A_3 = arith.constant 640 : i32
    %mul3A_4 = arith.muli %arg1, %mul3A_3 : i32
    "tpu.region"() ({
      %run_scoped3A = tpu.sem_alloc : memref<!tpu.dma_semaphore, #tpu.memory_space<semaphore_mem>>
      %dma_start3A_26 = arith.constant 0 : i32
      %dma_start3A_27 = tpu.memref_slice %arg19[%mul3A_4, %dma_start3A_26] : memref<10240x128xf32, #tpu.memory_space<vmem_shared>> -> memref<640x128xf32, #tpu.memory_space<vmem_shared>>
      tpu.enqueue_dma source(%arg5 : memref<640x128xf32, #tpu.memory_space<hbm>>) target(%dma_start3A_27 : memref<640x128xf32, #tpu.memory_space<vmem_shared>>) target_semaphore(%run_scoped3A : memref<!tpu.dma_semaphore, #tpu.memory_space<semaphore_mem>>)
      %dma_wait3A_28 = arith.constant 0 : i32
      %dma_wait3A_29 = tpu.memref_slice %arg19[%mul3A_4, %dma_wait3A_28] : memref<10240x128xf32, #tpu.memory_space<vmem_shared>> -> memref<640x128xf32, #tpu.memory_space<vmem_shared>>
      tpu.wait_dma2 semaphore(%run_scoped3A : memref<!tpu.dma_semaphore, #tpu.memory_space<semaphore_mem>>) src(%arg5 : memref<640x128xf32, #tpu.memory_space<hbm>>) dst(%dma_wait3A_29 : memref<640x128xf32, #tpu.memory_space<vmem_shared>>)
      tpu.yield
    }) : () -> ()
    %barrier3A = arith.constant 0 : index
    tpu.barrier barrier_id(%barrier3A)
    %add3A_5 = arith.constant 0 : i32
    %add3A_6 = arith.addi %mul3A_2, %add3A_5 : i32
    "tpu.region"() ({
      %run_scoped3A = tpu.sem_alloc : memref<!tpu.dma_semaphore, #tpu.memory_space<semaphore_mem>>
      %dma_start3A_26 = tpu.memref_slice %arg3[%add3A_6] : memref<320000xi32, #tpu.memory_space<hbm>> -> memref<80xi32, #tpu.memory_space<hbm>>
      %dma_start3A_27 = tpu.memref_slice %arg3[%add3A_6] : memref<320000xi32, #tpu.memory_space<hbm>> -> memref<80xi32, #tpu.memory_space<hbm>>
      tpu.enqueue_dma source(%dma_start3A_27 : memref<80xi32, #tpu.memory_space<hbm>>) target(%arg11 : memref<80xi32, #tpu.memory_space<vmem>>) target_semaphore(%run_scoped3A : memref<!tpu.dma_semaphore, #tpu.memory_space<semaphore_mem>>)
      %dma_wait3A_28 = tpu.memref_slice %arg3[%add3A_6] : memref<320000xi32, #tpu.memory_space<hbm>> -> memref<80xi32, #tpu.memory_space<hbm>>
      %dma_wait3A_29 = tpu.memref_slice %arg3[%add3A_6] : memref<320000xi32, #tpu.memory_space<hbm>> -> memref<80xi32, #tpu.memory_space<hbm>>
      tpu.wait_dma2 semaphore(%run_scoped3A : memref<!tpu.dma_semaphore, #tpu.memory_space<semaphore_mem>>) src(%dma_wait3A_29 : memref<80xi32, #tpu.memory_space<hbm>>) dst(%arg11 : memref<80xi32, #tpu.memory_space<vmem>>)
      tpu.yield
    }) : () -> ()
    "tpu.region"() ({
      %run_scoped3A = tpu.sem_alloc : memref<!tpu.dma_semaphore, #tpu.memory_space<semaphore_mem>>
      %dma_start3A_26 = tpu.memref_slice %arg4[%add3A_6] : memref<320000xi32, #tpu.memory_space<hbm>> -> memref<80xi32, #tpu.memory_space<hbm>>
      %dma_start3A_27 = tpu.memref_slice %arg4[%add3A_6] : memref<320000xi32, #tpu.memory_space<hbm>> -> memref<80xi32, #tpu.memory_space<hbm>>
      tpu.enqueue_dma source(%dma_start3A_27 : memref<80xi32, #tpu.memory_space<hbm>>) target(%arg15 : memref<80xi32, #tpu.memory_space<vmem>>) target_semaphore(%run_scoped3A : memref<!tpu.dma_semaphore, #tpu.memory_space<semaphore_mem>>)
      %dma_wait3A_28 = tpu.memref_slice %arg4[%add3A_6] : memref<320000xi32, #tpu.memory_space<hbm>> -> memref<80xi32, #tpu.memory_space<hbm>>
      %dma_wait3A_29 = tpu.memref_slice %arg4[%add3A_6] : memref<320000xi32, #tpu.memory_space<hbm>> -> memref<80xi32, #tpu.memory_space<hbm>>
      tpu.wait_dma2 semaphore(%run_scoped3A : memref<!tpu.dma_semaphore, #tpu.memory_space<semaphore_mem>>) src(%dma_wait3A_29 : memref<80xi32, #tpu.memory_space<hbm>>) dst(%arg15 : memref<80xi32, #tpu.memory_space<vmem>>)
      tpu.yield
    }) : () -> ()
    %add3A_7 = arith.constant 80 : i32
    %add3A_8 = arith.addi %mul3A_2, %add3A_7 : i32
    "tpu.region"() ({
      %run_scoped3A = tpu.sem_alloc : memref<!tpu.dma_semaphore, #tpu.memory_space<semaphore_mem>>
      %dma_start3A_26 = tpu.memref_slice %arg3[%add3A_8] : memref<320000xi32, #tpu.memory_space<hbm>> -> memref<80xi32, #tpu.memory_space<hbm>>
      %dma_start3A_27 = tpu.memref_slice %arg3[%add3A_8] : memref<320000xi32, #tpu.memory_space<hbm>> -> memref<80xi32, #tpu.memory_space<hbm>>
      tpu.enqueue_dma source(%dma_start3A_27 : memref<80xi32, #tpu.memory_space<hbm>>) target(%arg12 : memref<80xi32, #tpu.memory_space<vmem>>) target_semaphore(%run_scoped3A : memref<!tpu.dma_semaphore, #tpu.memory_space<semaphore_mem>>)
      %dma_wait3A_28 = tpu.memref_slice %arg3[%add3A_8] : memref<320000xi32, #tpu.memory_space<hbm>> -> memref<80xi32, #tpu.memory_space<hbm>>
      %dma_wait3A_29 = tpu.memref_slice %arg3[%add3A_8] : memref<320000xi32, #tpu.memory_space<hbm>> -> memref<80xi32, #tpu.memory_space<hbm>>
      tpu.wait_dma2 semaphore(%run_scoped3A : memref<!tpu.dma_semaphore, #tpu.memory_space<semaphore_mem>>) src(%dma_wait3A_29 : memref<80xi32, #tpu.memory_space<hbm>>) dst(%arg12 : memref<80xi32, #tpu.memory_space<vmem>>)
      tpu.yield
    }) : () -> ()
    "tpu.region"() ({
      %run_scoped3A = tpu.sem_alloc : memref<!tpu.dma_semaphore, #tpu.memory_space<semaphore_mem>>
      %dma_start3A_26 = tpu.memref_slice %arg4[%add3A_8] : memref<320000xi32, #tpu.memory_space<hbm>> -> memref<80xi32, #tpu.memory_space<hbm>>
      %dma_start3A_27 = tpu.memref_slice %arg4[%add3A_8] : memref<320000xi32, #tpu.memory_space<hbm>> -> memref<80xi32, #tpu.memory_space<hbm>>
      tpu.enqueue_dma source(%dma_start3A_27 : memref<80xi32, #tpu.memory_space<hbm>>) target(%arg16 : memref<80xi32, #tpu.memory_space<vmem>>) target_semaphore(%run_scoped3A : memref<!tpu.dma_semaphore, #tpu.memory_space<semaphore_mem>>)
      %dma_wait3A_28 = tpu.memref_slice %arg4[%add3A_8] : memref<320000xi32, #tpu.memory_space<hbm>> -> memref<80xi32, #tpu.memory_space<hbm>>
      %dma_wait3A_29 = tpu.memref_slice %arg4[%add3A_8] : memref<320000xi32, #tpu.memory_space<hbm>> -> memref<80xi32, #tpu.memory_space<hbm>>
      tpu.wait_dma2 semaphore(%run_scoped3A : memref<!tpu.dma_semaphore, #tpu.memory_space<semaphore_mem>>) src(%dma_wait3A_29 : memref<80xi32, #tpu.memory_space<hbm>>) dst(%arg16 : memref<80xi32, #tpu.memory_space<vmem>>)
      tpu.yield
    }) : () -> ()
    %dma_start3A = arith.constant 0 : i32
    %dma_start3A_9 = arith.constant 0 : i32
    %dma_start3A_10 = tpu.memref_slice %arg2[%dma_start3A, %dma_start3A_9] : memref<10000x128xf32, #tpu.memory_space<hbm>> -> memref<10000x128xf32, #tpu.memory_space<hbm>>
    tpu.enqueue_indirect_dma source(%dma_start3A_10 : memref<10000x128xf32, #tpu.memory_space<hbm>>) target(%arg7 : memref<80x128xf32, #tpu.memory_space<vmem>>) offsets(%arg11 : memref<80xi32, #tpu.memory_space<vmem>>) semaphore(%arg24 : memref<!tpu.dma_semaphore, #tpu.memory_space<semaphore_mem>>)
    %scan3A = arith.constant 0 : i32
    %scan3A_11 = arith.constant 0 : i32
    %scan3A_12 = arith.constant 125 : i32
    %scan3A_13 = arith.addi %scan3A_11, %scan3A_12 : i32
    %scan3A_14 = arith.constant 1 : i32
    scf.for %scan3A_26 = %scan3A_11 to %scan3A_13 step %scan3A_14  : i32 {
      %rem3A = arith.constant 4 : i32
      %rem3A_27 = arith.remsi %scan3A_26, %rem3A : i32
      %eq3A = arith.constant 0 : i32
      %eq3A_28 = arith.cmpi eq, %rem3A_27, %eq3A : i32
      %convert_element_type3A = arith.extui %eq3A_28 : i1 to i32
      %cond3A = arith.constant 0 : i32
      %cond3A_29 = arith.cmpi ne, %convert_element_type3A, %cond3A : i32
      scf.if %cond3A_29 {
        %ge3A = arith.constant 2 : i32
        %ge3A_51 = arith.cmpi sge, %scan3A_26, %ge3A : i32
        %convert_element_type3A_52 = arith.extui %ge3A_51 : i1 to i32
        %cond3A_53 = arith.constant 0 : i32
        %cond3A_54 = arith.cmpi ne, %convert_element_type3A_52, %cond3A_53 : i32
        scf.if %cond3A_54 {
          %dma_wait3A_74 = arith.constant 0 : i32
          %dma_wait3A_75 = arith.constant 0 : i32
          %dma_wait3A_76 = tpu.memref_slice %arg19[%dma_wait3A_74, %dma_wait3A_75] : memref<10240x128xf32, #tpu.memory_space<vmem_shared>> -> memref<10240x128xf32, #tpu.memory_space<vmem_shared>>
          tpu.wait_indirect_dma semaphore(%arg30 : memref<!tpu.dma_semaphore, #tpu.memory_space<semaphore_mem>>) src(%arg9 : memref<80x128xf32, #tpu.memory_space<vmem>>) dst(%dma_wait3A_76 : memref<10240x128xf32, #tpu.memory_space<vmem_shared>>)
        } else {
        }
        %add3A_55 = arith.constant 2 : i32
        %add3A_56 = arith.addi %scan3A_26, %add3A_55 : i32
        %lt3A = arith.constant 125 : i32
        %lt3A_57 = arith.cmpi slt, %add3A_56, %lt3A : i32
        %convert_element_type3A_58 = arith.extui %lt3A_57 : i1 to i32
        %cond3A_59 = arith.constant 0 : i32
        %cond3A_60 = arith.cmpi ne, %convert_element_type3A_58, %cond3A_59 : i32
        scf.if %cond3A_60 {
          %add3A_74 = arith.constant 2 : i32
          %add3A_75 = arith.addi %scan3A_26, %add3A_74 : i32
          %mul3A_76 = arith.constant 1 : i32
          %mul3A_77 = arith.muli %add3A_75, %mul3A_76 : i32
          %add3A_78 = arith.constant 0 : i32
          %add3A_79 = arith.addi %mul3A_77, %add3A_78 : i32
          %mul3A_80 = arith.constant 80 : i32
          %mul3A_81 = arith.muli %add3A_79, %mul3A_80 : i32
          %add3A_82 = arith.addi %mul3A_2, %mul3A_81 : i32
          %dma_start3A_83 = tpu.memref_slice %arg3[%add3A_82] : memref<320000xi32, #tpu.memory_space<hbm>> -> memref<80xi32, #tpu.memory_space<hbm>>
          %dma_start3A_84 = tpu.memref_slice %arg3[%add3A_82] : memref<320000xi32, #tpu.memory_space<hbm>> -> memref<80xi32, #tpu.memory_space<hbm>>
          tpu.enqueue_dma source(%dma_start3A_84 : memref<80xi32, #tpu.memory_space<hbm>>) target(%arg13 : memref<80xi32, #tpu.memory_space<vmem>>) target_semaphore(%arg22 : memref<!tpu.dma_semaphore, #tpu.memory_space<semaphore_mem>>)
          %dma_start3A_85 = tpu.memref_slice %arg4[%add3A_82] : memref<320000xi32, #tpu.memory_space<hbm>> -> memref<80xi32, #tpu.memory_space<hbm>>
          %dma_start3A_86 = tpu.memref_slice %arg4[%add3A_82] : memref<320000xi32, #tpu.memory_space<hbm>> -> memref<80xi32, #tpu.memory_space<hbm>>
          tpu.enqueue_dma source(%dma_start3A_86 : memref<80xi32, #tpu.memory_space<hbm>>) target(%arg17 : memref<80xi32, #tpu.memory_space<vmem>>) target_semaphore(%arg22 : memref<!tpu.dma_semaphore, #tpu.memory_space<semaphore_mem>>)
        } else {
        }
        %add3A_61 = arith.constant 1 : i32
        %add3A_62 = arith.addi %scan3A_26, %add3A_61 : i32
        %lt3A_63 = arith.constant 125 : i32
        %lt3A_64 = arith.cmpi slt, %add3A_62, %lt3A_63 : i32
        %convert_element_type3A_65 = arith.extui %lt3A_64 : i1 to i32
        %cond3A_66 = arith.constant 0 : i32
        %cond3A_67 = arith.cmpi ne, %convert_element_type3A_65, %cond3A_66 : i32
        scf.if %cond3A_67 {
          %ge3A_74 = arith.constant 1 : i32
          %ge3A_75 = arith.cmpi sge, %scan3A_26, %ge3A_74 : i32
          %convert_element_type3A_76 = arith.extui %ge3A_75 : i1 to i32
          %cond3A_77 = arith.constant 0 : i32
          %cond3A_78 = arith.cmpi ne, %convert_element_type3A_76, %cond3A_77 : i32
          scf.if %cond3A_78 {
            %add3A_82 = arith.constant 1 : i32
            %add3A_83 = arith.addi %scan3A_26, %add3A_82 : i32
            %mul3A_84 = arith.constant 1 : i32
            %mul3A_85 = arith.muli %add3A_83, %mul3A_84 : i32
            %add3A_86 = arith.constant 0 : i32
            %add3A_87 = arith.addi %mul3A_85, %add3A_86 : i32
            %mul3A_88 = arith.constant 80 : i32
            %mul3A_89 = arith.muli %add3A_87, %mul3A_88 : i32
            %add3A_90 = arith.addi %mul3A_2, %mul3A_89 : i32
            %dma_wait3A_91 = tpu.memref_slice %arg3[%add3A_90] : memref<320000xi32, #tpu.memory_space<hbm>> -> memref<80xi32, #tpu.memory_space<hbm>>
            %dma_wait3A_92 = tpu.memref_slice %arg3[%add3A_90] : memref<320000xi32, #tpu.memory_space<hbm>> -> memref<80xi32, #tpu.memory_space<hbm>>
            tpu.wait_dma2 semaphore(%arg21 : memref<!tpu.dma_semaphore, #tpu.memory_space<semaphore_mem>>) src(%dma_wait3A_92 : memref<80xi32, #tpu.memory_space<hbm>>) dst(%arg12 : memref<80xi32, #tpu.memory_space<vmem>>)
            %dma_wait3A_93 = tpu.memref_slice %arg4[%add3A_90] : memref<320000xi32, #tpu.memory_space<hbm>> -> memref<80xi32, #tpu.memory_space<hbm>>
            %dma_wait3A_94 = tpu.memref_slice %arg4[%add3A_90] : memref<320000xi32, #tpu.memory_space<hbm>> -> memref<80xi32, #tpu.memory_space<hbm>>
            tpu.wait_dma2 semaphore(%arg21 : memref<!tpu.dma_semaphore, #tpu.memory_space<semaphore_mem>>) src(%dma_wait3A_94 : memref<80xi32, #tpu.memory_space<hbm>>) dst(%arg16 : memref<80xi32, #tpu.memory_space<vmem>>)
          } else {
          }
          %dma_start3A_79 = arith.constant 0 : i32
          %dma_start3A_80 = arith.constant 0 : i32
          %dma_start3A_81 = tpu.memref_slice %arg2[%dma_start3A_79, %dma_start3A_80] : memref<10000x128xf32, #tpu.memory_space<hbm>> -> memref<10000x128xf32, #tpu.memory_space<hbm>>
          tpu.enqueue_indirect_dma source(%dma_start3A_81 : memref<10000x128xf32, #tpu.memory_space<hbm>>) target(%arg8 : memref<80x128xf32, #tpu.memory_space<vmem>>) offsets(%arg12 : memref<80xi32, #tpu.memory_space<vmem>>) semaphore(%arg25 : memref<!tpu.dma_semaphore, #tpu.memory_space<semaphore_mem>>)
        } else {
        }
        %dma_wait3A_68 = arith.constant 0 : i32
        %dma_wait3A_69 = arith.constant 0 : i32
        %dma_wait3A_70 = tpu.memref_slice %arg2[%dma_wait3A_68, %dma_wait3A_69] : memref<10000x128xf32, #tpu.memory_space<hbm>> -> memref<10000x128xf32, #tpu.memory_space<hbm>>
        tpu.wait_indirect_dma semaphore(%arg24 : memref<!tpu.dma_semaphore, #tpu.memory_space<semaphore_mem>>) src(%dma_wait3A_70 : memref<10000x128xf32, #tpu.memory_space<hbm>>) dst(%arg7 : memref<80x128xf32, #tpu.memory_space<vmem>>)
        %dma_start3A_71 = arith.constant 0 : i32
        %dma_start3A_72 = arith.constant 0 : i32
        %dma_start3A_73 = tpu.memref_slice %arg19[%dma_start3A_71, %dma_start3A_72] : memref<10240x128xf32, #tpu.memory_space<vmem_shared>> -> memref<10240x128xf32, #tpu.memory_space<vmem_shared>>
        tpu.enqueue_indirect_dma source(%arg7 : memref<80x128xf32, #tpu.memory_space<vmem>>) target(%dma_start3A_73 : memref<10240x128xf32, #tpu.memory_space<vmem_shared>>) offsets(%arg15 : memref<80xi32, #tpu.memory_space<vmem>>) semaphore(%arg28 : memref<!tpu.dma_semaphore, #tpu.memory_space<semaphore_mem>>) {add = true}
      } else {
      }
      %rem3A_30 = arith.constant 4 : i32
      %rem3A_31 = arith.remsi %scan3A_26, %rem3A_30 : i32
      %eq3A_32 = arith.constant 1 : i32
      %eq3A_33 = arith.cmpi eq, %rem3A_31, %eq3A_32 : i32
      %convert_element_type3A_34 = arith.extui %eq3A_33 : i1 to i32
      %cond3A_35 = arith.constant 0 : i32
      %cond3A_36 = arith.cmpi ne, %convert_element_type3A_34, %cond3A_35 : i32
      scf.if %cond3A_36 {
        %ge3A = arith.constant 2 : i32
        %ge3A_51 = arith.cmpi sge, %scan3A_26, %ge3A : i32
        %convert_element_type3A_52 = arith.extui %ge3A_51 : i1 to i32
        %cond3A_53 = arith.constant 0 : i32
        %cond3A_54 = arith.cmpi ne, %convert_element_type3A_52, %cond3A_53 : i32
        scf.if %cond3A_54 {
          %dma_wait3A_74 = arith.constant 0 : i32
          %dma_wait3A_75 = arith.constant 0 : i32
          %dma_wait3A_76 = tpu.memref_slice %arg19[%dma_wait3A_74, %dma_wait3A_75] : memref<10240x128xf32, #tpu.memory_space<vmem_shared>> -> memref<10240x128xf32, #tpu.memory_space<vmem_shared>>
          tpu.wait_indirect_dma semaphore(%arg31 : memref<!tpu.dma_semaphore, #tpu.memory_space<semaphore_mem>>) src(%arg10 : memref<80x128xf32, #tpu.memory_space<vmem>>) dst(%dma_wait3A_76 : memref<10240x128xf32, #tpu.memory_space<vmem_shared>>)
        } else {
        }
        %add3A_55 = arith.constant 2 : i32
        %add3A_56 = arith.addi %scan3A_26, %add3A_55 : i32
        %lt3A = arith.constant 125 : i32
        %lt3A_57 = arith.cmpi slt, %add3A_56, %lt3A : i32
        %convert_element_type3A_58 = arith.extui %lt3A_57 : i1 to i32
        %cond3A_59 = arith.constant 0 : i32
        %cond3A_60 = arith.cmpi ne, %convert_element_type3A_58, %cond3A_59 : i32
        scf.if %cond3A_60 {
          %add3A_74 = arith.constant 2 : i32
          %add3A_75 = arith.addi %scan3A_26, %add3A_74 : i32
          %mul3A_76 = arith.constant 1 : i32
          %mul3A_77 = arith.muli %add3A_75, %mul3A_76 : i32
          %add3A_78 = arith.constant 0 : i32
          %add3A_79 = arith.addi %mul3A_77, %add3A_78 : i32
          %mul3A_80 = arith.constant 80 : i32
          %mul3A_81 = arith.muli %add3A_79, %mul3A_80 : i32
          %add3A_82 = arith.addi %mul3A_2, %mul3A_81 : i32
          %dma_start3A_83 = tpu.memref_slice %arg3[%add3A_82] : memref<320000xi32, #tpu.memory_space<hbm>> -> memref<80xi32, #tpu.memory_space<hbm>>
          %dma_start3A_84 = tpu.memref_slice %arg3[%add3A_82] : memref<320000xi32, #tpu.memory_space<hbm>> -> memref<80xi32, #tpu.memory_space<hbm>>
          tpu.enqueue_dma source(%dma_start3A_84 : memref<80xi32, #tpu.memory_space<hbm>>) target(%arg14 : memref<80xi32, #tpu.memory_space<vmem>>) target_semaphore(%arg23 : memref<!tpu.dma_semaphore, #tpu.memory_space<semaphore_mem>>)
          %dma_start3A_85 = tpu.memref_slice %arg4[%add3A_82] : memref<320000xi32, #tpu.memory_space<hbm>> -> memref<80xi32, #tpu.memory_space<hbm>>
          %dma_start3A_86 = tpu.memref_slice %arg4[%add3A_82] : memref<320000xi32, #tpu.memory_space<hbm>> -> memref<80xi32, #tpu.memory_space<hbm>>
          tpu.enqueue_dma source(%dma_start3A_86 : memref<80xi32, #tpu.memory_space<hbm>>) target(%arg18 : memref<80xi32, #tpu.memory_space<vmem>>) target_semaphore(%arg23 : memref<!tpu.dma_semaphore, #tpu.memory_space<semaphore_mem>>)
        } else {
        }
        %add3A_61 = arith.constant 1 : i32
        %add3A_62 = arith.addi %scan3A_26, %add3A_61 : i32
        %lt3A_63 = arith.constant 125 : i32
        %lt3A_64 = arith.cmpi slt, %add3A_62, %lt3A_63 : i32
        %convert_element_type3A_65 = arith.extui %lt3A_64 : i1 to i32
        %cond3A_66 = arith.constant 0 : i32
        %cond3A_67 = arith.cmpi ne, %convert_element_type3A_65, %cond3A_66 : i32
        scf.if %cond3A_67 {
          %ge3A_74 = arith.constant 1 : i32
          %ge3A_75 = arith.cmpi sge, %scan3A_26, %ge3A_74 : i32
          %convert_element_type3A_76 = arith.extui %ge3A_75 : i1 to i32
          %cond3A_77 = arith.constant 0 : i32
          %cond3A_78 = arith.cmpi ne, %convert_element_type3A_76, %cond3A_77 : i32
          scf.if %cond3A_78 {
            %add3A_82 = arith.constant 1 : i32
            %add3A_83 = arith.addi %scan3A_26, %add3A_82 : i32
            %mul3A_84 = arith.constant 1 : i32
            %mul3A_85 = arith.muli %add3A_83, %mul3A_84 : i32
            %add3A_86 = arith.constant 0 : i32
            %add3A_87 = arith.addi %mul3A_85, %add3A_86 : i32
            %mul3A_88 = arith.constant 80 : i32
            %mul3A_89 = arith.muli %add3A_87, %mul3A_88 : i32
            %add3A_90 = arith.addi %mul3A_2, %mul3A_89 : i32
            %dma_wait3A_91 = tpu.memref_slice %arg3[%add3A_90] : memref<320000xi32, #tpu.memory_space<hbm>> -> memref<80xi32, #tpu.memory_space<hbm>>
            %dma_wait3A_92 = tpu.memref_slice %arg3[%add3A_90] : memref<320000xi32, #tpu.memory_space<hbm>> -> memref<80xi32, #tpu.memory_space<hbm>>
            tpu.wait_dma2 semaphore(%arg22 : memref<!tpu.dma_semaphore, #tpu.memory_space<semaphore_mem>>) src(%dma_wait3A_92 : memref<80xi32, #tpu.memory_space<hbm>>) dst(%arg13 : memref<80xi32, #tpu.memory_space<vmem>>)
            %dma_wait3A_93 = tpu.memref_slice %arg4[%add3A_90] : memref<320000xi32, #tpu.memory_space<hbm>> -> memref<80xi32, #tpu.memory_space<hbm>>
            %dma_wait3A_94 = tpu.memref_slice %arg4[%add3A_90] : memref<320000xi32, #tpu.memory_space<hbm>> -> memref<80xi32, #tpu.memory_space<hbm>>
            tpu.wait_dma2 semaphore(%arg22 : memref<!tpu.dma_semaphore, #tpu.memory_space<semaphore_mem>>) src(%dma_wait3A_94 : memref<80xi32, #tpu.memory_space<hbm>>) dst(%arg17 : memref<80xi32, #tpu.memory_space<vmem>>)
          } else {
          }
          %dma_start3A_79 = arith.constant 0 : i32
          %dma_start3A_80 = arith.constant 0 : i32
          %dma_start3A_81 = tpu.memref_slice %arg2[%dma_start3A_79, %dma_start3A_80] : memref<10000x128xf32, #tpu.memory_space<hbm>> -> memref<10000x128xf32, #tpu.memory_space<hbm>>
          tpu.enqueue_indirect_dma source(%dma_start3A_81 : memref<10000x128xf32, #tpu.memory_space<hbm>>) target(%arg9 : memref<80x128xf32, #tpu.memory_space<vmem>>) offsets(%arg13 : memref<80xi32, #tpu.memory_space<vmem>>) semaphore(%arg26 : memref<!tpu.dma_semaphore, #tpu.memory_space<semaphore_mem>>)
        } else {
        }
        %dma_wait3A_68 = arith.constant 0 : i32
        %dma_wait3A_69 = arith.constant 0 : i32
        %dma_wait3A_70 = tpu.memref_slice %arg2[%dma_wait3A_68, %dma_wait3A_69] : memref<10000x128xf32, #tpu.memory_space<hbm>> -> memref<10000x128xf32, #tpu.memory_space<hbm>>
        tpu.wait_indirect_dma semaphore(%arg25 : memref<!tpu.dma_semaphore, #tpu.memory_space<semaphore_mem>>) src(%dma_wait3A_70 : memref<10000x128xf32, #tpu.memory_space<hbm>>) dst(%arg8 : memref<80x128xf32, #tpu.memory_space<vmem>>)
        %dma_start3A_71 = arith.constant 0 : i32
        %dma_start3A_72 = arith.constant 0 : i32
        %dma_start3A_73 = tpu.memref_slice %arg19[%dma_start3A_71, %dma_start3A_72] : memref<10240x128xf32, #tpu.memory_space<vmem_shared>> -> memref<10240x128xf32, #tpu.memory_space<vmem_shared>>
        tpu.enqueue_indirect_dma source(%arg8 : memref<80x128xf32, #tpu.memory_space<vmem>>) target(%dma_start3A_73 : memref<10240x128xf32, #tpu.memory_space<vmem_shared>>) offsets(%arg16 : memref<80xi32, #tpu.memory_space<vmem>>) semaphore(%arg29 : memref<!tpu.dma_semaphore, #tpu.memory_space<semaphore_mem>>) {add = true}
      } else {
      }
      %rem3A_37 = arith.constant 4 : i32
      %rem3A_38 = arith.remsi %scan3A_26, %rem3A_37 : i32
      %eq3A_39 = arith.constant 2 : i32
      %eq3A_40 = arith.cmpi eq, %rem3A_38, %eq3A_39 : i32
      %convert_element_type3A_41 = arith.extui %eq3A_40 : i1 to i32
      %cond3A_42 = arith.constant 0 : i32
      %cond3A_43 = arith.cmpi ne, %convert_element_type3A_41, %cond3A_42 : i32
      scf.if %cond3A_43 {
        %ge3A = arith.constant 2 : i32
        %ge3A_51 = arith.cmpi sge, %scan3A_26, %ge3A : i32
        %convert_element_type3A_52 = arith.extui %ge3A_51 : i1 to i32
        %cond3A_53 = arith.constant 0 : i32
        %cond3A_54 = arith.cmpi ne, %convert_element_type3A_52, %cond3A_53 : i32
        scf.if %cond3A_54 {
          %dma_wait3A_74 = arith.constant 0 : i32
          %dma_wait3A_75 = arith.constant 0 : i32
          %dma_wait3A_76 = tpu.memref_slice %arg19[%dma_wait3A_74, %dma_wait3A_75] : memref<10240x128xf32, #tpu.memory_space<vmem_shared>> -> memref<10240x128xf32, #tpu.memory_space<vmem_shared>>
          tpu.wait_indirect_dma semaphore(%arg28 : memref<!tpu.dma_semaphore, #tpu.memory_space<semaphore_mem>>) src(%arg7 : memref<80x128xf32, #tpu.memory_space<vmem>>) dst(%dma_wait3A_76 : memref<10240x128xf32, #tpu.memory_space<vmem_shared>>)
        } else {
        }
        %add3A_55 = arith.constant 2 : i32
        %add3A_56 = arith.addi %scan3A_26, %add3A_55 : i32
        %lt3A = arith.constant 125 : i32
        %lt3A_57 = arith.cmpi slt, %add3A_56, %lt3A : i32
        %convert_element_type3A_58 = arith.extui %lt3A_57 : i1 to i32
        %cond3A_59 = arith.constant 0 : i32
        %cond3A_60 = arith.cmpi ne, %convert_element_type3A_58, %cond3A_59 : i32
        scf.if %cond3A_60 {
          %add3A_74 = arith.constant 2 : i32
          %add3A_75 = arith.addi %scan3A_26, %add3A_74 : i32
          %mul3A_76 = arith.constant 1 : i32
          %mul3A_77 = arith.muli %add3A_75, %mul3A_76 : i32
          %add3A_78 = arith.constant 0 : i32
          %add3A_79 = arith.addi %mul3A_77, %add3A_78 : i32
          %mul3A_80 = arith.constant 80 : i32
          %mul3A_81 = arith.muli %add3A_79, %mul3A_80 : i32
          %add3A_82 = arith.addi %mul3A_2, %mul3A_81 : i32
          %dma_start3A_83 = tpu.memref_slice %arg3[%add3A_82] : memref<320000xi32, #tpu.memory_space<hbm>> -> memref<80xi32, #tpu.memory_space<hbm>>
          %dma_start3A_84 = tpu.memref_slice %arg3[%add3A_82] : memref<320000xi32, #tpu.memory_space<hbm>> -> memref<80xi32, #tpu.memory_space<hbm>>
          tpu.enqueue_dma source(%dma_start3A_84 : memref<80xi32, #tpu.memory_space<hbm>>) target(%arg11 : memref<80xi32, #tpu.memory_space<vmem>>) target_semaphore(%arg20 : memref<!tpu.dma_semaphore, #tpu.memory_space<semaphore_mem>>)
          %dma_start3A_85 = tpu.memref_slice %arg4[%add3A_82] : memref<320000xi32, #tpu.memory_space<hbm>> -> memref<80xi32, #tpu.memory_space<hbm>>
          %dma_start3A_86 = tpu.memref_slice %arg4[%add3A_82] : memref<320000xi32, #tpu.memory_space<hbm>> -> memref<80xi32, #tpu.memory_space<hbm>>
          tpu.enqueue_dma source(%dma_start3A_86 : memref<80xi32, #tpu.memory_space<hbm>>) target(%arg15 : memref<80xi32, #tpu.memory_space<vmem>>) target_semaphore(%arg20 : memref<!tpu.dma_semaphore, #tpu.memory_space<semaphore_mem>>)
        } else {
        }
        %add3A_61 = arith.constant 1 : i32
        %add3A_62 = arith.addi %scan3A_26, %add3A_61 : i32
        %lt3A_63 = arith.constant 125 : i32
        %lt3A_64 = arith.cmpi slt, %add3A_62, %lt3A_63 : i32
        %convert_element_type3A_65 = arith.extui %lt3A_64 : i1 to i32
        %cond3A_66 = arith.constant 0 : i32
        %cond3A_67 = arith.cmpi ne, %convert_element_type3A_65, %cond3A_66 : i32
        scf.if %cond3A_67 {
          %ge3A_74 = arith.constant 1 : i32
          %ge3A_75 = arith.cmpi sge, %scan3A_26, %ge3A_74 : i32
          %convert_element_type3A_76 = arith.extui %ge3A_75 : i1 to i32
          %cond3A_77 = arith.constant 0 : i32
          %cond3A_78 = arith.cmpi ne, %convert_element_type3A_76, %cond3A_77 : i32
          scf.if %cond3A_78 {
            %add3A_82 = arith.constant 1 : i32
            %add3A_83 = arith.addi %scan3A_26, %add3A_82 : i32
            %mul3A_84 = arith.constant 1 : i32
            %mul3A_85 = arith.muli %add3A_83, %mul3A_84 : i32
            %add3A_86 = arith.constant 0 : i32
            %add3A_87 = arith.addi %mul3A_85, %add3A_86 : i32
            %mul3A_88 = arith.constant 80 : i32
            %mul3A_89 = arith.muli %add3A_87, %mul3A_88 : i32
            %add3A_90 = arith.addi %mul3A_2, %mul3A_89 : i32
            %dma_wait3A_91 = tpu.memref_slice %arg3[%add3A_90] : memref<320000xi32, #tpu.memory_space<hbm>> -> memref<80xi32, #tpu.memory_space<hbm>>
            %dma_wait3A_92 = tpu.memref_slice %arg3[%add3A_90] : memref<320000xi32, #tpu.memory_space<hbm>> -> memref<80xi32, #tpu.memory_space<hbm>>
            tpu.wait_dma2 semaphore(%arg23 : memref<!tpu.dma_semaphore, #tpu.memory_space<semaphore_mem>>) src(%dma_wait3A_92 : memref<80xi32, #tpu.memory_space<hbm>>) dst(%arg14 : memref<80xi32, #tpu.memory_space<vmem>>)
            %dma_wait3A_93 = tpu.memref_slice %arg4[%add3A_90] : memref<320000xi32, #tpu.memory_space<hbm>> -> memref<80xi32, #tpu.memory_space<hbm>>
            %dma_wait3A_94 = tpu.memref_slice %arg4[%add3A_90] : memref<320000xi32, #tpu.memory_space<hbm>> -> memref<80xi32, #tpu.memory_space<hbm>>
            tpu.wait_dma2 semaphore(%arg23 : memref<!tpu.dma_semaphore, #tpu.memory_space<semaphore_mem>>) src(%dma_wait3A_94 : memref<80xi32, #tpu.memory_space<hbm>>) dst(%arg18 : memref<80xi32, #tpu.memory_space<vmem>>)
          } else {
          }
          %dma_start3A_79 = arith.constant 0 : i32
          %dma_start3A_80 = arith.constant 0 : i32
          %dma_start3A_81 = tpu.memref_slice %arg2[%dma_start3A_79, %dma_start3A_80] : memref<10000x128xf32, #tpu.memory_space<hbm>> -> memref<10000x128xf32, #tpu.memory_space<hbm>>
          tpu.enqueue_indirect_dma source(%dma_start3A_81 : memref<10000x128xf32, #tpu.memory_space<hbm>>) target(%arg10 : memref<80x128xf32, #tpu.memory_space<vmem>>) offsets(%arg14 : memref<80xi32, #tpu.memory_space<vmem>>) semaphore(%arg27 : memref<!tpu.dma_semaphore, #tpu.memory_space<semaphore_mem>>)
        } else {
        }
        %dma_wait3A_68 = arith.constant 0 : i32
        %dma_wait3A_69 = arith.constant 0 : i32
        %dma_wait3A_70 = tpu.memref_slice %arg2[%dma_wait3A_68, %dma_wait3A_69] : memref<10000x128xf32, #tpu.memory_space<hbm>> -> memref<10000x128xf32, #tpu.memory_space<hbm>>
        tpu.wait_indirect_dma semaphore(%arg26 : memref<!tpu.dma_semaphore, #tpu.memory_space<semaphore_mem>>) src(%dma_wait3A_70 : memref<10000x128xf32, #tpu.memory_space<hbm>>) dst(%arg9 : memref<80x128xf32, #tpu.memory_space<vmem>>)
        %dma_start3A_71 = arith.constant 0 : i32
        %dma_start3A_72 = arith.constant 0 : i32
        %dma_start3A_73 = tpu.memref_slice %arg19[%dma_start3A_71, %dma_start3A_72] : memref<10240x128xf32, #tpu.memory_space<vmem_shared>> -> memref<10240x128xf32, #tpu.memory_space<vmem_shared>>
        tpu.enqueue_indirect_dma source(%arg9 : memref<80x128xf32, #tpu.memory_space<vmem>>) target(%dma_start3A_73 : memref<10240x128xf32, #tpu.memory_space<vmem_shared>>) offsets(%arg17 : memref<80xi32, #tpu.memory_space<vmem>>) semaphore(%arg30 : memref<!tpu.dma_semaphore, #tpu.memory_space<semaphore_mem>>) {add = true}
      } else {
      }
      %rem3A_44 = arith.constant 4 : i32
      %rem3A_45 = arith.remsi %scan3A_26, %rem3A_44 : i32
      %eq3A_46 = arith.constant 3 : i32
      %eq3A_47 = arith.cmpi eq, %rem3A_45, %eq3A_46 : i32
      %convert_element_type3A_48 = arith.extui %eq3A_47 : i1 to i32
      %cond3A_49 = arith.constant 0 : i32
      %cond3A_50 = arith.cmpi ne, %convert_element_type3A_48, %cond3A_49 : i32
      scf.if %cond3A_50 {
        %ge3A = arith.constant 2 : i32
        %ge3A_51 = arith.cmpi sge, %scan3A_26, %ge3A : i32
        %convert_element_type3A_52 = arith.extui %ge3A_51 : i1 to i32
        %cond3A_53 = arith.constant 0 : i32
        %cond3A_54 = arith.cmpi ne, %convert_element_type3A_52, %cond3A_53 : i32
        scf.if %cond3A_54 {
          %dma_wait3A_74 = arith.constant 0 : i32
          %dma_wait3A_75 = arith.constant 0 : i32
          %dma_wait3A_76 = tpu.memref_slice %arg19[%dma_wait3A_74, %dma_wait3A_75] : memref<10240x128xf32, #tpu.memory_space<vmem_shared>> -> memref<10240x128xf32, #tpu.memory_space<vmem_shared>>
          tpu.wait_indirect_dma semaphore(%arg29 : memref<!tpu.dma_semaphore, #tpu.memory_space<semaphore_mem>>) src(%arg8 : memref<80x128xf32, #tpu.memory_space<vmem>>) dst(%dma_wait3A_76 : memref<10240x128xf32, #tpu.memory_space<vmem_shared>>)
        } else {
        }
        %add3A_55 = arith.constant 2 : i32
        %add3A_56 = arith.addi %scan3A_26, %add3A_55 : i32
        %lt3A = arith.constant 125 : i32
        %lt3A_57 = arith.cmpi slt, %add3A_56, %lt3A : i32
        %convert_element_type3A_58 = arith.extui %lt3A_57 : i1 to i32
        %cond3A_59 = arith.constant 0 : i32
        %cond3A_60 = arith.cmpi ne, %convert_element_type3A_58, %cond3A_59 : i32
        scf.if %cond3A_60 {
          %add3A_74 = arith.constant 2 : i32
          %add3A_75 = arith.addi %scan3A_26, %add3A_74 : i32
          %mul3A_76 = arith.constant 1 : i32
          %mul3A_77 = arith.muli %add3A_75, %mul3A_76 : i32
          %add3A_78 = arith.constant 0 : i32
          %add3A_79 = arith.addi %mul3A_77, %add3A_78 : i32
          %mul3A_80 = arith.constant 80 : i32
          %mul3A_81 = arith.muli %add3A_79, %mul3A_80 : i32
          %add3A_82 = arith.addi %mul3A_2, %mul3A_81 : i32
          %dma_start3A_83 = tpu.memref_slice %arg3[%add3A_82] : memref<320000xi32, #tpu.memory_space<hbm>> -> memref<80xi32, #tpu.memory_space<hbm>>
          %dma_start3A_84 = tpu.memref_slice %arg3[%add3A_82] : memref<320000xi32, #tpu.memory_space<hbm>> -> memref<80xi32, #tpu.memory_space<hbm>>
          tpu.enqueue_dma source(%dma_start3A_84 : memref<80xi32, #tpu.memory_space<hbm>>) target(%arg12 : memref<80xi32, #tpu.memory_space<vmem>>) target_semaphore(%arg21 : memref<!tpu.dma_semaphore, #tpu.memory_space<semaphore_mem>>)
          %dma_start3A_85 = tpu.memref_slice %arg4[%add3A_82] : memref<320000xi32, #tpu.memory_space<hbm>> -> memref<80xi32, #tpu.memory_space<hbm>>
          %dma_start3A_86 = tpu.memref_slice %arg4[%add3A_82] : memref<320000xi32, #tpu.memory_space<hbm>> -> memref<80xi32, #tpu.memory_space<hbm>>
          tpu.enqueue_dma source(%dma_start3A_86 : memref<80xi32, #tpu.memory_space<hbm>>) target(%arg16 : memref<80xi32, #tpu.memory_space<vmem>>) target_semaphore(%arg21 : memref<!tpu.dma_semaphore, #tpu.memory_space<semaphore_mem>>)
        } else {
        }
        %add3A_61 = arith.constant 1 : i32
        %add3A_62 = arith.addi %scan3A_26, %add3A_61 : i32
        %lt3A_63 = arith.constant 125 : i32
        %lt3A_64 = arith.cmpi slt, %add3A_62, %lt3A_63 : i32
        %convert_element_type3A_65 = arith.extui %lt3A_64 : i1 to i32
        %cond3A_66 = arith.constant 0 : i32
        %cond3A_67 = arith.cmpi ne, %convert_element_type3A_65, %cond3A_66 : i32
        scf.if %cond3A_67 {
          %ge3A_74 = arith.constant 1 : i32
          %ge3A_75 = arith.cmpi sge, %scan3A_26, %ge3A_74 : i32
          %convert_element_type3A_76 = arith.extui %ge3A_75 : i1 to i32
          %cond3A_77 = arith.constant 0 : i32
          %cond3A_78 = arith.cmpi ne, %convert_element_type3A_76, %cond3A_77 : i32
          scf.if %cond3A_78 {
            %add3A_82 = arith.constant 1 : i32
            %add3A_83 = arith.addi %scan3A_26, %add3A_82 : i32
            %mul3A_84 = arith.constant 1 : i32
            %mul3A_85 = arith.muli %add3A_83, %mul3A_84 : i32
            %add3A_86 = arith.constant 0 : i32
            %add3A_87 = arith.addi %mul3A_85, %add3A_86 : i32
            %mul3A_88 = arith.constant 80 : i32
            %mul3A_89 = arith.muli %add3A_87, %mul3A_88 : i32
            %add3A_90 = arith.addi %mul3A_2, %mul3A_89 : i32
            %dma_wait3A_91 = tpu.memref_slice %arg3[%add3A_90] : memref<320000xi32, #tpu.memory_space<hbm>> -> memref<80xi32, #tpu.memory_space<hbm>>
            %dma_wait3A_92 = tpu.memref_slice %arg3[%add3A_90] : memref<320000xi32, #tpu.memory_space<hbm>> -> memref<80xi32, #tpu.memory_space<hbm>>
            tpu.wait_dma2 semaphore(%arg20 : memref<!tpu.dma_semaphore, #tpu.memory_space<semaphore_mem>>) src(%dma_wait3A_92 : memref<80xi32, #tpu.memory_space<hbm>>) dst(%arg11 : memref<80xi32, #tpu.memory_space<vmem>>)
            %dma_wait3A_93 = tpu.memref_slice %arg4[%add3A_90] : memref<320000xi32, #tpu.memory_space<hbm>> -> memref<80xi32, #tpu.memory_space<hbm>>
            %dma_wait3A_94 = tpu.memref_slice %arg4[%add3A_90] : memref<320000xi32, #tpu.memory_space<hbm>> -> memref<80xi32, #tpu.memory_space<hbm>>
            tpu.wait_dma2 semaphore(%arg20 : memref<!tpu.dma_semaphore, #tpu.memory_space<semaphore_mem>>) src(%dma_wait3A_94 : memref<80xi32, #tpu.memory_space<hbm>>) dst(%arg15 : memref<80xi32, #tpu.memory_space<vmem>>)
          } else {
          }
          %dma_start3A_79 = arith.constant 0 : i32
          %dma_start3A_80 = arith.constant 0 : i32
          %dma_start3A_81 = tpu.memref_slice %arg2[%dma_start3A_79, %dma_start3A_80] : memref<10000x128xf32, #tpu.memory_space<hbm>> -> memref<10000x128xf32, #tpu.memory_space<hbm>>
          tpu.enqueue_indirect_dma source(%dma_start3A_81 : memref<10000x128xf32, #tpu.memory_space<hbm>>) target(%arg7 : memref<80x128xf32, #tpu.memory_space<vmem>>) offsets(%arg11 : memref<80xi32, #tpu.memory_space<vmem>>) semaphore(%arg24 : memref<!tpu.dma_semaphore, #tpu.memory_space<semaphore_mem>>)
        } else {
        }
        %dma_wait3A_68 = arith.constant 0 : i32
        %dma_wait3A_69 = arith.constant 0 : i32
        %dma_wait3A_70 = tpu.memref_slice %arg2[%dma_wait3A_68, %dma_wait3A_69] : memref<10000x128xf32, #tpu.memory_space<hbm>> -> memref<10000x128xf32, #tpu.memory_space<hbm>>
        tpu.wait_indirect_dma semaphore(%arg27 : memref<!tpu.dma_semaphore, #tpu.memory_space<semaphore_mem>>) src(%dma_wait3A_70 : memref<10000x128xf32, #tpu.memory_space<hbm>>) dst(%arg10 : memref<80x128xf32, #tpu.memory_space<vmem>>)
        %dma_start3A_71 = arith.constant 0 : i32
        %dma_start3A_72 = arith.constant 0 : i32
        %dma_start3A_73 = tpu.memref_slice %arg19[%dma_start3A_71, %dma_start3A_72] : memref<10240x128xf32, #tpu.memory_space<vmem_shared>> -> memref<10240x128xf32, #tpu.memory_space<vmem_shared>>
        tpu.enqueue_indirect_dma source(%arg10 : memref<80x128xf32, #tpu.memory_space<vmem>>) target(%dma_start3A_73 : memref<10240x128xf32, #tpu.memory_space<vmem_shared>>) offsets(%arg18 : memref<80xi32, #tpu.memory_space<vmem>>) semaphore(%arg31 : memref<!tpu.dma_semaphore, #tpu.memory_space<semaphore_mem>>) {add = true}
      } else {
      }
    }
    %scan3A_15 = arith.constant 125 : i32
    %dma_wait3A = arith.constant 0 : i32
    %dma_wait3A_16 = arith.constant 0 : i32
    %dma_wait3A_17 = tpu.memref_slice %arg19[%dma_wait3A, %dma_wait3A_16] : memref<10240x128xf32, #tpu.memory_space<vmem_shared>> -> memref<10240x128xf32, #tpu.memory_space<vmem_shared>>
    tpu.wait_indirect_dma semaphore(%arg31 : memref<!tpu.dma_semaphore, #tpu.memory_space<semaphore_mem>>) src(%arg10 : memref<80x128xf32, #tpu.memory_space<vmem>>) dst(%dma_wait3A_17 : memref<10240x128xf32, #tpu.memory_space<vmem_shared>>)
    %dma_wait3A_18 = arith.constant 0 : i32
    %dma_wait3A_19 = arith.constant 0 : i32
    %dma_wait3A_20 = tpu.memref_slice %arg19[%dma_wait3A_18, %dma_wait3A_19] : memref<10240x128xf32, #tpu.memory_space<vmem_shared>> -> memref<10240x128xf32, #tpu.memory_space<vmem_shared>>
    tpu.wait_indirect_dma semaphore(%arg28 : memref<!tpu.dma_semaphore, #tpu.memory_space<semaphore_mem>>) src(%arg7 : memref<80x128xf32, #tpu.memory_space<vmem>>) dst(%dma_wait3A_20 : memref<10240x128xf32, #tpu.memory_space<vmem_shared>>)
    %barrier3A_21 = arith.constant 0 : index
    tpu.barrier barrier_id(%barrier3A_21)
    %mul3A_22 = arith.constant 640 : i32
    %mul3A_23 = arith.muli %arg1, %mul3A_22 : i32
    %mul3A_24 = arith.constant 640 : i32
    %mul3A_25 = arith.muli %arg1, %mul3A_24 : i32
    "tpu.region"() ({
      %run_scoped3A = tpu.sem_alloc : memref<!tpu.dma_semaphore, #tpu.memory_space<semaphore_mem>>
      %dma_start3A_26 = arith.constant 0 : i32
      %dma_start3A_27 = tpu.memref_slice %arg6[%arg0, %mul3A_25, %dma_start3A_26] : memref<2x10240x128xf32, #tpu.memory_space<hbm>> -> memref<1x640x128xf32, #tpu.memory_space<hbm>>
      %dma_start3A_28 = tpu.memref_squeeze %dma_start3A_27 : memref<1x640x128xf32, #tpu.memory_space<hbm>> -> memref<640x128xf32, #tpu.memory_space<hbm>>
      %dma_start3A_29 = arith.constant 0 : i32
      %dma_start3A_30 = tpu.memref_slice %arg19[%mul3A_23, %dma_start3A_29] : memref<10240x128xf32, #tpu.memory_space<vmem_shared>> -> memref<640x128xf32, #tpu.memory_space<vmem_shared>>
      tpu.enqueue_dma source(%dma_start3A_30 : memref<640x128xf32, #tpu.memory_space<vmem_shared>>) target(%dma_start3A_28 : memref<640x128xf32, #tpu.memory_space<hbm>>) target_semaphore(%run_scoped3A : memref<!tpu.dma_semaphore, #tpu.memory_space<semaphore_mem>>)
      %dma_wait3A_31 = arith.constant 0 : i32
      %dma_wait3A_32 = tpu.memref_slice %arg6[%arg0, %mul3A_25, %dma_wait3A_31] : memref<2x10240x128xf32, #tpu.memory_space<hbm>> -> memref<1x640x128xf32, #tpu.memory_space<hbm>>
      %dma_wait3A_33 = tpu.memref_squeeze %dma_wait3A_32 : memref<1x640x128xf32, #tpu.memory_space<hbm>> -> memref<640x128xf32, #tpu.memory_space<hbm>>
      %dma_wait3A_34 = arith.constant 0 : i32
      %dma_wait3A_35 = tpu.memref_slice %arg19[%mul3A_23, %dma_wait3A_34] : memref<10240x128xf32, #tpu.memory_space<vmem_shared>> -> memref<640x128xf32, #tpu.memory_space<vmem_shared>>
      tpu.wait_dma2 semaphore(%run_scoped3A : memref<!tpu.dma_semaphore, #tpu.memory_space<semaphore_mem>>) src(%dma_wait3A_35 : memref<640x128xf32, #tpu.memory_space<vmem_shared>>) dst(%dma_wait3A_33 : memref<640x128xf32, #tpu.memory_space<hbm>>)
      tpu.yield
    }) : () -> ()
    return
  }
}

#map = affine_map<(d0, d1) -> (0, 0)>
#map1 = affine_map<(d0, d1) -> (0)>
#map2 = affine_map<(d0, d1) -> (0, 0, 0)>
module attributes {stable_mosaic.version = 14 : i64} {
  func.func @k(%arg0: i32, %arg1: i32, %arg2: memref<10000x128xf32, #tpu.memory_space<hbm>>, %arg3: memref<320000xi32, #tpu.memory_space<hbm>>, %arg4: memref<320000xi32, #tpu.memory_space<hbm>>, %arg5: memref<640x128xf32, #tpu.memory_space<hbm>>, %arg6: memref<2x10240x128xf32, #tpu.memory_space<hbm>>, %arg7: memref<80x128xf32, #tpu.memory_space<vmem>>, %arg8: memref<80x128xf32, #tpu.memory_space<vmem>>, %arg9: memref<80x128xf32, #tpu.memory_space<vmem>>, %arg10: memref<80x128xf32, #tpu.memory_space<vmem>>, %arg11: memref<80xi32, #tpu.memory_space<vmem>>, %arg12: memref<80xi32, #tpu.memory_space<vmem>>, %arg13: memref<80xi32, #tpu.memory_space<vmem>>, %arg14: memref<80xi32, #tpu.memory_space<vmem>>, %arg15: memref<80xi32, #tpu.memory_space<vmem>>, %arg16: memref<80xi32, #tpu.memory_space<vmem>>, %arg17: memref<80xi32, #tpu.memory_space<vmem>>, %arg18: memref<80xi32, #tpu.memory_space<vmem>>, %arg19: memref<10240x128xf32, #tpu.memory_space<vmem_shared>>, %arg20: memref<!tpu.dma_semaphore, #tpu.memory_space<semaphore_mem>>, %arg21: memref<!tpu.dma_semaphore, #tpu.memory_space<semaphore_mem>>, %arg22: memref<!tpu.dma_semaphore, #tpu.memory_space<semaphore_mem>>, %arg23: memref<!tpu.dma_semaphore, #tpu.memory_space<semaphore_mem>>, %arg24: memref<!tpu.dma_semaphore, #tpu.memory_space<semaphore_mem>>, %arg25: memref<!tpu.dma_semaphore, #tpu.memory_space<semaphore_mem>>, %arg26: memref<!tpu.dma_semaphore, #tpu.memory_space<semaphore_mem>>, %arg27: memref<!tpu.dma_semaphore, #tpu.memory_space<semaphore_mem>>, %arg28: memref<!tpu.dma_semaphore, #tpu.memory_space<semaphore_mem>>, %arg29: memref<!tpu.dma_semaphore, #tpu.memory_space<semaphore_mem>>, %arg30: memref<!tpu.dma_semaphore, #tpu.memory_space<semaphore_mem>>, %arg31: memref<!tpu.dma_semaphore, #tpu.memory_space<semaphore_mem>>) attributes {dimension_semantics = [#tpu.dimension_semantics<core_parallel>, #tpu.dimension_semantics<subcore_parallel>], iteration_bounds = array<i64: 2, 16>, scalar_prefetch = 0 : i64, scratch_operands = 25 : i64, tpu.core_type = #tpu.core_type<sc_vector_subcore>, window_params = [{transform_indices = #map}, {transform_indices = #map1}, {transform_indices = #map1}, {transform_indices = #map}, {transform_indices = #map2}]} {
    %mul3A = arith.constant 16 : i32
    %mul3A_0 = arith.muli %arg0, %mul3A : i32
    %add3A = arith.addi %mul3A_0, %arg1 : i32
    %mul3A_1 = arith.constant 10000 : i32
    %mul3A_2 = arith.muli %add3A, %mul3A_1 : i32
    %mul3A_3 = arith.constant 640 : i32
    %mul3A_4 = arith.muli %arg1, %mul3A_3 : i32
    "tpu.region"() ({
      %run_scoped3A = tpu.sem_alloc : memref<!tpu.dma_semaphore, #tpu.memory_space<semaphore_mem>>
      %dma_start3A_26 = arith.constant 0 : i32
      %dma_start3A_27 = tpu.memref_slice %arg19[%mul3A_4, %dma_start3A_26] : memref<10240x128xf32, #tpu.memory_space<vmem_shared>> -> memref<640x128xf32, #tpu.memory_space<vmem_shared>>
      tpu.enqueue_dma source(%arg5 : memref<640x128xf32, #tpu.memory_space<hbm>>) target(%dma_start3A_27 : memref<640x128xf32, #tpu.memory_space<vmem_shared>>) target_semaphore(%run_scoped3A : memref<!tpu.dma_semaphore, #tpu.memory_space<semaphore_mem>>)
      %dma_wait3A_28 = arith.constant 0 : i32
      %dma_wait3A_29 = tpu.memref_slice %arg19[%mul3A_4, %dma_wait3A_28] : memref<10240x128xf32, #tpu.memory_space<vmem_shared>> -> memref<640x128xf32, #tpu.memory_space<vmem_shared>>
      tpu.wait_dma2 semaphore(%run_scoped3A : memref<!tpu.dma_semaphore, #tpu.memory_space<semaphore_mem>>) src(%arg5 : memref<640x128xf32, #tpu.memory_space<hbm>>) dst(%dma_wait3A_29 : memref<640x128xf32, #tpu.memory_space<vmem_shared>>)
      tpu.yield
    }) : () -> ()
    %barrier3A = arith.constant 0 : index
    tpu.barrier barrier_id(%barrier3A)
    %add3A_5 = arith.constant 0 : i32
    %add3A_6 = arith.addi %mul3A_2, %add3A_5 : i32
    "tpu.region"() ({
      %run_scoped3A = tpu.sem_alloc : memref<!tpu.dma_semaphore, #tpu.memory_space<semaphore_mem>>
      %dma_start3A_26 = tpu.memref_slice %arg3[%add3A_6] : memref<320000xi32, #tpu.memory_space<hbm>> -> memref<80xi32, #tpu.memory_space<hbm>>
      %dma_start3A_27 = tpu.memref_slice %arg3[%add3A_6] : memref<320000xi32, #tpu.memory_space<hbm>> -> memref<80xi32, #tpu.memory_space<hbm>>
      tpu.enqueue_dma source(%dma_start3A_27 : memref<80xi32, #tpu.memory_space<hbm>>) target(%arg11 : memref<80xi32, #tpu.memory_space<vmem>>) target_semaphore(%run_scoped3A : memref<!tpu.dma_semaphore, #tpu.memory_space<semaphore_mem>>)
      %dma_wait3A_28 = tpu.memref_slice %arg3[%add3A_6] : memref<320000xi32, #tpu.memory_space<hbm>> -> memref<80xi32, #tpu.memory_space<hbm>>
      %dma_wait3A_29 = tpu.memref_slice %arg3[%add3A_6] : memref<320000xi32, #tpu.memory_space<hbm>> -> memref<80xi32, #tpu.memory_space<hbm>>
      tpu.wait_dma2 semaphore(%run_scoped3A : memref<!tpu.dma_semaphore, #tpu.memory_space<semaphore_mem>>) src(%dma_wait3A_29 : memref<80xi32, #tpu.memory_space<hbm>>) dst(%arg11 : memref<80xi32, #tpu.memory_space<vmem>>)
      tpu.yield
    }) : () -> ()
    "tpu.region"() ({
      %run_scoped3A = tpu.sem_alloc : memref<!tpu.dma_semaphore, #tpu.memory_space<semaphore_mem>>
      %dma_start3A_26 = tpu.memref_slice %arg4[%add3A_6] : memref<320000xi32, #tpu.memory_space<hbm>> -> memref<80xi32, #tpu.memory_space<hbm>>
      %dma_start3A_27 = tpu.memref_slice %arg4[%add3A_6] : memref<320000xi32, #tpu.memory_space<hbm>> -> memref<80xi32, #tpu.memory_space<hbm>>
      tpu.enqueue_dma source(%dma_start3A_27 : memref<80xi32, #tpu.memory_space<hbm>>) target(%arg15 : memref<80xi32, #tpu.memory_space<vmem>>) target_semaphore(%run_scoped3A : memref<!tpu.dma_semaphore, #tpu.memory_space<semaphore_mem>>)
      %dma_wait3A_28 = tpu.memref_slice %arg4[%add3A_6] : memref<320000xi32, #tpu.memory_space<hbm>> -> memref<80xi32, #tpu.memory_space<hbm>>
      %dma_wait3A_29 = tpu.memref_slice %arg4[%add3A_6] : memref<320000xi32, #tpu.memory_space<hbm>> -> memref<80xi32, #tpu.memory_space<hbm>>
      tpu.wait_dma2 semaphore(%run_scoped3A : memref<!tpu.dma_semaphore, #tpu.memory_space<semaphore_mem>>) src(%dma_wait3A_29 : memref<80xi32, #tpu.memory_space<hbm>>) dst(%arg15 : memref<80xi32, #tpu.memory_space<vmem>>)
      tpu.yield
    }) : () -> ()
    %add3A_7 = arith.constant 80 : i32
    %add3A_8 = arith.addi %mul3A_2, %add3A_7 : i32
    "tpu.region"() ({
      %run_scoped3A = tpu.sem_alloc : memref<!tpu.dma_semaphore, #tpu.memory_space<semaphore_mem>>
      %dma_start3A_26 = tpu.memref_slice %arg3[%add3A_8] : memref<320000xi32, #tpu.memory_space<hbm>> -> memref<80xi32, #tpu.memory_space<hbm>>
      %dma_start3A_27 = tpu.memref_slice %arg3[%add3A_8] : memref<320000xi32, #tpu.memory_space<hbm>> -> memref<80xi32, #tpu.memory_space<hbm>>
      tpu.enqueue_dma source(%dma_start3A_27 : memref<80xi32, #tpu.memory_space<hbm>>) target(%arg12 : memref<80xi32, #tpu.memory_space<vmem>>) target_semaphore(%run_scoped3A : memref<!tpu.dma_semaphore, #tpu.memory_space<semaphore_mem>>)
      %dma_wait3A_28 = tpu.memref_slice %arg3[%add3A_8] : memref<320000xi32, #tpu.memory_space<hbm>> -> memref<80xi32, #tpu.memory_space<hbm>>
      %dma_wait3A_29 = tpu.memref_slice %arg3[%add3A_8] : memref<320000xi32, #tpu.memory_space<hbm>> -> memref<80xi32, #tpu.memory_space<hbm>>
      tpu.wait_dma2 semaphore(%run_scoped3A : memref<!tpu.dma_semaphore, #tpu.memory_space<semaphore_mem>>) src(%dma_wait3A_29 : memref<80xi32, #tpu.memory_space<hbm>>) dst(%arg12 : memref<80xi32, #tpu.memory_space<vmem>>)
      tpu.yield
    }) : () -> ()
    "tpu.region"() ({
      %run_scoped3A = tpu.sem_alloc : memref<!tpu.dma_semaphore, #tpu.memory_space<semaphore_mem>>
      %dma_start3A_26 = tpu.memref_slice %arg4[%add3A_8] : memref<320000xi32, #tpu.memory_space<hbm>> -> memref<80xi32, #tpu.memory_space<hbm>>
      %dma_start3A_27 = tpu.memref_slice %arg4[%add3A_8] : memref<320000xi32, #tpu.memory_space<hbm>> -> memref<80xi32, #tpu.memory_space<hbm>>
      tpu.enqueue_dma source(%dma_start3A_27 : memref<80xi32, #tpu.memory_space<hbm>>) target(%arg16 : memref<80xi32, #tpu.memory_space<vmem>>) target_semaphore(%run_scoped3A : memref<!tpu.dma_semaphore, #tpu.memory_space<semaphore_mem>>)
      %dma_wait3A_28 = tpu.memref_slice %arg4[%add3A_8] : memref<320000xi32, #tpu.memory_space<hbm>> -> memref<80xi32, #tpu.memory_space<hbm>>
      %dma_wait3A_29 = tpu.memref_slice %arg4[%add3A_8] : memref<320000xi32, #tpu.memory_space<hbm>> -> memref<80xi32, #tpu.memory_space<hbm>>
      tpu.wait_dma2 semaphore(%run_scoped3A : memref<!tpu.dma_semaphore, #tpu.memory_space<semaphore_mem>>) src(%dma_wait3A_29 : memref<80xi32, #tpu.memory_space<hbm>>) dst(%arg16 : memref<80xi32, #tpu.memory_space<vmem>>)
      tpu.yield
    }) : () -> ()
    %dma_start3A = arith.constant 0 : i32
    %dma_start3A_9 = arith.constant 0 : i32
    %dma_start3A_10 = tpu.memref_slice %arg2[%dma_start3A, %dma_start3A_9] : memref<10000x128xf32, #tpu.memory_space<hbm>> -> memref<10000x128xf32, #tpu.memory_space<hbm>>
    tpu.enqueue_indirect_dma source(%dma_start3A_10 : memref<10000x128xf32, #tpu.memory_space<hbm>>) target(%arg7 : memref<80x128xf32, #tpu.memory_space<vmem>>) offsets(%arg11 : memref<80xi32, #tpu.memory_space<vmem>>) semaphore(%arg24 : memref<!tpu.dma_semaphore, #tpu.memory_space<semaphore_mem>>)
    %scan3A = arith.constant 0 : i32
    %scan3A_11 = arith.constant 0 : i32
    %scan3A_12 = arith.constant 125 : i32
    %scan3A_13 = arith.addi %scan3A_11, %scan3A_12 : i32
    %scan3A_14 = arith.constant 1 : i32
    scf.for %scan3A_26 = %scan3A_11 to %scan3A_13 step %scan3A_14  : i32 {
      %rem3A = arith.constant 4 : i32
      %rem3A_27 = arith.remsi %scan3A_26, %rem3A : i32
      %eq3A = arith.constant 0 : i32
      %eq3A_28 = arith.cmpi eq, %rem3A_27, %eq3A : i32
      %convert_element_type3A = arith.extui %eq3A_28 : i1 to i32
      %cond3A = arith.constant 0 : i32
      %cond3A_29 = arith.cmpi ne, %convert_element_type3A, %cond3A : i32
      scf.if %cond3A_29 {
        %ge3A = arith.constant 2 : i32
        %ge3A_51 = arith.cmpi sge, %scan3A_26, %ge3A : i32
        %convert_element_type3A_52 = arith.extui %ge3A_51 : i1 to i32
        %cond3A_53 = arith.constant 0 : i32
        %cond3A_54 = arith.cmpi ne, %convert_element_type3A_52, %cond3A_53 : i32
        scf.if %cond3A_54 {
          %dma_wait3A_74 = arith.constant 0 : i32
          %dma_wait3A_75 = arith.constant 0 : i32
          %dma_wait3A_76 = tpu.memref_slice %arg19[%dma_wait3A_74, %dma_wait3A_75] : memref<10240x128xf32, #tpu.memory_space<vmem_shared>> -> memref<10240x128xf32, #tpu.memory_space<vmem_shared>>
          tpu.wait_indirect_dma semaphore(%arg30 : memref<!tpu.dma_semaphore, #tpu.memory_space<semaphore_mem>>) src(%arg9 : memref<80x128xf32, #tpu.memory_space<vmem>>) dst(%dma_wait3A_76 : memref<10240x128xf32, #tpu.memory_space<vmem_shared>>)
        } else {
        }
        %add3A_55 = arith.constant 2 : i32
        %add3A_56 = arith.addi %scan3A_26, %add3A_55 : i32
        %lt3A = arith.constant 125 : i32
        %lt3A_57 = arith.cmpi slt, %add3A_56, %lt3A : i32
        %convert_element_type3A_58 = arith.extui %lt3A_57 : i1 to i32
        %cond3A_59 = arith.constant 0 : i32
        %cond3A_60 = arith.cmpi ne, %convert_element_type3A_58, %cond3A_59 : i32
        scf.if %cond3A_60 {
          %add3A_74 = arith.constant 2 : i32
          %add3A_75 = arith.addi %scan3A_26, %add3A_74 : i32
          %mul3A_76 = arith.constant 1 : i32
          %mul3A_77 = arith.muli %add3A_75, %mul3A_76 : i32
          %add3A_78 = arith.constant 0 : i32
          %add3A_79 = arith.addi %mul3A_77, %add3A_78 : i32
          %mul3A_80 = arith.constant 80 : i32
          %mul3A_81 = arith.muli %add3A_79, %mul3A_80 : i32
          %add3A_82 = arith.addi %mul3A_2, %mul3A_81 : i32
          %dma_start3A_83 = tpu.memref_slice %arg3[%add3A_82] : memref<320000xi32, #tpu.memory_space<hbm>> -> memref<80xi32, #tpu.memory_space<hbm>>
          %dma_start3A_84 = tpu.memref_slice %arg3[%add3A_82] : memref<320000xi32, #tpu.memory_space<hbm>> -> memref<80xi32, #tpu.memory_space<hbm>>
          tpu.enqueue_dma source(%dma_start3A_84 : memref<80xi32, #tpu.memory_space<hbm>>) target(%arg13 : memref<80xi32, #tpu.memory_space<vmem>>) target_semaphore(%arg22 : memref<!tpu.dma_semaphore, #tpu.memory_space<semaphore_mem>>)
          %dma_start3A_85 = tpu.memref_slice %arg4[%add3A_82] : memref<320000xi32, #tpu.memory_space<hbm>> -> memref<80xi32, #tpu.memory_space<hbm>>
          %dma_start3A_86 = tpu.memref_slice %arg4[%add3A_82] : memref<320000xi32, #tpu.memory_space<hbm>> -> memref<80xi32, #tpu.memory_space<hbm>>
          tpu.enqueue_dma source(%dma_start3A_86 : memref<80xi32, #tpu.memory_space<hbm>>) target(%arg17 : memref<80xi32, #tpu.memory_space<vmem>>) target_semaphore(%arg22 : memref<!tpu.dma_semaphore, #tpu.memory_space<semaphore_mem>>)
        } else {
        }
        %add3A_61 = arith.constant 1 : i32
        %add3A_62 = arith.addi %scan3A_26, %add3A_61 : i32
        %lt3A_63 = arith.constant 125 : i32
        %lt3A_64 = arith.cmpi slt, %add3A_62, %lt3A_63 : i32
        %convert_element_type3A_65 = arith.extui %lt3A_64 : i1 to i32
        %cond3A_66 = arith.constant 0 : i32
        %cond3A_67 = arith.cmpi ne, %convert_element_type3A_65, %cond3A_66 : i32
        scf.if %cond3A_67 {
          %ge3A_74 = arith.constant 1 : i32
          %ge3A_75 = arith.cmpi sge, %scan3A_26, %ge3A_74 : i32
          %convert_element_type3A_76 = arith.extui %ge3A_75 : i1 to i32
          %cond3A_77 = arith.constant 0 : i32
          %cond3A_78 = arith.cmpi ne, %convert_element_type3A_76, %cond3A_77 : i32
          scf.if %cond3A_78 {
            %add3A_82 = arith.constant 1 : i32
            %add3A_83 = arith.addi %scan3A_26, %add3A_82 : i32
            %mul3A_84 = arith.constant 1 : i32
            %mul3A_85 = arith.muli %add3A_83, %mul3A_84 : i32
            %add3A_86 = arith.constant 0 : i32
            %add3A_87 = arith.addi %mul3A_85, %add3A_86 : i32
            %mul3A_88 = arith.constant 80 : i32
            %mul3A_89 = arith.muli %add3A_87, %mul3A_88 : i32
            %add3A_90 = arith.addi %mul3A_2, %mul3A_89 : i32
            %dma_wait3A_91 = tpu.memref_slice %arg3[%add3A_90] : memref<320000xi32, #tpu.memory_space<hbm>> -> memref<80xi32, #tpu.memory_space<hbm>>
            %dma_wait3A_92 = tpu.memref_slice %arg3[%add3A_90] : memref<320000xi32, #tpu.memory_space<hbm>> -> memref<80xi32, #tpu.memory_space<hbm>>
            tpu.wait_dma2 semaphore(%arg21 : memref<!tpu.dma_semaphore, #tpu.memory_space<semaphore_mem>>) src(%dma_wait3A_92 : memref<80xi32, #tpu.memory_space<hbm>>) dst(%arg12 : memref<80xi32, #tpu.memory_space<vmem>>)
            %dma_wait3A_93 = tpu.memref_slice %arg4[%add3A_90] : memref<320000xi32, #tpu.memory_space<hbm>> -> memref<80xi32, #tpu.memory_space<hbm>>
            %dma_wait3A_94 = tpu.memref_slice %arg4[%add3A_90] : memref<320000xi32, #tpu.memory_space<hbm>> -> memref<80xi32, #tpu.memory_space<hbm>>
            tpu.wait_dma2 semaphore(%arg21 : memref<!tpu.dma_semaphore, #tpu.memory_space<semaphore_mem>>) src(%dma_wait3A_94 : memref<80xi32, #tpu.memory_space<hbm>>) dst(%arg16 : memref<80xi32, #tpu.memory_space<vmem>>)
          } else {
          }
          %dma_start3A_79 = arith.constant 0 : i32
          %dma_start3A_80 = arith.constant 0 : i32
          %dma_start3A_81 = tpu.memref_slice %arg2[%dma_start3A_79, %dma_start3A_80] : memref<10000x128xf32, #tpu.memory_space<hbm>> -> memref<10000x128xf32, #tpu.memory_space<hbm>>
          tpu.enqueue_indirect_dma source(%dma_start3A_81 : memref<10000x128xf32, #tpu.memory_space<hbm>>) target(%arg8 : memref<80x128xf32, #tpu.memory_space<vmem>>) offsets(%arg12 : memref<80xi32, #tpu.memory_space<vmem>>) semaphore(%arg25 : memref<!tpu.dma_semaphore, #tpu.memory_space<semaphore_mem>>)
        } else {
        }
        %dma_wait3A_68 = arith.constant 0 : i32
        %dma_wait3A_69 = arith.constant 0 : i32
        %dma_wait3A_70 = tpu.memref_slice %arg2[%dma_wait3A_68, %dma_wait3A_69] : memref<10000x128xf32, #tpu.memory_space<hbm>> -> memref<10000x128xf32, #tpu.memory_space<hbm>>
        tpu.wait_indirect_dma semaphore(%arg24 : memref<!tpu.dma_semaphore, #tpu.memory_space<semaphore_mem>>) src(%dma_wait3A_70 : memref<10000x128xf32, #tpu.memory_space<hbm>>) dst(%arg7 : memref<80x128xf32, #tpu.memory_space<vmem>>)
        %dma_start3A_71 = arith.constant 0 : i32
        %dma_start3A_72 = arith.constant 0 : i32
        %dma_start3A_73 = tpu.memref_slice %arg19[%dma_start3A_71, %dma_start3A_72] : memref<10240x128xf32, #tpu.memory_space<vmem_shared>> -> memref<10240x128xf32, #tpu.memory_space<vmem_shared>>
        tpu.enqueue_indirect_dma source(%arg7 : memref<80x128xf32, #tpu.memory_space<vmem>>) target(%dma_start3A_73 : memref<10240x128xf32, #tpu.memory_space<vmem_shared>>) offsets(%arg15 : memref<80xi32, #tpu.memory_space<vmem>>) semaphore(%arg28 : memref<!tpu.dma_semaphore, #tpu.memory_space<semaphore_mem>>) {add = true}
      } else {
      }
      %rem3A_30 = arith.constant 4 : i32
      %rem3A_31 = arith.remsi %scan3A_26, %rem3A_30 : i32
      %eq3A_32 = arith.constant 1 : i32
      %eq3A_33 = arith.cmpi eq, %rem3A_31, %eq3A_32 : i32
      %convert_element_type3A_34 = arith.extui %eq3A_33 : i1 to i32
      %cond3A_35 = arith.constant 0 : i32
      %cond3A_36 = arith.cmpi ne, %convert_element_type3A_34, %cond3A_35 : i32
      scf.if %cond3A_36 {
        %ge3A = arith.constant 2 : i32
        %ge3A_51 = arith.cmpi sge, %scan3A_26, %ge3A : i32
        %convert_element_type3A_52 = arith.extui %ge3A_51 : i1 to i32
        %cond3A_53 = arith.constant 0 : i32
        %cond3A_54 = arith.cmpi ne, %convert_element_type3A_52, %cond3A_53 : i32
        scf.if %cond3A_54 {
          %dma_wait3A_74 = arith.constant 0 : i32
          %dma_wait3A_75 = arith.constant 0 : i32
          %dma_wait3A_76 = tpu.memref_slice %arg19[%dma_wait3A_74, %dma_wait3A_75] : memref<10240x128xf32, #tpu.memory_space<vmem_shared>> -> memref<10240x128xf32, #tpu.memory_space<vmem_shared>>
          tpu.wait_indirect_dma semaphore(%arg31 : memref<!tpu.dma_semaphore, #tpu.memory_space<semaphore_mem>>) src(%arg10 : memref<80x128xf32, #tpu.memory_space<vmem>>) dst(%dma_wait3A_76 : memref<10240x128xf32, #tpu.memory_space<vmem_shared>>)
        } else {
        }
        %add3A_55 = arith.constant 2 : i32
        %add3A_56 = arith.addi %scan3A_26, %add3A_55 : i32
        %lt3A = arith.constant 125 : i32
        %lt3A_57 = arith.cmpi slt, %add3A_56, %lt3A : i32
        %convert_element_type3A_58 = arith.extui %lt3A_57 : i1 to i32
        %cond3A_59 = arith.constant 0 : i32
        %cond3A_60 = arith.cmpi ne, %convert_element_type3A_58, %cond3A_59 : i32
        scf.if %cond3A_60 {
          %add3A_74 = arith.constant 2 : i32
          %add3A_75 = arith.addi %scan3A_26, %add3A_74 : i32
          %mul3A_76 = arith.constant 1 : i32
          %mul3A_77 = arith.muli %add3A_75, %mul3A_76 : i32
          %add3A_78 = arith.constant 0 : i32
          %add3A_79 = arith.addi %mul3A_77, %add3A_78 : i32
          %mul3A_80 = arith.constant 80 : i32
          %mul3A_81 = arith.muli %add3A_79, %mul3A_80 : i32
          %add3A_82 = arith.addi %mul3A_2, %mul3A_81 : i32
          %dma_start3A_83 = tpu.memref_slice %arg3[%add3A_82] : memref<320000xi32, #tpu.memory_space<hbm>> -> memref<80xi32, #tpu.memory_space<hbm>>
          %dma_start3A_84 = tpu.memref_slice %arg3[%add3A_82] : memref<320000xi32, #tpu.memory_space<hbm>> -> memref<80xi32, #tpu.memory_space<hbm>>
          tpu.enqueue_dma source(%dma_start3A_84 : memref<80xi32, #tpu.memory_space<hbm>>) target(%arg14 : memref<80xi32, #tpu.memory_space<vmem>>) target_semaphore(%arg23 : memref<!tpu.dma_semaphore, #tpu.memory_space<semaphore_mem>>)
          %dma_start3A_85 = tpu.memref_slice %arg4[%add3A_82] : memref<320000xi32, #tpu.memory_space<hbm>> -> memref<80xi32, #tpu.memory_space<hbm>>
          %dma_start3A_86 = tpu.memref_slice %arg4[%add3A_82] : memref<320000xi32, #tpu.memory_space<hbm>> -> memref<80xi32, #tpu.memory_space<hbm>>
          tpu.enqueue_dma source(%dma_start3A_86 : memref<80xi32, #tpu.memory_space<hbm>>) target(%arg18 : memref<80xi32, #tpu.memory_space<vmem>>) target_semaphore(%arg23 : memref<!tpu.dma_semaphore, #tpu.memory_space<semaphore_mem>>)
        } else {
        }
        %add3A_61 = arith.constant 1 : i32
        %add3A_62 = arith.addi %scan3A_26, %add3A_61 : i32
        %lt3A_63 = arith.constant 125 : i32
        %lt3A_64 = arith.cmpi slt, %add3A_62, %lt3A_63 : i32
        %convert_element_type3A_65 = arith.extui %lt3A_64 : i1 to i32
        %cond3A_66 = arith.constant 0 : i32
        %cond3A_67 = arith.cmpi ne, %convert_element_type3A_65, %cond3A_66 : i32
        scf.if %cond3A_67 {
          %ge3A_74 = arith.constant 1 : i32
          %ge3A_75 = arith.cmpi sge, %scan3A_26, %ge3A_74 : i32
          %convert_element_type3A_76 = arith.extui %ge3A_75 : i1 to i32
          %cond3A_77 = arith.constant 0 : i32
          %cond3A_78 = arith.cmpi ne, %convert_element_type3A_76, %cond3A_77 : i32
          scf.if %cond3A_78 {
            %add3A_82 = arith.constant 1 : i32
            %add3A_83 = arith.addi %scan3A_26, %add3A_82 : i32
            %mul3A_84 = arith.constant 1 : i32
            %mul3A_85 = arith.muli %add3A_83, %mul3A_84 : i32
            %add3A_86 = arith.constant 0 : i32
            %add3A_87 = arith.addi %mul3A_85, %add3A_86 : i32
            %mul3A_88 = arith.constant 80 : i32
            %mul3A_89 = arith.muli %add3A_87, %mul3A_88 : i32
            %add3A_90 = arith.addi %mul3A_2, %mul3A_89 : i32
            %dma_wait3A_91 = tpu.memref_slice %arg3[%add3A_90] : memref<320000xi32, #tpu.memory_space<hbm>> -> memref<80xi32, #tpu.memory_space<hbm>>
            %dma_wait3A_92 = tpu.memref_slice %arg3[%add3A_90] : memref<320000xi32, #tpu.memory_space<hbm>> -> memref<80xi32, #tpu.memory_space<hbm>>
            tpu.wait_dma2 semaphore(%arg22 : memref<!tpu.dma_semaphore, #tpu.memory_space<semaphore_mem>>) src(%dma_wait3A_92 : memref<80xi32, #tpu.memory_space<hbm>>) dst(%arg13 : memref<80xi32, #tpu.memory_space<vmem>>)
            %dma_wait3A_93 = tpu.memref_slice %arg4[%add3A_90] : memref<320000xi32, #tpu.memory_space<hbm>> -> memref<80xi32, #tpu.memory_space<hbm>>
            %dma_wait3A_94 = tpu.memref_slice %arg4[%add3A_90] : memref<320000xi32, #tpu.memory_space<hbm>> -> memref<80xi32, #tpu.memory_space<hbm>>
            tpu.wait_dma2 semaphore(%arg22 : memref<!tpu.dma_semaphore, #tpu.memory_space<semaphore_mem>>) src(%dma_wait3A_94 : memref<80xi32, #tpu.memory_space<hbm>>) dst(%arg17 : memref<80xi32, #tpu.memory_space<vmem>>)
          } else {
          }
          %dma_start3A_79 = arith.constant 0 : i32
          %dma_start3A_80 = arith.constant 0 : i32
          %dma_start3A_81 = tpu.memref_slice %arg2[%dma_start3A_79, %dma_start3A_80] : memref<10000x128xf32, #tpu.memory_space<hbm>> -> memref<10000x128xf32, #tpu.memory_space<hbm>>
          tpu.enqueue_indirect_dma source(%dma_start3A_81 : memref<10000x128xf32, #tpu.memory_space<hbm>>) target(%arg9 : memref<80x128xf32, #tpu.memory_space<vmem>>) offsets(%arg13 : memref<80xi32, #tpu.memory_space<vmem>>) semaphore(%arg26 : memref<!tpu.dma_semaphore, #tpu.memory_space<semaphore_mem>>)
        } else {
        }
        %dma_wait3A_68 = arith.constant 0 : i32
        %dma_wait3A_69 = arith.constant 0 : i32
        %dma_wait3A_70 = tpu.memref_slice %arg2[%dma_wait3A_68, %dma_wait3A_69] : memref<10000x128xf32, #tpu.memory_space<hbm>> -> memref<10000x128xf32, #tpu.memory_space<hbm>>
        tpu.wait_indirect_dma semaphore(%arg25 : memref<!tpu.dma_semaphore, #tpu.memory_space<semaphore_mem>>) src(%dma_wait3A_70 : memref<10000x128xf32, #tpu.memory_space<hbm>>) dst(%arg8 : memref<80x128xf32, #tpu.memory_space<vmem>>)
        %dma_start3A_71 = arith.constant 0 : i32
        %dma_start3A_72 = arith.constant 0 : i32
        %dma_start3A_73 = tpu.memref_slice %arg19[%dma_start3A_71, %dma_start3A_72] : memref<10240x128xf32, #tpu.memory_space<vmem_shared>> -> memref<10240x128xf32, #tpu.memory_space<vmem_shared>>
        tpu.enqueue_indirect_dma source(%arg8 : memref<80x128xf32, #tpu.memory_space<vmem>>) target(%dma_start3A_73 : memref<10240x128xf32, #tpu.memory_space<vmem_shared>>) offsets(%arg16 : memref<80xi32, #tpu.memory_space<vmem>>) semaphore(%arg29 : memref<!tpu.dma_semaphore, #tpu.memory_space<semaphore_mem>>) {add = true}
      } else {
      }
      %rem3A_37 = arith.constant 4 : i32
      %rem3A_38 = arith.remsi %scan3A_26, %rem3A_37 : i32
      %eq3A_39 = arith.constant 2 : i32
      %eq3A_40 = arith.cmpi eq, %rem3A_38, %eq3A_39 : i32
      %convert_element_type3A_41 = arith.extui %eq3A_40 : i1 to i32
      %cond3A_42 = arith.constant 0 : i32
      %cond3A_43 = arith.cmpi ne, %convert_element_type3A_41, %cond3A_42 : i32
      scf.if %cond3A_43 {
        %ge3A = arith.constant 2 : i32
        %ge3A_51 = arith.cmpi sge, %scan3A_26, %ge3A : i32
        %convert_element_type3A_52 = arith.extui %ge3A_51 : i1 to i32
        %cond3A_53 = arith.constant 0 : i32
        %cond3A_54 = arith.cmpi ne, %convert_element_type3A_52, %cond3A_53 : i32
        scf.if %cond3A_54 {
          %dma_wait3A_74 = arith.constant 0 : i32
          %dma_wait3A_75 = arith.constant 0 : i32
          %dma_wait3A_76 = tpu.memref_slice %arg19[%dma_wait3A_74, %dma_wait3A_75] : memref<10240x128xf32, #tpu.memory_space<vmem_shared>> -> memref<10240x128xf32, #tpu.memory_space<vmem_shared>>
          tpu.wait_indirect_dma semaphore(%arg28 : memref<!tpu.dma_semaphore, #tpu.memory_space<semaphore_mem>>) src(%arg7 : memref<80x128xf32, #tpu.memory_space<vmem>>) dst(%dma_wait3A_76 : memref<10240x128xf32, #tpu.memory_space<vmem_shared>>)
        } else {
        }
        %add3A_55 = arith.constant 2 : i32
        %add3A_56 = arith.addi %scan3A_26, %add3A_55 : i32
        %lt3A = arith.constant 125 : i32
        %lt3A_57 = arith.cmpi slt, %add3A_56, %lt3A : i32
        %convert_element_type3A_58 = arith.extui %lt3A_57 : i1 to i32
        %cond3A_59 = arith.constant 0 : i32
        %cond3A_60 = arith.cmpi ne, %convert_element_type3A_58, %cond3A_59 : i32
        scf.if %cond3A_60 {
          %add3A_74 = arith.constant 2 : i32
          %add3A_75 = arith.addi %scan3A_26, %add3A_74 : i32
          %mul3A_76 = arith.constant 1 : i32
          %mul3A_77 = arith.muli %add3A_75, %mul3A_76 : i32
          %add3A_78 = arith.constant 0 : i32
          %add3A_79 = arith.addi %mul3A_77, %add3A_78 : i32
          %mul3A_80 = arith.constant 80 : i32
          %mul3A_81 = arith.muli %add3A_79, %mul3A_80 : i32
          %add3A_82 = arith.addi %mul3A_2, %mul3A_81 : i32
          %dma_start3A_83 = tpu.memref_slice %arg3[%add3A_82] : memref<320000xi32, #tpu.memory_space<hbm>> -> memref<80xi32, #tpu.memory_space<hbm>>
          %dma_start3A_84 = tpu.memref_slice %arg3[%add3A_82] : memref<320000xi32, #tpu.memory_space<hbm>> -> memref<80xi32, #tpu.memory_space<hbm>>
          tpu.enqueue_dma source(%dma_start3A_84 : memref<80xi32, #tpu.memory_space<hbm>>) target(%arg11 : memref<80xi32, #tpu.memory_space<vmem>>) target_semaphore(%arg20 : memref<!tpu.dma_semaphore, #tpu.memory_space<semaphore_mem>>)
          %dma_start3A_85 = tpu.memref_slice %arg4[%add3A_82] : memref<320000xi32, #tpu.memory_space<hbm>> -> memref<80xi32, #tpu.memory_space<hbm>>
          %dma_start3A_86 = tpu.memref_slice %arg4[%add3A_82] : memref<320000xi32, #tpu.memory_space<hbm>> -> memref<80xi32, #tpu.memory_space<hbm>>
          tpu.enqueue_dma source(%dma_start3A_86 : memref<80xi32, #tpu.memory_space<hbm>>) target(%arg15 : memref<80xi32, #tpu.memory_space<vmem>>) target_semaphore(%arg20 : memref<!tpu.dma_semaphore, #tpu.memory_space<semaphore_mem>>)
        } else {
        }
        %add3A_61 = arith.constant 1 : i32
        %add3A_62 = arith.addi %scan3A_26, %add3A_61 : i32
        %lt3A_63 = arith.constant 125 : i32
        %lt3A_64 = arith.cmpi slt, %add3A_62, %lt3A_63 : i32
        %convert_element_type3A_65 = arith.extui %lt3A_64 : i1 to i32
        %cond3A_66 = arith.constant 0 : i32
        %cond3A_67 = arith.cmpi ne, %convert_element_type3A_65, %cond3A_66 : i32
        scf.if %cond3A_67 {
          %ge3A_74 = arith.constant 1 : i32
          %ge3A_75 = arith.cmpi sge, %scan3A_26, %ge3A_74 : i32
          %convert_element_type3A_76 = arith.extui %ge3A_75 : i1 to i32
          %cond3A_77 = arith.constant 0 : i32
          %cond3A_78 = arith.cmpi ne, %convert_element_type3A_76, %cond3A_77 : i32
          scf.if %cond3A_78 {
            %add3A_82 = arith.constant 1 : i32
            %add3A_83 = arith.addi %scan3A_26, %add3A_82 : i32
            %mul3A_84 = arith.constant 1 : i32
            %mul3A_85 = arith.muli %add3A_83, %mul3A_84 : i32
            %add3A_86 = arith.constant 0 : i32
            %add3A_87 = arith.addi %mul3A_85, %add3A_86 : i32
            %mul3A_88 = arith.constant 80 : i32
            %mul3A_89 = arith.muli %add3A_87, %mul3A_88 : i32
            %add3A_90 = arith.addi %mul3A_2, %mul3A_89 : i32
            %dma_wait3A_91 = tpu.memref_slice %arg3[%add3A_90] : memref<320000xi32, #tpu.memory_space<hbm>> -> memref<80xi32, #tpu.memory_space<hbm>>
            %dma_wait3A_92 = tpu.memref_slice %arg3[%add3A_90] : memref<320000xi32, #tpu.memory_space<hbm>> -> memref<80xi32, #tpu.memory_space<hbm>>
            tpu.wait_dma2 semaphore(%arg23 : memref<!tpu.dma_semaphore, #tpu.memory_space<semaphore_mem>>) src(%dma_wait3A_92 : memref<80xi32, #tpu.memory_space<hbm>>) dst(%arg14 : memref<80xi32, #tpu.memory_space<vmem>>)
            %dma_wait3A_93 = tpu.memref_slice %arg4[%add3A_90] : memref<320000xi32, #tpu.memory_space<hbm>> -> memref<80xi32, #tpu.memory_space<hbm>>
            %dma_wait3A_94 = tpu.memref_slice %arg4[%add3A_90] : memref<320000xi32, #tpu.memory_space<hbm>> -> memref<80xi32, #tpu.memory_space<hbm>>
            tpu.wait_dma2 semaphore(%arg23 : memref<!tpu.dma_semaphore, #tpu.memory_space<semaphore_mem>>) src(%dma_wait3A_94 : memref<80xi32, #tpu.memory_space<hbm>>) dst(%arg18 : memref<80xi32, #tpu.memory_space<vmem>>)
          } else {
          }
          %dma_start3A_79 = arith.constant 0 : i32
          %dma_start3A_80 = arith.constant 0 : i32
          %dma_start3A_81 = tpu.memref_slice %arg2[%dma_start3A_79, %dma_start3A_80] : memref<10000x128xf32, #tpu.memory_space<hbm>> -> memref<10000x128xf32, #tpu.memory_space<hbm>>
          tpu.enqueue_indirect_dma source(%dma_start3A_81 : memref<10000x128xf32, #tpu.memory_space<hbm>>) target(%arg10 : memref<80x128xf32, #tpu.memory_space<vmem>>) offsets(%arg14 : memref<80xi32, #tpu.memory_space<vmem>>) semaphore(%arg27 : memref<!tpu.dma_semaphore, #tpu.memory_space<semaphore_mem>>)
        } else {
        }
        %dma_wait3A_68 = arith.constant 0 : i32
        %dma_wait3A_69 = arith.constant 0 : i32
        %dma_wait3A_70 = tpu.memref_slice %arg2[%dma_wait3A_68, %dma_wait3A_69] : memref<10000x128xf32, #tpu.memory_space<hbm>> -> memref<10000x128xf32, #tpu.memory_space<hbm>>
        tpu.wait_indirect_dma semaphore(%arg26 : memref<!tpu.dma_semaphore, #tpu.memory_space<semaphore_mem>>) src(%dma_wait3A_70 : memref<10000x128xf32, #tpu.memory_space<hbm>>) dst(%arg9 : memref<80x128xf32, #tpu.memory_space<vmem>>)
        %dma_start3A_71 = arith.constant 0 : i32
        %dma_start3A_72 = arith.constant 0 : i32
        %dma_start3A_73 = tpu.memref_slice %arg19[%dma_start3A_71, %dma_start3A_72] : memref<10240x128xf32, #tpu.memory_space<vmem_shared>> -> memref<10240x128xf32, #tpu.memory_space<vmem_shared>>
        tpu.enqueue_indirect_dma source(%arg9 : memref<80x128xf32, #tpu.memory_space<vmem>>) target(%dma_start3A_73 : memref<10240x128xf32, #tpu.memory_space<vmem_shared>>) offsets(%arg17 : memref<80xi32, #tpu.memory_space<vmem>>) semaphore(%arg30 : memref<!tpu.dma_semaphore, #tpu.memory_space<semaphore_mem>>) {add = true}
      } else {
      }
      %rem3A_44 = arith.constant 4 : i32
      %rem3A_45 = arith.remsi %scan3A_26, %rem3A_44 : i32
      %eq3A_46 = arith.constant 3 : i32
      %eq3A_47 = arith.cmpi eq, %rem3A_45, %eq3A_46 : i32
      %convert_element_type3A_48 = arith.extui %eq3A_47 : i1 to i32
      %cond3A_49 = arith.constant 0 : i32
      %cond3A_50 = arith.cmpi ne, %convert_element_type3A_48, %cond3A_49 : i32
      scf.if %cond3A_50 {
        %ge3A = arith.constant 2 : i32
        %ge3A_51 = arith.cmpi sge, %scan3A_26, %ge3A : i32
        %convert_element_type3A_52 = arith.extui %ge3A_51 : i1 to i32
        %cond3A_53 = arith.constant 0 : i32
        %cond3A_54 = arith.cmpi ne, %convert_element_type3A_52, %cond3A_53 : i32
        scf.if %cond3A_54 {
          %dma_wait3A_74 = arith.constant 0 : i32
          %dma_wait3A_75 = arith.constant 0 : i32
          %dma_wait3A_76 = tpu.memref_slice %arg19[%dma_wait3A_74, %dma_wait3A_75] : memref<10240x128xf32, #tpu.memory_space<vmem_shared>> -> memref<10240x128xf32, #tpu.memory_space<vmem_shared>>
          tpu.wait_indirect_dma semaphore(%arg29 : memref<!tpu.dma_semaphore, #tpu.memory_space<semaphore_mem>>) src(%arg8 : memref<80x128xf32, #tpu.memory_space<vmem>>) dst(%dma_wait3A_76 : memref<10240x128xf32, #tpu.memory_space<vmem_shared>>)
        } else {
        }
        %add3A_55 = arith.constant 2 : i32
        %add3A_56 = arith.addi %scan3A_26, %add3A_55 : i32
        %lt3A = arith.constant 125 : i32
        %lt3A_57 = arith.cmpi slt, %add3A_56, %lt3A : i32
        %convert_element_type3A_58 = arith.extui %lt3A_57 : i1 to i32
        %cond3A_59 = arith.constant 0 : i32
        %cond3A_60 = arith.cmpi ne, %convert_element_type3A_58, %cond3A_59 : i32
        scf.if %cond3A_60 {
          %add3A_74 = arith.constant 2 : i32
          %add3A_75 = arith.addi %scan3A_26, %add3A_74 : i32
          %mul3A_76 = arith.constant 1 : i32
          %mul3A_77 = arith.muli %add3A_75, %mul3A_76 : i32
          %add3A_78 = arith.constant 0 : i32
          %add3A_79 = arith.addi %mul3A_77, %add3A_78 : i32
          %mul3A_80 = arith.constant 80 : i32
          %mul3A_81 = arith.muli %add3A_79, %mul3A_80 : i32
          %add3A_82 = arith.addi %mul3A_2, %mul3A_81 : i32
          %dma_start3A_83 = tpu.memref_slice %arg3[%add3A_82] : memref<320000xi32, #tpu.memory_space<hbm>> -> memref<80xi32, #tpu.memory_space<hbm>>
          %dma_start3A_84 = tpu.memref_slice %arg3[%add3A_82] : memref<320000xi32, #tpu.memory_space<hbm>> -> memref<80xi32, #tpu.memory_space<hbm>>
          tpu.enqueue_dma source(%dma_start3A_84 : memref<80xi32, #tpu.memory_space<hbm>>) target(%arg12 : memref<80xi32, #tpu.memory_space<vmem>>) target_semaphore(%arg21 : memref<!tpu.dma_semaphore, #tpu.memory_space<semaphore_mem>>)
          %dma_start3A_85 = tpu.memref_slice %arg4[%add3A_82] : memref<320000xi32, #tpu.memory_space<hbm>> -> memref<80xi32, #tpu.memory_space<hbm>>
          %dma_start3A_86 = tpu.memref_slice %arg4[%add3A_82] : memref<320000xi32, #tpu.memory_space<hbm>> -> memref<80xi32, #tpu.memory_space<hbm>>
          tpu.enqueue_dma source(%dma_start3A_86 : memref<80xi32, #tpu.memory_space<hbm>>) target(%arg16 : memref<80xi32, #tpu.memory_space<vmem>>) target_semaphore(%arg21 : memref<!tpu.dma_semaphore, #tpu.memory_space<semaphore_mem>>)
        } else {
        }
        %add3A_61 = arith.constant 1 : i32
        %add3A_62 = arith.addi %scan3A_26, %add3A_61 : i32
        %lt3A_63 = arith.constant 125 : i32
        %lt3A_64 = arith.cmpi slt, %add3A_62, %lt3A_63 : i32
        %convert_element_type3A_65 = arith.extui %lt3A_64 : i1 to i32
        %cond3A_66 = arith.constant 0 : i32
        %cond3A_67 = arith.cmpi ne, %convert_element_type3A_65, %cond3A_66 : i32
        scf.if %cond3A_67 {
          %ge3A_74 = arith.constant 1 : i32
          %ge3A_75 = arith.cmpi sge, %scan3A_26, %ge3A_74 : i32
          %convert_element_type3A_76 = arith.extui %ge3A_75 : i1 to i32
          %cond3A_77 = arith.constant 0 : i32
          %cond3A_78 = arith.cmpi ne, %convert_element_type3A_76, %cond3A_77 : i32
          scf.if %cond3A_78 {
            %add3A_82 = arith.constant 1 : i32
            %add3A_83 = arith.addi %scan3A_26, %add3A_82 : i32
            %mul3A_84 = arith.constant 1 : i32
            %mul3A_85 = arith.muli %add3A_83, %mul3A_84 : i32
            %add3A_86 = arith.constant 0 : i32
            %add3A_87 = arith.addi %mul3A_85, %add3A_86 : i32
            %mul3A_88 = arith.constant 80 : i32
            %mul3A_89 = arith.muli %add3A_87, %mul3A_88 : i32
            %add3A_90 = arith.addi %mul3A_2, %mul3A_89 : i32
            %dma_wait3A_91 = tpu.memref_slice %arg3[%add3A_90] : memref<320000xi32, #tpu.memory_space<hbm>> -> memref<80xi32, #tpu.memory_space<hbm>>
            %dma_wait3A_92 = tpu.memref_slice %arg3[%add3A_90] : memref<320000xi32, #tpu.memory_space<hbm>> -> memref<80xi32, #tpu.memory_space<hbm>>
            tpu.wait_dma2 semaphore(%arg20 : memref<!tpu.dma_semaphore, #tpu.memory_space<semaphore_mem>>) src(%dma_wait3A_92 : memref<80xi32, #tpu.memory_space<hbm>>) dst(%arg11 : memref<80xi32, #tpu.memory_space<vmem>>)
            %dma_wait3A_93 = tpu.memref_slice %arg4[%add3A_90] : memref<320000xi32, #tpu.memory_space<hbm>> -> memref<80xi32, #tpu.memory_space<hbm>>
            %dma_wait3A_94 = tpu.memref_slice %arg4[%add3A_90] : memref<320000xi32, #tpu.memory_space<hbm>> -> memref<80xi32, #tpu.memory_space<hbm>>
            tpu.wait_dma2 semaphore(%arg20 : memref<!tpu.dma_semaphore, #tpu.memory_space<semaphore_mem>>) src(%dma_wait3A_94 : memref<80xi32, #tpu.memory_space<hbm>>) dst(%arg15 : memref<80xi32, #tpu.memory_space<vmem>>)
          } else {
          }
          %dma_start3A_79 = arith.constant 0 : i32
          %dma_start3A_80 = arith.constant 0 : i32
          %dma_start3A_81 = tpu.memref_slice %arg2[%dma_start3A_79, %dma_start3A_80] : memref<10000x128xf32, #tpu.memory_space<hbm>> -> memref<10000x128xf32, #tpu.memory_space<hbm>>
          tpu.enqueue_indirect_dma source(%dma_start3A_81 : memref<10000x128xf32, #tpu.memory_space<hbm>>) target(%arg7 : memref<80x128xf32, #tpu.memory_space<vmem>>) offsets(%arg11 : memref<80xi32, #tpu.memory_space<vmem>>) semaphore(%arg24 : memref<!tpu.dma_semaphore, #tpu.memory_space<semaphore_mem>>)
        } else {
        }
        %dma_wait3A_68 = arith.constant 0 : i32
        %dma_wait3A_69 = arith.constant 0 : i32
        %dma_wait3A_70 = tpu.memref_slice %arg2[%dma_wait3A_68, %dma_wait3A_69] : memref<10000x128xf32, #tpu.memory_space<hbm>> -> memref<10000x128xf32, #tpu.memory_space<hbm>>
        tpu.wait_indirect_dma semaphore(%arg27 : memref<!tpu.dma_semaphore, #tpu.memory_space<semaphore_mem>>) src(%dma_wait3A_70 : memref<10000x128xf32, #tpu.memory_space<hbm>>) dst(%arg10 : memref<80x128xf32, #tpu.memory_space<vmem>>)
        %dma_start3A_71 = arith.constant 0 : i32
        %dma_start3A_72 = arith.constant 0 : i32
        %dma_start3A_73 = tpu.memref_slice %arg19[%dma_start3A_71, %dma_start3A_72] : memref<10240x128xf32, #tpu.memory_space<vmem_shared>> -> memref<10240x128xf32, #tpu.memory_space<vmem_shared>>
        tpu.enqueue_indirect_dma source(%arg10 : memref<80x128xf32, #tpu.memory_space<vmem>>) target(%dma_start3A_73 : memref<10240x128xf32, #tpu.memory_space<vmem_shared>>) offsets(%arg18 : memref<80xi32, #tpu.memory_space<vmem>>) semaphore(%arg31 : memref<!tpu.dma_semaphore, #tpu.memory_space<semaphore_mem>>) {add = true}
      } else {
      }
    }
    %scan3A_15 = arith.constant 125 : i32
    %dma_wait3A = arith.constant 0 : i32
    %dma_wait3A_16 = arith.constant 0 : i32
    %dma_wait3A_17 = tpu.memref_slice %arg19[%dma_wait3A, %dma_wait3A_16] : memref<10240x128xf32, #tpu.memory_space<vmem_shared>> -> memref<10240x128xf32, #tpu.memory_space<vmem_shared>>
    tpu.wait_indirect_dma semaphore(%arg31 : memref<!tpu.dma_semaphore, #tpu.memory_space<semaphore_mem>>) src(%arg10 : memref<80x128xf32, #tpu.memory_space<vmem>>) dst(%dma_wait3A_17 : memref<10240x128xf32, #tpu.memory_space<vmem_shared>>)
    %dma_wait3A_18 = arith.constant 0 : i32
    %dma_wait3A_19 = arith.constant 0 : i32
    %dma_wait3A_20 = tpu.memref_slice %arg19[%dma_wait3A_18, %dma_wait3A_19] : memref<10240x128xf32, #tpu.memory_space<vmem_shared>> -> memref<10240x128xf32, #tpu.memory_space<vmem_shared>>
    tpu.wait_indirect_dma semaphore(%arg28 : memref<!tpu.dma_semaphore, #tpu.memory_space<semaphore_mem>>) src(%arg7 : memref<80x128xf32, #tpu.memory_space<vmem>>) dst(%dma_wait3A_20 : memref<10240x128xf32, #tpu.memory_space<vmem_shared>>)
    %barrier3A_21 = arith.constant 0 : index
    tpu.barrier barrier_id(%barrier3A_21)
    %mul3A_22 = arith.constant 640 : i32
    %mul3A_23 = arith.muli %arg1, %mul3A_22 : i32
    %mul3A_24 = arith.constant 640 : i32
    %mul3A_25 = arith.muli %arg1, %mul3A_24 : i32
    "tpu.region"() ({
      %run_scoped3A = tpu.sem_alloc : memref<!tpu.dma_semaphore, #tpu.memory_space<semaphore_mem>>
      %dma_start3A_26 = arith.constant 0 : i32
      %dma_start3A_27 = tpu.memref_slice %arg6[%arg0, %mul3A_25, %dma_start3A_26] : memref<2x10240x128xf32, #tpu.memory_space<hbm>> -> memref<1x640x128xf32, #tpu.memory_space<hbm>>
      %dma_start3A_28 = tpu.memref_squeeze %dma_start3A_27 : memref<1x640x128xf32, #tpu.memory_space<hbm>> -> memref<640x128xf32, #tpu.memory_space<hbm>>
      %dma_start3A_29 = arith.constant 0 : i32
      %dma_start3A_30 = tpu.memref_slice %arg19[%mul3A_23, %dma_start3A_29] : memref<10240x128xf32, #tpu.memory_space<vmem_shared>> -> memref<640x128xf32, #tpu.memory_space<vmem_shared>>
      tpu.enqueue_dma source(%dma_start3A_30 : memref<640x128xf32, #tpu.memory_space<vmem_shared>>) target(%dma_start3A_28 : memref<640x128xf32, #tpu.memory_space<hbm>>) target_semaphore(%run_scoped3A : memref<!tpu.dma_semaphore, #tpu.memory_space<semaphore_mem>>)
      %dma_wait3A_31 = arith.constant 0 : i32
      %dma_wait3A_32 = tpu.memref_slice %arg6[%arg0, %mul3A_25, %dma_wait3A_31] : memref<2x10240x128xf32, #tpu.memory_space<hbm>> -> memref<1x640x128xf32, #tpu.memory_space<hbm>>
      %dma_wait3A_33 = tpu.memref_squeeze %dma_wait3A_32 : memref<1x640x128xf32, #tpu.memory_space<hbm>> -> memref<640x128xf32, #tpu.memory_space<hbm>>
      %dma_wait3A_34 = arith.constant 0 : i32
      %dma_wait3A_35 = tpu.memref_slice %arg19[%mul3A_23, %dma_wait3A_34] : memref<10240x128xf32, #tpu.memory_space<vmem_shared>> -> memref<640x128xf32, #tpu.memory_space<vmem_shared>>
      tpu.wait_dma2 semaphore(%run_scoped3A : memref<!tpu.dma_semaphore, #tpu.memory_space<semaphore_mem>>) src(%dma_wait3A_35 : memref<640x128xf32, #tpu.memory_space<vmem_shared>>) dst(%dma_wait3A_33 : memref<640x128xf32, #tpu.memory_space<hbm>>)
      tpu.yield
    }) : () -> ()
    return
  }
}

module attributes {stable_mosaic.version = 14 : i64} {
  func.func @body(%arg0: i32, %arg1: memref<1000x200xf32, #tpu.memory_space<vmem>>, %arg2: memref<1000x200xf32, #tpu.memory_space<vmem>>, %arg3: memref<200x128xf32, #tpu.memory_space<vmem>>, %arg4: memref<1000x128xf32, #tpu.memory_space<vmem>>) attributes {dimension_semantics = [#tpu.dimension_semantics<arbitrary>], iteration_bounds = array<i64: 10>, scalar_prefetch = 0 : i64, scratch_operands = 0 : i64, tpu.core_type = #tpu.core_type<tc>, window_params = [{transform_indices = @transform_0, window_bounds = array<i64: 1000, 200>}, {transform_indices = @transform_1, window_bounds = array<i64: 1000, 200>}, {pipeline_mode = #tpu.pipeline_mode<synchronous>, transform_indices = @transform_2, window_bounds = array<i64: 200, 128>}, {transform_indices = @transform_3, window_bounds = array<i64: 1000, 128>}]} {
    %get3A = arith.constant 0 : index
    %get3A_0 = arith.constant 0 : index
    %get3A_1 = vector.load %arg1[%get3A, %get3A_0] : memref<1000x200xf32, #tpu.memory_space<vmem>>, vector<1000x200xf32>
    %get3A_2 = arith.constant 0 : index
    %get3A_3 = arith.constant 0 : index
    %get3A_4 = vector.load %arg2[%get3A_2, %get3A_3] : memref<1000x200xf32, #tpu.memory_space<vmem>>, vector<1000x200xf32>
    %add3A = arith.addf %get3A_1, %get3A_4 : vector<1000x200xf32>
    %get3A_5 = arith.constant 0 : index
    %get3A_6 = arith.constant 0 : index
    %get3A_7 = vector.load %arg3[%get3A_5, %get3A_6] : memref<200x128xf32, #tpu.memory_space<vmem>>, vector<200x128xf32>
    %dot_general3A = arith.constant dense<0.000000e+00> : vector<1000x128xf32>
    %dot_general3A_8 = tpu.matmul %add3A, %get3A_7, %dot_general3A {dimension_numbers = #tpu.dot_dimension_numbers<[1], [0], [0], [1], [0, 0, 1, 1], [], []>, transpose_lhs_hint = false} : vector<1000x200xf32>, vector<200x128xf32>, vector<1000x128xf32> -> vector<1000x128xf32>
    %swap3A = arith.constant 0 : index
    %swap3A_9 = arith.constant 0 : index
    %swap3A_10 = vector.load %arg4[%swap3A, %swap3A_9] : memref<1000x128xf32, #tpu.memory_space<vmem>>, vector<1000x128xf32>
    tpu.vector_store %arg4[%swap3A, %swap3A_9], %dot_general3A_8 {strides = array<i32>} : memref<1000x128xf32, #tpu.memory_space<vmem>>, vector<1000x128xf32>,
    return
  }
  func.func @transform_0(%arg0: i32) -> (i32, i32) {
    %c0_i32 = arith.constant 0 : i32
    %c0_i32_0 = arith.constant 0 : i32
    return %arg0, %c0_i32 : i32, i32
  }
  func.func @transform_1(%arg0: i32) -> (i32, i32) {
    %c0_i32 = arith.constant 0 : i32
    %c0_i32_0 = arith.constant 0 : i32
    return %arg0, %c0_i32 : i32, i32
  }
  func.func @transform_2(%arg0: i32) -> (i32, i32) {
    %c0_i32 = arith.constant 0 : i32
    %c0_i32_0 = arith.constant 0 : i32
    %c0_i32_1 = arith.constant 0 : i32
    return %c0_i32, %c0_i32_0 : i32, i32
  }
  func.func @transform_3(%arg0: i32) -> (i32, i32) {
    %c0_i32 = arith.constant 0 : i32
    %c0_i32_0 = arith.constant 0 : i32
    return %arg0, %c0_i32 : i32, i32
  }
}

module attributes {stable_mosaic.version = 14 : i64} {
  func.func @body(%arg0: i32, %arg1: memref<1x1000x128xf32, #tpu.memory_space<vmem>>, %arg2: memref<1x1000x128xf32, #tpu.memory_space<vmem>>, %arg3: memref<1000x128xf32, #tpu.memory_space<vmem>>, %arg4: memref<128x128xf32, #tpu.memory_space<vmem>>, %arg5: memref<1000x1xf32, #tpu.memory_space<vmem>>, %arg6: memref<1000x128xf32, #tpu.memory_space<vmem>>) attributes {dimension_semantics = [#tpu.dimension_semantics<arbitrary>], iteration_bounds = array<i64: 10>, scalar_prefetch = 0 : i64, scratch_operands = 0 : i64, tpu.core_type = #tpu.core_type<tc>, window_params = [{transform_indices = @transform_0, window_bounds = array<i64: 1, 1000, 128>}, {transform_indices = @transform_1, window_bounds = array<i64: 1, 1000, 128>}, {transform_indices = @transform_2, window_bounds = array<i64: 1000, 128>}, {pipeline_mode = #tpu.pipeline_mode<synchronous>, transform_indices = @transform_3, window_bounds = array<i64: 128, 128>}, {transform_indices = @transform_4, window_bounds = array<i64: 1000, 1>}, {transform_indices = @transform_5, window_bounds = array<i64: 1000, 128>}]} {
    %get3A = arith.constant 0 : index
    %get3A_0 = arith.constant 0 : index
    %get3A_1 = arith.constant 0 : index
    %get3A_2 = vector.load %arg1[%get3A, %get3A_0, %get3A_1] : memref<1x1000x128xf32, #tpu.memory_space<vmem>>, vector<1x1000x128xf32>
    %get3A_3 = vector.shape_cast %get3A_2 : vector<1x1000x128xf32> to vector<1000x128xf32>
    %get3A_4 = arith.constant 0 : index
    %get3A_5 = arith.constant 0 : index
    %get3A_6 = arith.constant 0 : index
    %get3A_7 = vector.load %arg2[%get3A_4, %get3A_5, %get3A_6] : memref<1x1000x128xf32, #tpu.memory_space<vmem>>, vector<1x1000x128xf32>
    %get3A_8 = vector.shape_cast %get3A_7 : vector<1x1000x128xf32> to vector<1000x128xf32>
    %add3A = arith.addf %get3A_3, %get3A_8 : vector<1000x128xf32>
    %get3A_9 = arith.constant 0 : index
    %get3A_10 = arith.constant 0 : index
    %get3A_11 = vector.load %arg3[%get3A_9, %get3A_10] : memref<1000x128xf32, #tpu.memory_space<vmem>>, vector<1000x128xf32>
    %add3A_12 = arith.addf %add3A, %get3A_11 : vector<1000x128xf32>
    %get3A_13 = arith.constant 0 : index
    %get3A_14 = arith.constant 0 : index
    %get3A_15 = vector.load %arg4[%get3A_13, %get3A_14] : memref<128x128xf32, #tpu.memory_space<vmem>>, vector<128x128xf32>
    %dot_general3A = arith.constant dense<0.000000e+00> : vector<1000x128xf32>
    %dot_general3A_16 = tpu.matmul %add3A_12, %get3A_15, %dot_general3A {dimension_numbers = #tpu.dot_dimension_numbers<[1], [0], [0], [1], [0, 0, 1, 1], [], []>, transpose_lhs_hint = false} : vector<1000x128xf32>, vector<128x128xf32>, vector<1000x128xf32> -> vector<1000x128xf32>
    %get3A_17 = arith.constant 0 : index
    %get3A_18 = arith.constant 0 : index
    %get3A_19 = vector.load %arg5[%get3A_17, %get3A_18] : memref<1000x1xf32, #tpu.memory_space<vmem>>, vector<1000x1xf32>
    %mul3A = vector.broadcast %get3A_19 : vector<1000x1xf32> to vector<1000x128xf32>
    %mul3A_20 = arith.mulf %dot_general3A_16, %mul3A : vector<1000x128xf32>
    %ge3A = arith.constant 0.000000e+00 : f32
    %ge3A_21 = vector.broadcast %ge3A : f32 to vector<1000x128xf32>
    %ge3A_22 = arith.cmpf oge, %mul3A_20, %ge3A_21 : vector<1000x128xf32>
    %mul3A_23 = arith.constant 0.229166672 : f32
    %mul3A_24 = vector.broadcast %mul3A_23 : f32 to vector<1000x128xf32>
    %mul3A_25 = arith.mulf %mul3A_20, %mul3A_24 : vector<1000x128xf32>
    %select_n3A = arith.select %ge3A_22, %mul3A_20, %mul3A_25 : vector<1000x128xi1>, vector<1000x128xf32>
    %swap3A = arith.constant 0 : index
    %swap3A_26 = arith.constant 0 : index
    %swap3A_27 = vector.load %arg6[%swap3A, %swap3A_26] : memref<1000x128xf32, #tpu.memory_space<vmem>>, vector<1000x128xf32>
    tpu.vector_store %arg6[%swap3A, %swap3A_26], %select_n3A {strides = array<i32>} : memref<1000x128xf32, #tpu.memory_space<vmem>>, vector<1000x128xf32>,
    return
  }
  func.func @transform_0(%arg0: i32) -> (i32, i32, i32) {
    %c0_i32 = arith.constant 0 : i32
    %c0_i32_0 = arith.constant 0 : i32
    %c0_i32_1 = arith.constant 0 : i32
    return %c0_i32, %arg0, %c0_i32_0 : i32, i32, i32
  }
  func.func @transform_1(%arg0: i32) -> (i32, i32, i32) {
    %c1_i32 = arith.constant 1 : i32
    %c0_i32 = arith.constant 0 : i32
    %c0_i32_0 = arith.constant 0 : i32
    return %c1_i32, %arg0, %c0_i32 : i32, i32, i32
  }
  func.func @transform_2(%arg0: i32) -> (i32, i32) {
    %c0_i32 = arith.constant 0 : i32
    %c0_i32_0 = arith.constant 0 : i32
    return %arg0, %c0_i32 : i32, i32
  }
  func.func @transform_3(%arg0: i32) -> (i32, i32) {
    %c0_i32 = arith.constant 0 : i32
    %c0_i32_0 = arith.constant 0 : i32
    %c0_i32_1 = arith.constant 0 : i32
    return %c0_i32, %c0_i32_0 : i32, i32
  }
  func.func @transform_4(%arg0: i32) -> (i32, i32) {
    %c0_i32 = arith.constant 0 : i32
    %c0_i32_0 = arith.constant 0 : i32
    return %arg0, %c0_i32 : i32, i32
  }
  func.func @transform_5(%arg0: i32) -> (i32, i32) {
    %c0_i32 = arith.constant 0 : i32
    %c0_i32_0 = arith.constant 0 : i32
    return %arg0, %c0_i32 : i32, i32
  }
}

module attributes {stable_mosaic.version = 14 : i64} {
  func.func @body(%arg0: i32, %arg1: memref<1x1000x128xf32, #tpu.memory_space<vmem>>, %arg2: memref<1x1000x128xf32, #tpu.memory_space<vmem>>, %arg3: memref<1000x128xf32, #tpu.memory_space<vmem>>, %arg4: memref<128x128xf32, #tpu.memory_space<vmem>>, %arg5: memref<1000x1xf32, #tpu.memory_space<vmem>>, %arg6: memref<1000x128xf32, #tpu.memory_space<vmem>>) attributes {dimension_semantics = [#tpu.dimension_semantics<arbitrary>], iteration_bounds = array<i64: 10>, scalar_prefetch = 0 : i64, scratch_operands = 0 : i64, tpu.core_type = #tpu.core_type<tc>, window_params = [{transform_indices = @transform_0, window_bounds = array<i64: 1, 1000, 128>}, {transform_indices = @transform_1, window_bounds = array<i64: 1, 1000, 128>}, {transform_indices = @transform_2, window_bounds = array<i64: 1000, 128>}, {pipeline_mode = #tpu.pipeline_mode<synchronous>, transform_indices = @transform_3, window_bounds = array<i64: 128, 128>}, {transform_indices = @transform_4, window_bounds = array<i64: 1000, 1>}, {transform_indices = @transform_5, window_bounds = array<i64: 1000, 128>}]} {
    %get3A = arith.constant 0 : index
    %get3A_0 = arith.constant 0 : index
    %get3A_1 = arith.constant 0 : index
    %get3A_2 = vector.load %arg1[%get3A, %get3A_0, %get3A_1] : memref<1x1000x128xf32, #tpu.memory_space<vmem>>, vector<1x1000x128xf32>
    %get3A_3 = vector.shape_cast %get3A_2 : vector<1x1000x128xf32> to vector<1000x128xf32>
    %get3A_4 = arith.constant 0 : index
    %get3A_5 = arith.constant 0 : index
    %get3A_6 = arith.constant 0 : index
    %get3A_7 = vector.load %arg2[%get3A_4, %get3A_5, %get3A_6] : memref<1x1000x128xf32, #tpu.memory_space<vmem>>, vector<1x1000x128xf32>
    %get3A_8 = vector.shape_cast %get3A_7 : vector<1x1000x128xf32> to vector<1000x128xf32>
    %add3A = arith.addf %get3A_3, %get3A_8 : vector<1000x128xf32>
    %get3A_9 = arith.constant 0 : index
    %get3A_10 = arith.constant 0 : index
    %get3A_11 = vector.load %arg3[%get3A_9, %get3A_10] : memref<1000x128xf32, #tpu.memory_space<vmem>>, vector<1000x128xf32>
    %add3A_12 = arith.addf %add3A, %get3A_11 : vector<1000x128xf32>
    %get3A_13 = arith.constant 0 : index
    %get3A_14 = arith.constant 0 : index
    %get3A_15 = vector.load %arg4[%get3A_13, %get3A_14] : memref<128x128xf32, #tpu.memory_space<vmem>>, vector<128x128xf32>
    %dot_general3A = arith.constant dense<0.000000e+00> : vector<1000x128xf32>
    %dot_general3A_16 = tpu.matmul %add3A_12, %get3A_15, %dot_general3A {dimension_numbers = #tpu.dot_dimension_numbers<[1], [0], [0], [1], [0, 0, 1, 1], [], []>, transpose_lhs_hint = false} : vector<1000x128xf32>, vector<128x128xf32>, vector<1000x128xf32> -> vector<1000x128xf32>
    %get3A_17 = arith.constant 0 : index
    %get3A_18 = arith.constant 0 : index
    %get3A_19 = vector.load %arg5[%get3A_17, %get3A_18] : memref<1000x1xf32, #tpu.memory_space<vmem>>, vector<1000x1xf32>
    %mul3A = vector.broadcast %get3A_19 : vector<1000x1xf32> to vector<1000x128xf32>
    %mul3A_20 = arith.mulf %dot_general3A_16, %mul3A : vector<1000x128xf32>
    %ge3A = arith.constant 0.000000e+00 : f32
    %ge3A_21 = vector.broadcast %ge3A : f32 to vector<1000x128xf32>
    %ge3A_22 = arith.cmpf oge, %mul3A_20, %ge3A_21 : vector<1000x128xf32>
    %mul3A_23 = arith.constant 0.229166672 : f32
    %mul3A_24 = vector.broadcast %mul3A_23 : f32 to vector<1000x128xf32>
    %mul3A_25 = arith.mulf %mul3A_20, %mul3A_24 : vector<1000x128xf32>
    %select_n3A = arith.select %ge3A_22, %mul3A_20, %mul3A_25 : vector<1000x128xi1>, vector<1000x128xf32>
    %swap3A = arith.constant 0 : index
    %swap3A_26 = arith.constant 0 : index
    %swap3A_27 = vector.load %arg6[%swap3A, %swap3A_26] : memref<1000x128xf32, #tpu.memory_space<vmem>>, vector<1000x128xf32>
    tpu.vector_store %arg6[%swap3A, %swap3A_26], %select_n3A {strides = array<i32>} : memref<1000x128xf32, #tpu.memory_space<vmem>>, vector<1000x128xf32>,
    return
  }
  func.func @transform_0(%arg0: i32) -> (i32, i32, i32) {
    %c0_i32 = arith.constant 0 : i32
    %c0_i32_0 = arith.constant 0 : i32
    %c0_i32_1 = arith.constant 0 : i32
    return %c0_i32, %arg0, %c0_i32_0 : i32, i32, i32
  }
  func.func @transform_1(%arg0: i32) -> (i32, i32, i32) {
    %c1_i32 = arith.constant 1 : i32
    %c0_i32 = arith.constant 0 : i32
    %c0_i32_0 = arith.constant 0 : i32
    return %c1_i32, %arg0, %c0_i32 : i32, i32, i32
  }
  func.func @transform_2(%arg0: i32) -> (i32, i32) {
    %c0_i32 = arith.constant 0 : i32
    %c0_i32_0 = arith.constant 0 : i32
    return %arg0, %c0_i32 : i32, i32
  }
  func.func @transform_3(%arg0: i32) -> (i32, i32) {
    %c0_i32 = arith.constant 0 : i32
    %c0_i32_0 = arith.constant 0 : i32
    %c0_i32_1 = arith.constant 0 : i32
    return %c0_i32, %c0_i32_0 : i32, i32
  }
  func.func @transform_4(%arg0: i32) -> (i32, i32) {
    %c0_i32 = arith.constant 0 : i32
    %c0_i32_0 = arith.constant 0 : i32
    return %arg0, %c0_i32 : i32, i32
  }
  func.func @transform_5(%arg0: i32) -> (i32, i32) {
    %c0_i32 = arith.constant 0 : i32
    %c0_i32_0 = arith.constant 0 : i32
    return %arg0, %c0_i32 : i32, i32
  }
}

</mosaic_0001>

<sc_bundles>
// kernel: kernel.11.cloned.1.call-start
scs
__scs_entry_jumppad:
0x0: {  	(pc) =	sbr.rel $0x88, $3  }
0x1: {  	(tag) =	ssettag $0x0;
	lr =	simm.s32 $0x1  }
0x2: {  	[smem:$0x3F9A] =	sst lr;
	_ =	strace $0xD0000000  }
0x3: {  	_ = 	snop  }
0x4: {  	_ = 	snop  }
0x5: {  	_ = 	snop  }
0x6: {  	_ = 	snop  }
0x7: {  	_ = 	snop  }
__scs_overlays_trampoline_lowered:
0x8: {  	[smem:$0x3FA9] =	sst s0  }
0x9: {  	[smem:$0x3FAA] =	sst s1  }
0xa: {  	[smem:$0x3FAB] =	sst s2  }
0xb: {  	[smem:$0x3FAC] =	sst s3  }
0xc: {  	[smem:$0x3FAD] =	sst s4  }
0xd: {  	[smem:$0x3FAE] =	sst s5  }
0xe: {  	[smem:$0x3FAF] =	sst s6  }
0xf: {  	[smem:$0x3FB0] =	sst s7  }
0x10: {  	[smem:$0x3FB1] =	sst s8  }
0x11: {  	[smem:$0x3FB2] =	sst s9;
	s0 =	simm.s32 @!p0 $0x0  }
0x12: {  	s1 =	sld [smem:$0x3F98];
	s0 =	simm.s32 @p0 $0x1  }
0x13: {  	[smem:$0x3FB3] =	sst s0;
	s0 =	simm.s32 @!p1 $0x0  }
0x14: {  	s2 =	sld [smem:$0x3F97];
	s0 =	simm.s32 @p1 $0x1  }
0x15: {  	[smem:$0x3FB4] =	sst s0;
	s0 =	simm.s32 @!p2 $0x0  }
0x16: {  	s3 =	sld [smem:$0x3FDB];
	s0 =	simm.s32 @p2 $0x1  }
0x17: {  	s4 =	simm.s32 $0x1BF5;
	[smem:$0x3FB6] =	sst s0  }
0x18: {  	s0 =	sld [smem:$0x3F99];
	_ =	swait.ge [sflag:s4], $0x0  }
0x19: {  	s7 =	sld [smem:$0x3F9A]  }
0x1a: {  	s8 =	sadd.s32 $0xFFFFE003, lr  }
0x1b: {  	s9 =	sadd.s32 $0xFFFFFEF7, lr;
	s5 =	simm.s32 $0xFFFFFFFF;
	p2 =	slt.u32 s8, $0xFFFFF086  }
0x1c: {  	p1 =	slt.u32 s9, $0xF7A;
	s5 =	simm.s32 @!p2 $0x0  }
0x1d: {  	s5 =	simm.s32 @p1 $0x1;
	p0 =	seq.s32 s7, s2  }
0x1e: {  	s7 =	smul.u32 @!p0 $0xF7A, s2;
	p2 =	seq.s32 @!p0 s5, $0x0  }
0x1f: {  	s9 =	smul.u32 $0xF7A, s1;
	s8 =	simm.s32 @!p0 $0x1BF5;
	p2 =	por !p2, p0  }
0x20: {  	[sflag:s8] =	ssyncset.s32 @!p0 $0xFFFFF086;
	s6 =	sadd.s32 @!p0 s3, s7;
	s7 =	simm.s32 @!p0 $0x108  }
0x21: {  	s3 =	sadd.s32 s3, s9;
	s6 =	sadd.s32 @!p0 $0x88, s6;
	s7 =	simm.s32 @p2 $0x1082  }
0x22: {  	[simem:s7], [sflag:s8] =	dma.local @!p0 [hbm:s6], $0xF7A  }
0x23: {  	s9 =	sor.u32 $0xD0000000, s2;
	s6 =	simm.s32 $0x108;
	_ =	swait.ge @!p0 [sflag:s8], $0x0  }
0x24: {  	s3 =	sadd.s32 $0x88, s3;
	s6 =	simm.s32 @!p1 $0x1082;
	[sflag:s4] =	ssyncset.s32 $0xFFFFF086  }
0x25: {  	[simem:s6], [sflag:s4] =	dma.local [hbm:s3], $0xF7A  }
0x26: {  	[smem:$0x3F9A] =	sst s1;
	(tag) =	ssettag s2;
	_ =	strace s9  }
0x27: {  	s1 =	sld [smem:$0x3FAA]  }
0x28: {  	s2 =	sld [smem:$0x3FAB]  }
0x29: {  	s4 =	sld [smem:$0x3FAD]  }
0x2a: {  	p0 =	seq.s32 s5, $0x0;
	s5 =	sld [smem:$0x3FAE]  }
0x2b: {  	s6 =	sld [smem:$0x3FAF]  }
0x2c: {  	s7 =	sld [smem:$0x3FB0]  }
0x2d: {  	s3 =	simm.s32 $0x108;
	s8 =	sld [smem:$0x3FB1]  }
0x2e: {  	s3 =	simm.s32 @!p0 $0x1082;
	s9 =	sld [smem:$0x3FB2]  }
0x2f: {  	lr =	sadd.s32 s0, s3;
	s0 =	sld [smem:$0x3FA9]  }
0x30: {  	s3 =	sld [smem:$0x3FAC]  }
0x31: {  	[smem:$0x3FB5] =	sst s10  }
0x32: {  	s10 =	sld [smem:$0x3FB3];
	_ =	sdelay $0x3  }
0x33: {  	p0 =	seq.s32 s10, $0x1;
	s10 =	sld [smem:$0x3FB5];
	_ =	sdelay $0x3  }
0x34: {  	[smem:$0x3FB5] =	sst s10  }
0x35: {  	s10 =	sld [smem:$0x3FB4];
	_ =	sdelay $0x3  }
0x36: {  	p1 =	seq.s32 s10, $0x1;
	s10 =	sld [smem:$0x3FB5];
	_ =	sdelay $0x3  }
0x37: {  	[smem:$0x3FB5] =	sst s10  }
0x38: {  	s10 =	sld [smem:$0x3FB6]  }
0x39: {  	_ = 	snop;
	(pc) =	sbr.ind lr, $3  }
0x3a: {  	_ = 	snop  }
0x3b: {  	_ = 	snop  }
0x3c: {  	p2 =	seq.s32 s10, $0x1;
	s10 =	sld [smem:$0x3FB5]  }
0x3d: {  	_ =	shalt  }
0x3e: {  	_ =	shalt  }
0x3f: {  	_ =	shalt  }
0x40: {  	_ =	shalt  }
0x41: {  	_ =	shalt  }
0x42: {  	_ =	shalt  }
0x43: {  	_ =	shalt  }
0x44: {  	_ =	shalt  }
0x45: {  	_ =	shalt  }
0x46: {  	_ =	shalt  }
0x47: {  	_ =	shalt  }
0x48: {  	_ =	shalt  }
0x49: {  	_ =	shalt  }
0x4a: {  	_ =	shalt  }
0x4b: {  	_ =	shalt  }
0x4c: {  	_ =	shalt  }
0x4d: {  	_ =	shalt  }
0x4e: {  	_ =	shalt  }
0x4f: {  	_ =	shalt  }
0x50: {  	_ =	shalt  }
0x51: {  	_ =	shalt  }
0x52: {  	_ =	shalt  }
0x53: {  	_ =	shalt  }
0x54: {  	_ =	shalt  }
0x55: {  	_ =	shalt  }
0x56: {  	_ =	shalt  }
0x57: {  	_ =	shalt  }
0x58: {  	_ =	shalt  }
0x59: {  	_ =	shalt  }
0x5a: {  	_ =	shalt  }
0x5b: {  	_ =	shalt  }
0x5c: {  	_ =	shalt  }
0x5d: {  	_ =	shalt  }
0x5e: {  	_ =	shalt  }
0x5f: {  	_ =	shalt  }
0x60: {  	_ =	shalt  }
0x61: {  	_ =	shalt  }
0x62: {  	_ =	shalt  }
0x63: {  	_ =	shalt  }
0x64: {  	_ =	shalt  }
0x65: {  	_ =	shalt  }
0x66: {  	_ =	shalt  }
0x67: {  	_ =	shalt  }
0x68: {  	_ =	shalt  }
0x69: {  	_ =	shalt  }
0x6a: {  	_ =	shalt  }
0x6b: {  	_ =	shalt  }
0x6c: {  	_ =	shalt  }
0x6d: {  	_ =	shalt  }
0x6e: {  	_ =	shalt  }
0x6f: {  	_ =	shalt  }
0x70: {  	_ =	shalt  }
0x71: {  	_ =	shalt  }
0x72: {  	_ =	shalt  }
0x73: {  	_ =	shalt  }
0x74: {  	_ =	shalt  }
0x75: {  	_ =	shalt  }
0x76: {  	_ =	shalt  }
0x77: {  	_ =	shalt  }
0x78: {  	_ =	shalt  }
0x79: {  	_ =	shalt  }
0x7a: {  	_ =	shalt  }
0x7b: {  	_ =	shalt  }
0x7c: {  	_ =	shalt  }
0x7d: {  	_ =	shalt  }
0x7e: {  	_ =	shalt  }
0x7f: {  	_ =	shalt  }
0x80: {  	_ =	shalt  }
0x81: {  	_ =	shalt  }
0x82: {  	_ =	shalt  }
0x83: {  	_ =	shalt  }
0x84: {  	_ =	shalt  }
0x85: {  	_ =	shalt  }
0x86: {  	_ =	shalt  }
0x87: {  	_ =	shalt  }
.Lfunc_end0:
.L_simem_size_0:
called_computation.1_lowered:
.L_overlay_start_0:
0x88: {  	s2 =	sld [smem:$0x3FD9]  }
0x89: {  	s3 =	sld [smem:$0x3FFE];
	_ =	sdelay $0x1  }
0x8a: {  	s1 =	srdreg.scid  }
0x8b: {  	s0 =	sand.u32 $0x1, s1  }
0x8c: {  	s17 =	sshll.u32 s0, $0xA;
	s2 =	sadd.s32 s3, s2  }
0x8d: {  	s2 =	sadd.s32 s2, s17  }
0x8e: {  	[smem:$0x3FC1] =	sst s2  }
0x8f: {  	_ = 	snop  }
0x90: {  	s18 =	sld [smem:$0x3FC9];
	(tm) =	ssettm $0x1  }
0x91: {  	s19 =	sld [smem:$0x3FFB];
	_ =	sdelay $0x3  }
0x92: {  	_ =	strace s19  }
0x93: {  	s2 =	sld [smem:$0x3FFC];
	_ =	sdelay $0x3  }
0x94: {  	_ =	strace s2  }
0x95: {  	s2 =	sld [smem:$0x3FFD];
	_ =	sdelay $0x3  }
0x96: {  	_ =	strace s2  }
0x97: {  	_ =	strace $0x8FFFFFFF  }
0x98: {  	s20 =	sld [smem:$0x3FDB];
	_ =	sdelay $0x1  }
0x99: {  	s4 =	simm.s32 $_scs_section_size  }
0x9a: {  	s5 =	simm.s32 $_size__tile_overlayer_lowered;
	s6 =	simm.s32 $_tile_overlayer_lowered  }
0x9b: {  	s7 =	simm.s32 $0x1BFF;
	s21 =	sshll.u32 s6, $0x1;
	s4 =	sadd.s32 s4, s20  }
0x9c: {  	s22 =	simm.s32 $0x0;
	s5 =	sshll.u32 s5, $0x1;
	s6 =	sadd.s32 s21, s4  }
0x9d: {  	[timem:s22], [sflag:s7] =	dma.local [hbm:s6], s5  }
0x9e: {  	_ =	swait.ge [sflag:s7], s5  }
0x9f: {  	s5 =	ssub.s32 $0x0, s5;
	[sflag:s7] =	ssyncset.done $0x0  }
0xa0: {  	[sflag:s7] =	ssyncadd.s32 s5;
	_ =	sdelay $0x1  }
0xa1: {  	s23 =	simm.s32 $0x1B8B  }
0xa2: {  	_ =	swait.ge [sflag:s23], $0x1  }
0xa3: {  	[sflag:s23] =	ssyncset.done $0x0  }
0xa4: {  	[sflag:s23] =	ssyncadd.s32 $0xFFFFFFFF  }
0xa5: {  	s5 =	sld [smem:$0x0]  }
0xa6: {  	s6 =	sand.u32 $0xFFFFFFFE, s1  }
0xa7: {  	p0 =	sne.s32 s1, s6  }
0xa8: {  	s6 =	sshll.u32 @p0 s6, $0xE  }
0xa9: {  	s6 =	sadd.s32 @p0 $0x11B8D, s6;
	s7 =	sshll.u32 @p0 s5, $0x11  }
0xaa: {  	s6 =	sor.u32 @p0 s7, s6  }
0xab: {  	[sflag:s6] =	ssyncadd.remote.s32 @p0 $0x1;
	_ =	sdelay $0x1  }
0xac: {  	s6 =	simm.s32 @p0 $0x1B8D  }
0xad: {  	_ =	swait.eq @p0 [sflag:s6], $0x1  }
0xae: {  	[sflag:s6] =	ssyncadd.s32 @p0 $0xFFFFFFFF  }
0xaf: {  	s7 =	sshll.u32 @!p0 s1, $0xE  }
0xb0: {  	s7 =	sor.u32 @!p0 $0x4000, s7;
	s6 =	simm.s32 @!p0 $0x1B8D  }
0xb1: {  	s5 =	sshll.u32 @!p0 s5, $0x11;
	s7 =	sadd.s32 @!p0 $0x11B8D, s7;
	_ =	swait.eq @!p0 [sflag:s6], $0x1  }
0xb2: {  	s5 =	sor.u32 @!p0 s5, s7;
	[sflag:s6] =	ssyncadd.s32 @!p0 $0xFFFFFFFF  }
0xb3: {  	s25 =	simm.s32 $0x1B8E;
	s24 =	sld [smem:$0x3FFE];
	[sflag:s5] =	ssyncadd.remote.s32 @!p0 $0x1  }
0xb4: {  	s26 =	simm.s32 $execute0_lowered;
	[smem:$0x3FD2] =	sst s25  }
0xb5: {  	s6 =	sshll.u32 s26, $0x1;
	_ =	strace $0x80000049;
	[dreg:$0x1] =	wrdreg $0xFFFFFFFF  }
0xb6: {  	s28 =	simm.s32 $_size_execute0_lowered;
	s4 =	sadd.s32 s4, s6;
	[dreg:$0x0] =	wrdreg $0x0  }
0xb7: {  	s6 =	sshll.u32 s28, $0x1;
	[dreg:$0x2] =	wrdreg s4  }
0xb8: {  	[dreg:$0x3] =	wrdreg s6  }
0xb9: {  	[dreg:$0x4] =	wrdreg $0xC0  }
0xba: {  	_ =	task [dreg:s22], $0x5FFFF  }
0xbb: {  	[dreg:$0x1] =	wrdreg $0xFFFFFFFF  }
0xbc: {  	[dreg:$0x0] =	wrdreg $0x60  }
0xbd: {  	[dreg:$0x2] =	wrdreg s18  }
0xbe: {  	[dreg:$0x3] =	wrdreg s24  }
0xbf: {  	[dreg:$0x4] =	wrdreg $0xA4000  }
0xc0: {  	[dreg:$0x5] =	wrdreg $0xA  }
0xc1: {  	_ =	task.clear_ibuf [dreg:s22], $0x6FFFF;
	_ =	strace $0x90000049  }
0xc2: {  	s29 =	simm.s32 $0xA;
	_ =	strace $0x8000004B  }
0xc3: {  	_ =	swait.ge [sflag:s29], $0x1  }
0xc4: {  	[sflag:s29] =	ssyncadd.s32 $0xFFFFFFFF  }
0xc5: {  	_ =	strace $0x9000004B  }
0xc6: {  	_ =	sfence  }
0xc7: {  	s30 =	sld [smem:$0x0];
	_ =	sdelay $0x2  }
0xc8: {  	s31 =	sshll.u32 s1, $0xD;
	s1 =	sshrl.u32 s1, $0x2  }
0xc9: {  	s4 =	sand.u32 $0x4000, s31;
	s1 =	sadd.s32 s1, s30  }
0xca: {  	s0 =	sor.u32 s4, s0;
	s1 =	sshll.u32 s1, $0x11  }
0xcb: {  	s0 =	sor.u32 s1, s0  }
0xcc: {  	s0 =	sadd.s32 $0x8F2B, s0  }
0xcd: {  	[sflag:s0] =	ssyncadd.remote.s32 $0x1  }
0xce: {  	_ =	sfence.sel $0xFFFF  }
0xcf: {  	[dreg:$0x0] =	wrdreg $0xFFFFFFFF;
	(pc) =	sbr.abs _section_cstart, $3  }
0xd0: {  	[dreg:$0x1] =	wrdreg $0xFFFFFFFF  }
0xd1: {  	_ =	task.clear_ibuf [dreg:s22], $0x2FFFF;
	_ =	strace $0x9FFFFFFF  }
0xd2: {  	(tm) =	ssettm $0x7FFFFFFF  }
0xd3: {  	_ =	shalt  }
tec
execute0_lowered:
.L_overlay_start_1:
0x0: {  	(tag) =	ssettag $0x1  }
0x1: {  	s1 =	rddreg [dreg:$0x0]  }
0x2: {  	s0 =	rddreg [dreg:$0x1]  }
0x3: {  	s2 =	rddreg [dreg:$0x2];
	s3 =	srdreg.scid  }
0x4: {  	s4 =	simm.s32 $0x0;
	s12 =	stileid.u32;
	s16 =	simm.s32 $0xD  }
0x5: {  	s28 =	simm.s32 $0xA180;
	s29 =	simm.s32 $0xA380;
	s30 =	simm.s32 $0x5000  }
0x6: {  	s31 =	simm.s32 $0x6;
	s3 =	sand.u32 $0x1, s3;
	[smem:$0x7FF] =	sst s4  }
0x7: {  	s6 =	smul.u32 $0x14000, s12;
	s7 =	sadd.s32 $0x2000, s0;
	s8 =	sadd.s32 $0xBE00, s0  }
0x8: {  	s17 =	sadd.s32 $0x94000, s0;
	s10 =	smul.u32 $0x50000, s12;
	s21 =	sshll.u32 s12, $0x6  }
0x9: {  	s5 =	smul.u32 $0x140000, s3;
	_ =	strace $0x8000004A;
	[dreg:$0x4] =	wrdreg s17  }
0xa: {  	s18 =	sshll.u32 s3, $0x4;
	s9 =	ssub.s32 $0x2, s3;
	s3 =	smul.u32 $0x27100, s3  }
0xb: {  	s17 =	simm.s32 $0xA000;
	s19 =	sshrl.u32 s9, $0x1;
	s20 =	sshrl.u32 s10, $0x2  }
0xc: {  	s5 =	sadd.s32 s6, s5;
	s6 =	sor.u32 s12, s18;
	s12 =	smul.u32 $0x2710, s12  }
0xd: {  	s18 =	simm.s32 $0xA200;
	s5 =	sshrl.u32 s5, $0x3;
	s6 =	smul.u32 $0x2710, s6  }
0xe: {  	s0 =	sadd.s32 s5, s0;
	s5 =	ssub.s32 s9, s19;
	s9 =	sadd.s32 s20, s2  }
0xf: {  	s3 =	sadd.s32 s12, s3;
	s19 =	simm.s32 $0xA080;
	s20 =	simm.s32 $0xA280  }
0x10: {  	s12 =	simm.s32 $0x0;
	s11 =	sshrl.u32 s6, $0x3;
	s6 =	sor.u32 $0x1C0D, s21  }
0x11: {  	s3 =	sadd.s32 $0xA0, s3;
	s0 =	sadd.s32 $0x96800, s0;
	s25 =	smax.u32 s5, $0x1  }
0x12: {  	s15 =	sshrl.u32 s9, $0x3;
	s21 =	simm.s32 $0x50;
	[dreg:$0x9] =	wrdreg s0  }
0x13: {  	s9 =	simm.s32 $0x4;
	s22 =	sadd.s32 s7, s11;
	[dreg:$0xa] =	wrdreg s25  }
0x14: {  	s23 =	sadd.s32 s8, s11;
	s24 =	sadd.s32 $0xA, s11;
	[dreg:$0x5] =	wrdreg s22  }
0x15: {  	s26 =	sshrl.u32 s3, $0x3;
	s25 =	simm.s32 $0x5;
	[dreg:$0x6] =	wrdreg s23  }
0x16: {  	s11 =	sadd.s32 s7, s24;
	s10 =	sadd.s32 s8, s24;
	s3 =	sadd.s32 s26, s8  }
.Ltmp0:
0x17: {  	s0 =	sadd.s32 s26, s7;
	[dreg:$0x7] =	wrdreg s11;
	(pc) =	sbr.rel .LBB2_1-.Ltmp0, $4  }
0x18: {  	s22 =	simm.s32 $0xA100;
	s23 =	simm.s32 $0xA300;
	[dreg:$0x8] =	wrdreg s10  }
0x19: {  	s24 =	simm.s32 $0x2800;
	s26 =	simm.s32 $0x2;
	[dreg:$0xb] =	wrdreg s3  }
0x1a: {  	s7 =	simm.s32 $0x7800;
	s8 =	simm.s32 $0x7;
	[dreg:$0xc] =	wrdreg s0  }
0x1b: {  	s0 =	simm.s32 $0x3;
	s10 =	simm.s32 $0x8;
	s11 =	simm.s32 $0x1  }
.LBB2_11:
0x1c: {  	_ =	swait.ge [sflag:s31], $0x2800  }
0x1d: {  	[sflag:s31] =	ssyncset.done $0x0  }
0x1e: {  	[sflag:s31] =	ssyncadd.s32 $0xFFFFD800  }
0x1f: {  	[spmem:s2] =	stream.indirect.scatter.add.f32 [tilespmem:s24], [sflag:$0xA], $0x80, s20, s21, $0xb8;
	[tilespmem:$0x1E400] =	vst v63  }
.LBB2_26:
0x20: {  	s3 =	simm.s32 $0xC  }
0x21: {  	_ =	swait.ge [sflag:s3], $0x2800  }
0x22: {  	[sflag:s3] =	ssyncset.done $0x0  }
0x23: {  	s5 =	simm.s32 $0x9;
	[sflag:s3] =	ssyncadd.s32 $0xFFFFD800  }
0x24: {  	_ =	swait.ge [sflag:s5], $0x2800  }
0x25: {  	[sflag:s5] =	ssyncset.done $0x0  }
0x26: {  	[sflag:s5] =	ssyncadd.s32 $0xFFFFD800  }
0x27: {  	[bflag:$0x0] =	sbarrier.arrive $0xFFFF  }
0x28: {  	s13 =	rddreg [dreg:$0x9]  }
0x29: {  	[hbm:s13], [sflag:s6] =	dma.local [spmem:s15], $0x2800  }
0x2a: {  	_ =	swait.ge [sflag:s16], $0x2800  }
0x2b: {  	s12 =	sadd.s32 $0x1, s12;
	s14 =	rddreg [dreg:$0xa]  }
0x2c: {  	p0 =	sne.s32 s12, s14  }
.Ltmp1:
0x2d: {  	_ = 	snop;
	(pc) =	sbr.rel @!p0 .LBB2_27-.Ltmp1, $3  }
0x2e: {  	_ =	sdelay $0x1  }
0x2f: {  	[sflag:s16] =	ssyncset.done $0x0  }
0x30: {  	[sflag:s16] =	ssyncadd.s32 $0xFFFFD800  }
.LBB2_1:
0x31: {  	s3 =	rddreg [dreg:$0x4]  }
0x32: {  	[spmem:s15], [sflag:s6] =	dma.local [hbm:s3], $0x2800  }
0x33: {  	_ =	swait.ge [sflag:s16], $0x2800  }
0x34: {  	[sflag:s16] =	ssyncset.done $0x0  }
0x35: {  	[sflag:s16] =	ssyncadd.s32 $0xFFFFD800  }
0x36: {  	[bflag:$0x0] =	sbarrier.arrive $0xFFFF  }
0x37: {  	s14 =	rddreg [dreg:$0x5]  }
0x38: {  	[tilespmem:s17], [sflag:$0xD] =	stream.linear.gather [hbm4b:s14+s4], $0x50, $0x38;
	[tilespmem:$0x1E400] =	vst v63  }
0x39: {  	_ =	swait.ge [sflag:s16], $0x50  }
0x3a: {  	[sflag:s16] =	ssyncset.done $0x0  }
0x3b: {  	s5 =	rddreg [dreg:$0x6];
	[sflag:s16] =	ssyncadd.s32 $0xFFFFFFB0  }
0x3c: {  	[tilespmem:s18], [sflag:$0xD] =	stream.linear.gather [hbm4b:s5+s4], $0x50, $0x38;
	[tilespmem:$0x1E400] =	vst v63  }
0x3d: {  	_ =	swait.ge [sflag:s16], $0x50  }
0x3e: {  	[sflag:s16] =	ssyncset.done $0x0  }
0x3f: {  	s13 =	rddreg [dreg:$0x7];
	[sflag:s16] =	ssyncadd.s32 $0xFFFFFFB0  }
0x40: {  	[tilespmem:s19], [sflag:$0xD] =	stream.linear.gather [hbm4b:s13+s4], $0x50, $0x38;
	[tilespmem:$0x1E400] =	vst v63  }
0x41: {  	_ =	swait.ge [sflag:s16], $0x50  }
0x42: {  	[sflag:s16] =	ssyncset.done $0x0  }
0x43: {  	s14 =	rddreg [dreg:$0x8];
	[sflag:s16] =	ssyncadd.s32 $0xFFFFFFB0  }
0x44: {  	[tilespmem:s20], [sflag:$0xD] =	stream.linear.gather [hbm4b:s14+s4], $0x50, $0x38;
	[tilespmem:$0x1E400] =	vst v63  }
.Ltmp2:
0x45: {  	_ = 	snop;
	(pc) =	sbr.rel .LBB2_2-.Ltmp2, $4  }
0x46: {  	_ =	swait.ge [sflag:s16], $0x50  }
0x47: {  	[sflag:s16] =	ssyncset.done $0x0;
	s14 =	rddreg [dreg:$0xc]  }
0x48: {  	s3 =	simm.s32 $0x0;
	s13 =	rddreg [dreg:$0xb];
	[sflag:s16] =	ssyncadd.s32 $0xFFFFFFB0  }
0x49: {  	[tilespmem:s4], [sflag:$0x5] =	stream.indirect.gather [hbm4b:s1+s21], $0x80, s17, s21, $0xb8;
	[tilespmem:$0x1E400] =	vst v63  }
.LBB2_13:
0x4a: {  	[tilespmem:s30], [sflag:$0x7] =	stream.indirect.gather [hbm4b:s1+s21], $0x80, s22, s21, $0xb8;
	[tilespmem:$0x1E400] =	vst v63  }
0x4b: {  	_ =	swait.ge [sflag:s31], $0x2800  }
0x4c: {  	[sflag:s31] =	ssyncset.done $0x0  }
0x4d: {  	[sflag:s31] =	ssyncadd.s32 $0xFFFFD800  }
0x4e: {  	[spmem:s2] =	stream.indirect.scatter.add.f32 [tilespmem:s24], [sflag:$0xA], $0x80, s20, s21, $0xb8;
	[tilespmem:$0x1E400] =	vst v63  }
.LBB2_25:
0x4f: {  	s3 =	sadd.s32 $0x1, s3  }
0x50: {  	p0 =	sne.s32 s3, $0x7D  }
.Ltmp3:
0x51: {  	_ = 	snop;
	(pc) =	sbr.rel @!p0 .LBB2_26-.Ltmp3, $2  }
0x52: {  	_ =	sdelay $0x2  }
0x53: {  	s13 =	sadd.s32 $0xA, s13;
	s14 =	sadd.s32 $0xA, s14  }
.LBB2_2:
0x54: {  	s5 =	sand.u32 $0x3, s3  }
0x55: {  	p0 =	sgt.s32 s5, $0x1  }
.Ltmp4:
0x56: {  	_ = 	snop;
	(pc) =	sbr.rel @p0 .LBB2_19-.Ltmp4, $1  }
0x57: {  	_ =	sdelay $0x3  }
0x58: {  	p0 =	seq.s32 s5, $0x0  }
.Ltmp5:
0x59: {  	_ = 	snop;
	(pc) =	sbr.rel @!p0 .LBB2_9-.Ltmp5, $1  }
0x5a: {  	_ =	sdelay $0x3  }
0x5b: {  	p0 =	slt.u32 s3, $0x2  }
0x5c: {  	s5 =	simm.s32 @!p0 $0xB  }
0x5d: {  	_ =	swait.ge @!p0 [sflag:s5], $0x2800  }
0x5e: {  	p1 =	sgt.u32 @!p0 s3, $0x7A;
	[sflag:s5] =	ssyncset.done @!p0 $0x0  }
0x5f: {  	p1 =	por p0, !p1;
	[sflag:s5] =	ssyncadd.s32 @!p0 $0xFFFFD800;
	p0 =	seq.s32 s3, $0x0  }
.Ltmp6:
0x60: {  	_ = 	snop;
	(pc) =	sbr.rel @p0 .LBB2_7-.Ltmp6, $4  }
0x61: {  	_ = 	snop  }
0x62: {  	[tilespmem:s22], [sflag:$0x3] =	stream.linear.gather @p1 [hbm4b:s14+s4], $0x50, $0x38;
	[tilespmem:$0x1E400] =	vst v63  }
0x63: {  	_ = 	snop  }
0x64: {  	[tilespmem:s23], [sflag:$0x3] =	stream.linear.gather @p1 [hbm4b:s13+s4], $0x50, $0x38;
	[tilespmem:$0x1E400] =	vst v63  }
0x65: {  	p0 =	seq.s32 s3, $0x7C  }
.Ltmp7:
0x66: {  	_ = 	snop;
	(pc) =	sbr.rel @p0 .LBB2_8-.Ltmp7, $1  }
0x67: {  	_ =	sdelay $0x3  }
0x68: {  	_ =	swait.ge [sflag:s26], $0x50  }
0x69: {  	[sflag:s26] =	ssyncset.done $0x0  }
0x6a: {  	[sflag:s26] =	ssyncadd.s32 $0xFFFFFFB0  }
0x6b: {  	_ =	swait.ge [sflag:s26], $0x50  }
0x6c: {  	[sflag:s26] =	ssyncset.done $0x0  }
0x6d: {  	[sflag:s26] =	ssyncadd.s32 $0xFFFFFFB0  }
.LBB2_7:
0x6e: {  	[tilespmem:s24], [sflag:$0x6] =	stream.indirect.gather [hbm4b:s1+s21], $0x80, s19, s21, $0xb8;
	[tilespmem:$0x1E400] =	vst v63  }
.LBB2_8:
.Ltmp8:
0x6f: {  	(pc) =	sbr.rel .LBB2_25-.Ltmp8, $4  }
0x70: {  	_ =	swait.ge [sflag:s25], $0x2800  }
0x71: {  	[sflag:s25] =	ssyncset.done $0x0  }
0x72: {  	[sflag:s25] =	ssyncadd.s32 $0xFFFFD800  }
0x73: {  	[spmem:s2] =	stream.indirect.scatter.add.f32 [tilespmem:s4], [sflag:$0x9], $0x80, s18, s21, $0xb8;
	[tilespmem:$0x1E400] =	vst v63  }
.LBB2_19:
0x74: {  	p2 =	seq.s32 s5, $0x2  }
.Ltmp9:
0x75: {  	_ = 	snop;
	(pc) =	sbr.rel @!p2 .LBB2_20-.Ltmp9, $3  }
0x76: {  	_ =	sdelay $0x1  }
0x77: {  	p0 =	slt.u32 s3, $0x2  }
0x78: {  	p1 =	sgt.u32 @!p0 s3, $0x7A  }
0x79: {  	s5 =	simm.s32 @!p0 $0x9  }
0x7a: {  	_ =	swait.ge @!p0 [sflag:s5], $0x2800  }
0x7b: {  	[sflag:s5] =	ssyncset.done @!p0 $0x0  }
0x7c: {  	p1 =	por p0, !p1;
	[sflag:s5] =	ssyncadd.s32 @!p0 $0xFFFFD800;
	p0 =	seq.s32 s3, $0x0  }
.Ltmp10:
0x7d: {  	_ = 	snop;
	(pc) =	sbr.rel @p0 .LBB2_17-.Ltmp10, $4  }
0x7e: {  	_ = 	snop  }
0x7f: {  	[tilespmem:s17], [sflag:$0x1] =	stream.linear.gather @p1 [hbm4b:s14+s4], $0x50, $0x38;
	[tilespmem:$0x1E400] =	vst v63  }
0x80: {  	_ = 	snop  }
0x81: {  	[tilespmem:s18], [sflag:$0x1] =	stream.linear.gather @p1 [hbm4b:s13+s4], $0x50, $0x38;
	[tilespmem:$0x1E400] =	vst v63  }
0x82: {  	p0 =	seq.s32 s3, $0x7C  }
.Ltmp11:
0x83: {  	_ = 	snop;
	(pc) =	sbr.rel @p0 .LBB2_18-.Ltmp11, $1  }
0x84: {  	_ =	sdelay $0x3  }
0x85: {  	_ =	swait.ge [sflag:s9], $0x50  }
0x86: {  	[sflag:s9] =	ssyncset.done $0x0  }
0x87: {  	[sflag:s9] =	ssyncadd.s32 $0xFFFFFFB0  }
0x88: {  	_ =	swait.ge [sflag:s9], $0x50  }
0x89: {  	[sflag:s9] =	ssyncset.done $0x0  }
0x8a: {  	[sflag:s9] =	ssyncadd.s32 $0xFFFFFFB0  }
.LBB2_17:
0x8b: {  	[tilespmem:s7], [sflag:$0x8] =	stream.indirect.gather [hbm4b:s1+s21], $0x80, s28, s21, $0xb8;
	[tilespmem:$0x1E400] =	vst v63  }
.LBB2_18:
.Ltmp12:
0x8c: {  	(pc) =	sbr.rel .LBB2_25-.Ltmp12, $4  }
0x8d: {  	_ =	swait.ge [sflag:s8], $0x2800  }
0x8e: {  	[sflag:s8] =	ssyncset.done $0x0  }
0x8f: {  	[sflag:s8] =	ssyncadd.s32 $0xFFFFD800  }
0x90: {  	[spmem:s2] =	stream.indirect.scatter.add.f32 [tilespmem:s30], [sflag:$0xB], $0x80, s23, s21, $0xb8;
	[tilespmem:$0x1E400] =	vst v63  }
.LBB2_9:
0x91: {  	p0 =	slt.u32 s3, $0x2  }
0x92: {  	s5 =	simm.s32 @!p0 $0xC  }
0x93: {  	_ =	swait.ge @!p0 [sflag:s5], $0x2800  }
0x94: {  	p1 =	sgt.u32 @!p0 s3, $0x7A;
	[sflag:s5] =	ssyncset.done @!p0 $0x0  }
0x95: {  	p1 =	por p0, !p1;
	[sflag:s5] =	ssyncadd.s32 @!p0 $0xFFFFD800;
	p0 =	seq.s32 s3, $0x0  }
.Ltmp13:
0x96: {  	_ = 	snop;
	(pc) =	sbr.rel @p0 .LBB2_13-.Ltmp13, $4  }
0x97: {  	_ = 	snop  }
0x98: {  	[tilespmem:s28], [sflag:$0x4] =	stream.linear.gather @p1 [hbm4b:s14+s4], $0x50, $0x38;
	[tilespmem:$0x1E400] =	vst v63  }
0x99: {  	_ = 	snop  }
0x9a: {  	[tilespmem:s29], [sflag:$0x4] =	stream.linear.gather @p1 [hbm4b:s13+s4], $0x50, $0x38;
	[tilespmem:$0x1E400] =	vst v63  }
0x9b: {  	p0 =	sne.s32 s3, $0x7C  }
.Ltmp14:
0x9c: {  	_ = 	snop;
	(pc) =	sbr.rel @!p0 .LBB2_11-.Ltmp14, $1  }
0x9d: {  	_ =	sdelay $0x3  }
0x9e: {  	_ =	swait.ge [sflag:s0], $0x50  }
.Ltmp15:
0x9f: {  	[sflag:s0] =	ssyncset.done $0x0;
	(pc) =	sbr.rel .LBB2_13-.Ltmp15, $4  }
0xa0: {  	[sflag:s0] =	ssyncadd.s32 $0xFFFFFFB0  }
0xa1: {  	_ =	swait.ge [sflag:s0], $0x50  }
0xa2: {  	[sflag:s0] =	ssyncset.done $0x0  }
0xa3: {  	[sflag:s0] =	ssyncadd.s32 $0xFFFFFFB0  }
.LBB2_20:
0xa4: {  	s5 =	simm.s32 @!p0 $0xA  }
0xa5: {  	_ =	swait.ge @!p0 [sflag:s5], $0x2800  }
0xa6: {  	[sflag:s5] =	ssyncset.done @!p0 $0x0  }
0xa7: {  	p1 =	por p0, !p1;
	[sflag:s5] =	ssyncadd.s32 @!p0 $0xFFFFD800;
	p0 =	seq.s32 s3, $0x0  }
.Ltmp16:
0xa8: {  	_ = 	snop;
	(pc) =	sbr.rel @p0 .LBB2_23-.Ltmp16, $4  }
0xa9: {  	_ = 	snop  }
0xaa: {  	[tilespmem:s19], [sflag:$0x2] =	stream.linear.gather @p1 [hbm4b:s14+s4], $0x50, $0x38;
	[tilespmem:$0x1E400] =	vst v63  }
0xab: {  	_ = 	snop  }
0xac: {  	[tilespmem:s20], [sflag:$0x2] =	stream.linear.gather @p1 [hbm4b:s13+s4], $0x50, $0x38;
	[tilespmem:$0x1E400] =	vst v63  }
0xad: {  	p0 =	seq.s32 s3, $0x7C  }
.Ltmp17:
0xae: {  	_ = 	snop;
	(pc) =	sbr.rel @p0 .LBB2_24-.Ltmp17, $1  }
0xaf: {  	_ =	sdelay $0x3  }
0xb0: {  	_ =	swait.ge [sflag:s11], $0x50  }
0xb1: {  	[sflag:s11] =	ssyncset.done $0x0  }
0xb2: {  	[sflag:s11] =	ssyncadd.s32 $0xFFFFFFB0  }
0xb3: {  	_ =	swait.ge [sflag:s11], $0x50  }
0xb4: {  	[sflag:s11] =	ssyncset.done $0x0  }
0xb5: {  	[sflag:s11] =	ssyncadd.s32 $0xFFFFFFB0  }
.LBB2_23:
0xb6: {  	[tilespmem:s4], [sflag:$0x5] =	stream.indirect.gather [hbm4b:s1+s21], $0x80, s17, s21, $0xb8;
	[tilespmem:$0x1E400] =	vst v63  }
.LBB2_24:
.Ltmp18:
0xb7: {  	(pc) =	sbr.rel .LBB2_25-.Ltmp18, $4  }
0xb8: {  	_ =	swait.ge [sflag:s10], $0x2800  }
0xb9: {  	[sflag:s10] =	ssyncset.done $0x0  }
0xba: {  	[sflag:s10] =	ssyncadd.s32 $0xFFFFD800  }
0xbb: {  	[spmem:s2] =	stream.indirect.scatter.add.f32 [tilespmem:s7], [sflag:$0xC], $0x80, s29, s21, $0xb8;
	[tilespmem:$0x1E400] =	vst v63  }
.LBB2_27:
0xbc: {  	_ =	sfence.sel $0x180000  }
0xbd: {  	[bflag:$0x0] =	sbarrier.arrive $0xFFFF  }
0xbe: {  	_ =	strace $0x9000004A  }
0xbf: {  	s0 =	stileid.u32;
	[bflag:$0x2] =	sbarrier.arrive $0xFFFF  }
0xc0: {  	p0 =	sne.s32 s0, $0x0;
	s0 =	rddreg [dreg:$0x3]  }
0xc1: {  	s0 =	sadd.s32 @!p0 $0x100000, s0  }
0xc2: {  	[sflag:s0] =	ssyncadd.tile.s32 @!p0 $0x1;
	_ =	shalt  }
.Lfunc_end2:
_tile_overlayer_lowered:
.L_overlay_start_2:
0xc3: {  	(tag) =	ssettag $0x2  }
0xc4: {  	s0 =	rddreg [dreg:$0x0];
	s2 =	stileid.u32  }
0xc5: {  	s1 =	rddreg [dreg:$0x1];
	p0 =	sne.s32 s2, $0x0  }
0xc6: {  	s3 =	rddreg [dreg:$0x2];
	[bflag:$0x3] =	sbarrier.arrive $0xFFFF;
	s2 =	simm.s32 @!p0 $0x1C0D  }
0xc7: {  	[timem:s3], [sflag:s2] =	dma.local @!p0 [hbm:s0], s1  }
0xc8: {  	s0 =	simm.s32 @!p0 $0xD  }
0xc9: {  	_ =	swait.ge @!p0 [sflag:s0], s1  }
0xca: {  	s1 =	ssub.s32 @!p0 $0x0, s1;
	[sflag:s0] =	ssyncset.done @!p0 $0x0  }
0xcb: {  	[sflag:s0] =	ssyncadd.s32 @!p0 s1  }
0xcc: {  	[bflag:$0x3] =	sbarrier.arrive $0xFFFF  }
0xcd: {  	_ =	shalt  }

// kernel: kernel.14.cloned.1.call-start
scs
__scs_entry_jumppad:
0x0: {  	(pc) =	sbr.rel $0x88, $3  }
0x1: {  	(tag) =	ssettag $0x0;
	lr =	simm.s32 $0x1  }
0x2: {  	[smem:$0x3F9A] =	sst lr;
	_ =	strace $0xD0000000  }
0x3: {  	_ = 	snop  }
0x4: {  	_ = 	snop  }
0x5: {  	_ = 	snop  }
0x6: {  	_ = 	snop  }
0x7: {  	_ = 	snop  }
__scs_overlays_trampoline_lowered:
0x8: {  	[smem:$0x3FA9] =	sst s0  }
0x9: {  	[smem:$0x3FAA] =	sst s1  }
0xa: {  	[smem:$0x3FAB] =	sst s2  }
0xb: {  	[smem:$0x3FAC] =	sst s3  }
0xc: {  	[smem:$0x3FAD] =	sst s4  }
0xd: {  	[smem:$0x3FAE] =	sst s5  }
0xe: {  	[smem:$0x3FAF] =	sst s6  }
0xf: {  	[smem:$0x3FB0] =	sst s7  }
0x10: {  	[smem:$0x3FB1] =	sst s8  }
0x11: {  	[smem:$0x3FB2] =	sst s9;
	s0 =	simm.s32 @!p0 $0x0  }
0x12: {  	s1 =	sld [smem:$0x3F98];
	s0 =	simm.s32 @p0 $0x1  }
0x13: {  	[smem:$0x3FB3] =	sst s0;
	s0 =	simm.s32 @!p1 $0x0  }
0x14: {  	s2 =	sld [smem:$0x3F97];
	s0 =	simm.s32 @p1 $0x1  }
0x15: {  	[smem:$0x3FB4] =	sst s0;
	s0 =	simm.s32 @!p2 $0x0  }
0x16: {  	s3 =	sld [smem:$0x3FDB];
	s0 =	simm.s32 @p2 $0x1  }
0x17: {  	s4 =	simm.s32 $0x1BF5;
	[smem:$0x3FB6] =	sst s0  }
0x18: {  	s0 =	sld [smem:$0x3F99];
	_ =	swait.ge [sflag:s4], $0x0  }
0x19: {  	s7 =	sld [smem:$0x3F9A]  }
0x1a: {  	s8 =	sadd.s32 $0xFFFFE003, lr  }
0x1b: {  	s9 =	sadd.s32 $0xFFFFFEF7, lr;
	s5 =	simm.s32 $0xFFFFFFFF;
	p2 =	slt.u32 s8, $0xFFFFF086  }
0x1c: {  	p1 =	slt.u32 s9, $0xF7A;
	s5 =	simm.s32 @!p2 $0x0  }
0x1d: {  	s5 =	simm.s32 @p1 $0x1;
	p0 =	seq.s32 s7, s2  }
0x1e: {  	s7 =	smul.u32 @!p0 $0xF7A, s2;
	p2 =	seq.s32 @!p0 s5, $0x0  }
0x1f: {  	s9 =	smul.u32 $0xF7A, s1;
	s8 =	simm.s32 @!p0 $0x1BF5;
	p2 =	por !p2, p0  }
0x20: {  	[sflag:s8] =	ssyncset.s32 @!p0 $0xFFFFF086;
	s6 =	sadd.s32 @!p0 s3, s7;
	s7 =	simm.s32 @!p0 $0x108  }
0x21: {  	s3 =	sadd.s32 s3, s9;
	s6 =	sadd.s32 @!p0 $0x88, s6;
	s7 =	simm.s32 @p2 $0x1082  }
0x22: {  	[simem:s7], [sflag:s8] =	dma.local @!p0 [hbm:s6], $0xF7A  }
0x23: {  	s9 =	sor.u32 $0xD0000000, s2;
	s6 =	simm.s32 $0x108;
	_ =	swait.ge @!p0 [sflag:s8], $0x0  }
0x24: {  	s3 =	sadd.s32 $0x88, s3;
	s6 =	simm.s32 @!p1 $0x1082;
	[sflag:s4] =	ssyncset.s32 $0xFFFFF086  }
0x25: {  	[simem:s6], [sflag:s4] =	dma.local [hbm:s3], $0xF7A  }
0x26: {  	[smem:$0x3F9A] =	sst s1;
	(tag) =	ssettag s2;
	_ =	strace s9  }
0x27: {  	s1 =	sld [smem:$0x3FAA]  }
0x28: {  	s2 =	sld [smem:$0x3FAB]  }
0x29: {  	s4 =	sld [smem:$0x3FAD]  }
0x2a: {  	p0 =	seq.s32 s5, $0x0;
	s5 =	sld [smem:$0x3FAE]  }
0x2b: {  	s6 =	sld [smem:$0x3FAF]  }
0x2c: {  	s7 =	sld [smem:$0x3FB0]  }
0x2d: {  	s3 =	simm.s32 $0x108;
	s8 =	sld [smem:$0x3FB1]  }
0x2e: {  	s3 =	simm.s32 @!p0 $0x1082;
	s9 =	sld [smem:$0x3FB2]  }
0x2f: {  	lr =	sadd.s32 s0, s3;
	s0 =	sld [smem:$0x3FA9]  }
0x30: {  	s3 =	sld [smem:$0x3FAC]  }
0x31: {  	[smem:$0x3FB5] =	sst s10  }
0x32: {  	s10 =	sld [smem:$0x3FB3];
	_ =	sdelay $0x3  }
0x33: {  	p0 =	seq.s32 s10, $0x1;
	s10 =	sld [smem:$0x3FB5];
	_ =	sdelay $0x3  }
0x34: {  	[smem:$0x3FB5] =	sst s10  }
0x35: {  	s10 =	sld [smem:$0x3FB4];
	_ =	sdelay $0x3  }
0x36: {  	p1 =	seq.s32 s10, $0x1;
	s10 =	sld [smem:$0x3FB5];
	_ =	sdelay $0x3  }
0x37: {  	[smem:$0x3FB5] =	sst s10  }
0x38: {  	s10 =	sld [smem:$0x3FB6]  }
0x39: {  	_ = 	snop;
	(pc) =	sbr.ind lr, $3  }
0x3a: {  	_ = 	snop  }
0x3b: {  	_ = 	snop  }
0x3c: {  	p2 =	seq.s32 s10, $0x1;
	s10 =	sld [smem:$0x3FB5]  }
0x3d: {  	_ =	shalt  }
0x3e: {  	_ =	shalt  }
0x3f: {  	_ =	shalt  }
0x40: {  	_ =	shalt  }
0x41: {  	_ =	shalt  }
0x42: {  	_ =	shalt  }
0x43: {  	_ =	shalt  }
0x44: {  	_ =	shalt  }
0x45: {  	_ =	shalt  }
0x46: {  	_ =	shalt  }
0x47: {  	_ =	shalt  }
0x48: {  	_ =	shalt  }
0x49: {  	_ =	shalt  }
0x4a: {  	_ =	shalt  }
0x4b: {  	_ =	shalt  }
0x4c: {  	_ =	shalt  }
0x4d: {  	_ =	shalt  }
0x4e: {  	_ =	shalt  }
0x4f: {  	_ =	shalt  }
0x50: {  	_ =	shalt  }
0x51: {  	_ =	shalt  }
0x52: {  	_ =	shalt  }
0x53: {  	_ =	shalt  }
0x54: {  	_ =	shalt  }
0x55: {  	_ =	shalt  }
0x56: {  	_ =	shalt  }
0x57: {  	_ =	shalt  }
0x58: {  	_ =	shalt  }
0x59: {  	_ =	shalt  }
0x5a: {  	_ =	shalt  }
0x5b: {  	_ =	shalt  }
0x5c: {  	_ =	shalt  }
0x5d: {  	_ =	shalt  }
0x5e: {  	_ =	shalt  }
0x5f: {  	_ =	shalt  }
0x60: {  	_ =	shalt  }
0x61: {  	_ =	shalt  }
0x62: {  	_ =	shalt  }
0x63: {  	_ =	shalt  }
0x64: {  	_ =	shalt  }
0x65: {  	_ =	shalt  }
0x66: {  	_ =	shalt  }
0x67: {  	_ =	shalt  }
0x68: {  	_ =	shalt  }
0x69: {  	_ =	shalt  }
0x6a: {  	_ =	shalt  }
0x6b: {  	_ =	shalt  }
0x6c: {  	_ =	shalt  }
0x6d: {  	_ =	shalt  }
0x6e: {  	_ =	shalt  }
0x6f: {  	_ =	shalt  }
0x70: {  	_ =	shalt  }
0x71: {  	_ =	shalt  }
0x72: {  	_ =	shalt  }
0x73: {  	_ =	shalt  }
0x74: {  	_ =	shalt  }
0x75: {  	_ =	shalt  }
0x76: {  	_ =	shalt  }
0x77: {  	_ =	shalt  }
0x78: {  	_ =	shalt  }
0x79: {  	_ =	shalt  }
0x7a: {  	_ =	shalt  }
0x7b: {  	_ =	shalt  }
0x7c: {  	_ =	shalt  }
0x7d: {  	_ =	shalt  }
0x7e: {  	_ =	shalt  }
0x7f: {  	_ =	shalt  }
0x80: {  	_ =	shalt  }
0x81: {  	_ =	shalt  }
0x82: {  	_ =	shalt  }
0x83: {  	_ =	shalt  }
0x84: {  	_ =	shalt  }
0x85: {  	_ =	shalt  }
0x86: {  	_ =	shalt  }
0x87: {  	_ =	shalt  }
.Lfunc_end0:
.L_simem_size_0:
called_computation.2_lowered:
.L_overlay_start_0:
0x88: {  	s2 =	sld [smem:$0x3FD9]  }
0x89: {  	s3 =	sld [smem:$0x3FFE];
	_ =	sdelay $0x1  }
0x8a: {  	s1 =	srdreg.scid  }
0x8b: {  	s0 =	sand.u32 $0x1, s1  }
0x8c: {  	s17 =	sshll.u32 s0, $0xA;
	s2 =	sadd.s32 s3, s2  }
0x8d: {  	s2 =	sadd.s32 s2, s17  }
0x8e: {  	[smem:$0x3FC1] =	sst s2  }
0x8f: {  	_ = 	snop  }
0x90: {  	s2 =	sld [smem:$0x3FD0];
	(tm) =	ssettm $0x1  }
0x91: {  	s18 =	sld [smem:$0x3FFB];
	_ =	sdelay $0x3  }
0x92: {  	_ =	strace s18  }
0x93: {  	s3 =	sld [smem:$0x3FFC];
	_ =	sdelay $0x3  }
0x94: {  	_ =	strace s3  }
0x95: {  	s3 =	sld [smem:$0x3FFD];
	_ =	sdelay $0x3  }
0x96: {  	_ =	strace s3  }
0x97: {  	_ =	strace $0x8FFFFFFF  }
0x98: {  	s19 =	sld [smem:$0x3FDB];
	_ =	sdelay $0x1  }
0x99: {  	s4 =	simm.s32 $_scs_section_size  }
0x9a: {  	s5 =	simm.s32 $_size__tile_overlayer_lowered;
	s6 =	simm.s32 $_tile_overlayer_lowered  }
0x9b: {  	s22 =	simm.s32 $0x1BFF;
	s21 =	sshll.u32 s6, $0x1;
	s3 =	sadd.s32 s4, s19  }
0x9c: {  	s7 =	simm.s32 $0x0;
	s20 =	sshll.u32 s5, $0x1;
	s5 =	sadd.s32 s21, s3  }
0x9d: {  	[timem:s7], [sflag:s22] =	dma.local [hbm:s5], s20  }
0x9e: {  	_ =	swait.ge [sflag:s22], s20  }
0x9f: {  	s4 =	ssub.s32 $0x0, s20;
	[sflag:s22] =	ssyncset.done $0x0  }
0xa0: {  	[sflag:s22] =	ssyncadd.s32 s4;
	_ =	sdelay $0x1  }
0xa1: {  	s23 =	simm.s32 $0x1B8B  }
0xa2: {  	_ =	swait.ge [sflag:s23], $0x1  }
0xa3: {  	[sflag:s23] =	ssyncset.done $0x0  }
0xa4: {  	s25 =	simm.s32 $0x1B8E;
	s24 =	sld [smem:$0x3FFE];
	[sflag:s23] =	ssyncadd.s32 $0xFFFFFFFF  }
0xa5: {  	s26 =	simm.s32 $execute0_lowered;
	[smem:$0x3FD2] =	sst s25  }
0xa6: {  	s5 =	sshll.u32 s26, $0x1;
	_ =	strace $0x8000004C;
	[dreg:$0x1] =	wrdreg $0xFFFFFFFF  }
0xa7: {  	s28 =	simm.s32 $_size_execute0_lowered;
	s3 =	sadd.s32 s3, s5;
	[dreg:$0x0] =	wrdreg $0x0  }
0xa8: {  	s5 =	sshll.u32 s28, $0x1;
	[dreg:$0x2] =	wrdreg s3  }
0xa9: {  	[dreg:$0x3] =	wrdreg s5  }
0xaa: {  	[dreg:$0x4] =	wrdreg $0xC0  }
0xab: {  	_ =	task [dreg:s7], $0x5FFFF  }
0xac: {  	[dreg:$0x1] =	wrdreg $0xFFFFFFFF  }
0xad: {  	[dreg:$0x0] =	wrdreg $0x60  }
0xae: {  	[dreg:$0x2] =	wrdreg s2  }
0xaf: {  	[dreg:$0x3] =	wrdreg s24  }
0xb0: {  	[dreg:$0x4] =	wrdreg $0xA4000  }
0xb1: {  	[dreg:$0x5] =	wrdreg $0x9  }
0xb2: {  	_ =	task.clear_ibuf [dreg:s7], $0x6FFFF;
	_ =	strace $0x9000004C  }
0xb3: {  	s29 =	simm.s32 $0x9;
	_ =	strace $0x8000004E  }
0xb4: {  	_ =	swait.ge [sflag:s29], $0x1  }
0xb5: {  	[sflag:s29] =	ssyncadd.s32 $0xFFFFFFFF  }
0xb6: {  	_ =	strace $0x9000004E  }
0xb7: {  	_ =	sfence  }
0xb8: {  	s30 =	sld [smem:$0x0];
	_ =	sdelay $0x2  }
0xb9: {  	s31 =	sshll.u32 s1, $0xD;
	s1 =	sshrl.u32 s1, $0x2  }
0xba: {  	s3 =	sand.u32 $0x4000, s31;
	s1 =	sadd.s32 s1, s30  }
0xbb: {  	s0 =	sor.u32 s3, s0;
	s1 =	sshll.u32 s1, $0x11  }
0xbc: {  	s0 =	sor.u32 s1, s0  }
0xbd: {  	s0 =	sadd.s32 $0x8F2B, s0  }
0xbe: {  	[sflag:s0] =	ssyncadd.remote.s32 $0x1  }
0xbf: {  	_ =	sfence.sel $0xFFFF  }
0xc0: {  	[dreg:$0x0] =	wrdreg $0xFFFFFFFF;
	(pc) =	sbr.abs _section_cstart, $3  }
0xc1: {  	[dreg:$0x1] =	wrdreg $0xFFFFFFFF  }
0xc2: {  	_ =	task.clear_ibuf [dreg:s7], $0x2FFFF;
	_ =	strace $0x9FFFFFFF  }
0xc3: {  	(tm) =	ssettm $0x7FFFFFFF  }
tec
execute0_lowered:
.L_overlay_start_1:
0x0: {  	(tag) =	ssettag $0x1  }
0x1: {  	s1 =	rddreg [dreg:$0x0]  }
0x2: {  	s0 =	rddreg [dreg:$0x1]  }
0x3: {  	s2 =	rddreg [dreg:$0x2];
	s3 =	srdreg.scid  }
0x4: {  	s4 =	simm.s32 $0x0;
	s12 =	stileid.u32;
	s16 =	simm.s32 $0xD  }
0x5: {  	s28 =	simm.s32 $0xA180;
	s29 =	simm.s32 $0xA380;
	s30 =	simm.s32 $0x5000  }
0x6: {  	s31 =	simm.s32 $0x6;
	s3 =	sand.u32 $0x1, s3;
	[smem:$0x7FF] =	sst s4  }
0x7: {  	s6 =	smul.u32 $0x14000, s12;
	s7 =	sadd.s32 $0x2000, s0;
	s8 =	sadd.s32 $0xBE00, s0  }
0x8: {  	s17 =	sadd.s32 $0x94000, s0;
	s10 =	smul.u32 $0x50000, s12;
	s21 =	sshll.u32 s12, $0x6  }
0x9: {  	s5 =	smul.u32 $0x140000, s3;
	_ =	strace $0x8000004D;
	[dreg:$0x4] =	wrdreg s17  }
0xa: {  	s18 =	sshll.u32 s3, $0x4;
	s9 =	ssub.s32 $0x2, s3;
	s3 =	smul.u32 $0x27100, s3  }
0xb: {  	s17 =	simm.s32 $0xA000;
	s19 =	sshrl.u32 s9, $0x1;
	s20 =	sshrl.u32 s10, $0x2  }
0xc: {  	s5 =	sadd.s32 s6, s5;
	s6 =	sor.u32 s12, s18;
	s12 =	smul.u32 $0x2710, s12  }
0xd: {  	s18 =	simm.s32 $0xA200;
	s5 =	sshrl.u32 s5, $0x3;
	s6 =	smul.u32 $0x2710, s6  }
0xe: {  	s0 =	sadd.s32 s5, s0;
	s5 =	ssub.s32 s9, s19;
	s9 =	sadd.s32 s20, s2  }
0xf: {  	s3 =	sadd.s32 s12, s3;
	s19 =	simm.s32 $0xA080;
	s20 =	simm.s32 $0xA280  }
0x10: {  	s12 =	simm.s32 $0x0;
	s11 =	sshrl.u32 s6, $0x3;
	s6 =	sor.u32 $0x1C0D, s21  }
0x11: {  	s3 =	sadd.s32 $0xA0, s3;
	s0 =	sadd.s32 $0x15C00, s0;
	s25 =	smax.u32 s5, $0x1  }
0x12: {  	s15 =	sshrl.u32 s9, $0x3;
	s21 =	simm.s32 $0x50;
	[dreg:$0x9] =	wrdreg s0  }
0x13: {  	s9 =	simm.s32 $0x4;
	s22 =	sadd.s32 s7, s11;
	[dreg:$0xa] =	wrdreg s25  }
0x14: {  	s23 =	sadd.s32 s8, s11;
	s24 =	sadd.s32 $0xA, s11;
	[dreg:$0x5] =	wrdreg s22  }
0x15: {  	s26 =	sshrl.u32 s3, $0x3;
	s25 =	simm.s32 $0x5;
	[dreg:$0x6] =	wrdreg s23  }
0x16: {  	s11 =	sadd.s32 s7, s24;
	s10 =	sadd.s32 s8, s24;
	s3 =	sadd.s32 s26, s8  }
.Ltmp0:
0x17: {  	s0 =	sadd.s32 s26, s7;
	[dreg:$0x7] =	wrdreg s11;
	(pc) =	sbr.rel .LBB2_1-.Ltmp0, $4  }
0x18: {  	s22 =	simm.s32 $0xA100;
	s23 =	simm.s32 $0xA300;
	[dreg:$0x8] =	wrdreg s10  }
0x19: {  	s24 =	simm.s32 $0x2800;
	s26 =	simm.s32 $0x2;
	[dreg:$0xb] =	wrdreg s3  }
0x1a: {  	s7 =	simm.s32 $0x7800;
	s8 =	simm.s32 $0x7;
	[dreg:$0xc] =	wrdreg s0  }
0x1b: {  	s0 =	simm.s32 $0x3;
	s10 =	simm.s32 $0x8;
	s11 =	simm.s32 $0x1  }
.LBB2_11:
0x1c: {  	_ =	swait.ge [sflag:s31], $0x2800  }
0x1d: {  	[sflag:s31] =	ssyncset.done $0x0  }
0x1e: {  	[sflag:s31] =	ssyncadd.s32 $0xFFFFD800  }
0x1f: {  	[spmem:s2] =	stream.indirect.scatter.add.f32 [tilespmem:s24], [sflag:$0xA], $0x80, s20, s21, $0xb8;
	[tilespmem:$0x1E400] =	vst v63  }
.LBB2_26:
0x20: {  	s3 =	simm.s32 $0xC  }
0x21: {  	_ =	swait.ge [sflag:s3], $0x2800  }
0x22: {  	[sflag:s3] =	ssyncset.done $0x0  }
0x23: {  	s5 =	simm.s32 $0x9;
	[sflag:s3] =	ssyncadd.s32 $0xFFFFD800  }
0x24: {  	_ =	swait.ge [sflag:s5], $0x2800  }
0x25: {  	[sflag:s5] =	ssyncset.done $0x0  }
0x26: {  	[sflag:s5] =	ssyncadd.s32 $0xFFFFD800  }
0x27: {  	[bflag:$0x0] =	sbarrier.arrive $0xFFFF  }
0x28: {  	s13 =	rddreg [dreg:$0x9]  }
0x29: {  	[hbm:s13], [sflag:s6] =	dma.local [spmem:s15], $0x2800  }
0x2a: {  	_ =	swait.ge [sflag:s16], $0x2800  }
0x2b: {  	s12 =	sadd.s32 $0x1, s12;
	s14 =	rddreg [dreg:$0xa]  }
0x2c: {  	p0 =	sne.s32 s12, s14  }
.Ltmp1:
0x2d: {  	_ = 	snop;
	(pc) =	sbr.rel @!p0 .LBB2_27-.Ltmp1, $3  }
0x2e: {  	_ =	sdelay $0x1  }
0x2f: {  	[sflag:s16] =	ssyncset.done $0x0  }
0x30: {  	[sflag:s16] =	ssyncadd.s32 $0xFFFFD800  }
.LBB2_1:
0x31: {  	s3 =	rddreg [dreg:$0x4]  }
0x32: {  	[spmem:s15], [sflag:s6] =	dma.local [hbm:s3], $0x2800  }
0x33: {  	_ =	swait.ge [sflag:s16], $0x2800  }
0x34: {  	[sflag:s16] =	ssyncset.done $0x0  }
0x35: {  	[sflag:s16] =	ssyncadd.s32 $0xFFFFD800  }
0x36: {  	[bflag:$0x0] =	sbarrier.arrive $0xFFFF  }
0x37: {  	s14 =	rddreg [dreg:$0x5]  }
0x38: {  	[tilespmem:s17], [sflag:$0xD] =	stream.linear.gather [hbm4b:s14+s4], $0x50, $0x38;
	[tilespmem:$0x1E400] =	vst v63  }
0x39: {  	_ =	swait.ge [sflag:s16], $0x50  }
0x3a: {  	[sflag:s16] =	ssyncset.done $0x0  }
0x3b: {  	s5 =	rddreg [dreg:$0x6];
	[sflag:s16] =	ssyncadd.s32 $0xFFFFFFB0  }
0x3c: {  	[tilespmem:s18], [sflag:$0xD] =	stream.linear.gather [hbm4b:s5+s4], $0x50, $0x38;
	[tilespmem:$0x1E400] =	vst v63  }
0x3d: {  	_ =	swait.ge [sflag:s16], $0x50  }
0x3e: {  	[sflag:s16] =	ssyncset.done $0x0  }
0x3f: {  	s13 =	rddreg [dreg:$0x7];
	[sflag:s16] =	ssyncadd.s32 $0xFFFFFFB0  }
0x40: {  	[tilespmem:s19], [sflag:$0xD] =	stream.linear.gather [hbm4b:s13+s4], $0x50, $0x38;
	[tilespmem:$0x1E400] =	vst v63  }
0x41: {  	_ =	swait.ge [sflag:s16], $0x50  }
0x42: {  	[sflag:s16] =	ssyncset.done $0x0  }
0x43: {  	s14 =	rddreg [dreg:$0x8];
	[sflag:s16] =	ssyncadd.s32 $0xFFFFFFB0  }
0x44: {  	[tilespmem:s20], [sflag:$0xD] =	stream.linear.gather [hbm4b:s14+s4], $0x50, $0x38;
	[tilespmem:$0x1E400] =	vst v63  }
.Ltmp2:
0x45: {  	_ = 	snop;
	(pc) =	sbr.rel .LBB2_2-.Ltmp2, $4  }
0x46: {  	_ =	swait.ge [sflag:s16], $0x50  }
0x47: {  	[sflag:s16] =	ssyncset.done $0x0;
	s14 =	rddreg [dreg:$0xc]  }
0x48: {  	s3 =	simm.s32 $0x0;
	s13 =	rddreg [dreg:$0xb];
	[sflag:s16] =	ssyncadd.s32 $0xFFFFFFB0  }
0x49: {  	[tilespmem:s4], [sflag:$0x5] =	stream.indirect.gather [hbm4b:s1+s21], $0x80, s17, s21, $0xb8;
	[tilespmem:$0x1E400] =	vst v63  }
.LBB2_13:
0x4a: {  	[tilespmem:s30], [sflag:$0x7] =	stream.indirect.gather [hbm4b:s1+s21], $0x80, s22, s21, $0xb8;
	[tilespmem:$0x1E400] =	vst v63  }
0x4b: {  	_ =	swait.ge [sflag:s31], $0x2800  }
0x4c: {  	[sflag:s31] =	ssyncset.done $0x0  }
0x4d: {  	[sflag:s31] =	ssyncadd.s32 $0xFFFFD800  }
0x4e: {  	[spmem:s2] =	stream.indirect.scatter.add.f32 [tilespmem:s24], [sflag:$0xA], $0x80, s20, s21, $0xb8;
	[tilespmem:$0x1E400] =	vst v63  }
.LBB2_25:
0x4f: {  	s3 =	sadd.s32 $0x1, s3  }
0x50: {  	p0 =	sne.s32 s3, $0x7D  }
.Ltmp3:
0x51: {  	_ = 	snop;
	(pc) =	sbr.rel @!p0 .LBB2_26-.Ltmp3, $2  }
0x52: {  	_ =	sdelay $0x2  }
0x53: {  	s13 =	sadd.s32 $0xA, s13;
	s14 =	sadd.s32 $0xA, s14  }
.LBB2_2:
0x54: {  	s5 =	sand.u32 $0x3, s3  }
0x55: {  	p0 =	sgt.s32 s5, $0x1  }
.Ltmp4:
0x56: {  	_ = 	snop;
	(pc) =	sbr.rel @p0 .LBB2_19-.Ltmp4, $1  }
0x57: {  	_ =	sdelay $0x3  }
0x58: {  	p0 =	seq.s32 s5, $0x0  }
.Ltmp5:
0x59: {  	_ = 	snop;
	(pc) =	sbr.rel @!p0 .LBB2_9-.Ltmp5, $1  }
0x5a: {  	_ =	sdelay $0x3  }
0x5b: {  	p0 =	slt.u32 s3, $0x2  }
0x5c: {  	s5 =	simm.s32 @!p0 $0xB  }
0x5d: {  	_ =	swait.ge @!p0 [sflag:s5], $0x2800  }
0x5e: {  	p1 =	sgt.u32 @!p0 s3, $0x7A;
	[sflag:s5] =	ssyncset.done @!p0 $0x0  }
0x5f: {  	p1 =	por p0, !p1;
	[sflag:s5] =	ssyncadd.s32 @!p0 $0xFFFFD800;
	p0 =	seq.s32 s3, $0x0  }
.Ltmp6:
0x60: {  	_ = 	snop;
	(pc) =	sbr.rel @p0 .LBB2_7-.Ltmp6, $4  }
0x61: {  	_ = 	snop  }
0x62: {  	[tilespmem:s22], [sflag:$0x3] =	stream.linear.gather @p1 [hbm4b:s14+s4], $0x50, $0x38;
	[tilespmem:$0x1E400] =	vst v63  }
0x63: {  	_ = 	snop  }
0x64: {  	[tilespmem:s23], [sflag:$0x3] =	stream.linear.gather @p1 [hbm4b:s13+s4], $0x50, $0x38;
	[tilespmem:$0x1E400] =	vst v63  }
0x65: {  	p0 =	seq.s32 s3, $0x7C  }
.Ltmp7:
0x66: {  	_ = 	snop;
	(pc) =	sbr.rel @p0 .LBB2_8-.Ltmp7, $1  }
0x67: {  	_ =	sdelay $0x3  }
0x68: {  	_ =	swait.ge [sflag:s26], $0x50  }
0x69: {  	[sflag:s26] =	ssyncset.done $0x0  }
0x6a: {  	[sflag:s26] =	ssyncadd.s32 $0xFFFFFFB0  }
0x6b: {  	_ =	swait.ge [sflag:s26], $0x50  }
0x6c: {  	[sflag:s26] =	ssyncset.done $0x0  }
0x6d: {  	[sflag:s26] =	ssyncadd.s32 $0xFFFFFFB0  }
.LBB2_7:
0x6e: {  	[tilespmem:s24], [sflag:$0x6] =	stream.indirect.gather [hbm4b:s1+s21], $0x80, s19, s21, $0xb8;
	[tilespmem:$0x1E400] =	vst v63  }
.LBB2_8:
.Ltmp8:
0x6f: {  	(pc) =	sbr.rel .LBB2_25-.Ltmp8, $4  }
0x70: {  	_ =	swait.ge [sflag:s25], $0x2800  }
0x71: {  	[sflag:s25] =	ssyncset.done $0x0  }
0x72: {  	[sflag:s25] =	ssyncadd.s32 $0xFFFFD800  }
0x73: {  	[spmem:s2] =	stream.indirect.scatter.add.f32 [tilespmem:s4], [sflag:$0x9], $0x80, s18, s21, $0xb8;
	[tilespmem:$0x1E400] =	vst v63  }
.LBB2_19:
0x74: {  	p2 =	seq.s32 s5, $0x2  }
.Ltmp9:
0x75: {  	_ = 	snop;
	(pc) =	sbr.rel @!p2 .LBB2_20-.Ltmp9, $3  }
0x76: {  	_ =	sdelay $0x1  }
0x77: {  	p0 =	slt.u32 s3, $0x2  }
0x78: {  	p1 =	sgt.u32 @!p0 s3, $0x7A  }
0x79: {  	s5 =	simm.s32 @!p0 $0x9  }
0x7a: {  	_ =	swait.ge @!p0 [sflag:s5], $0x2800  }
0x7b: {  	[sflag:s5] =	ssyncset.done @!p0 $0x0  }
0x7c: {  	p1 =	por p0, !p1;
	[sflag:s5] =	ssyncadd.s32 @!p0 $0xFFFFD800;
	p0 =	seq.s32 s3, $0x0  }
.Ltmp10:
0x7d: {  	_ = 	snop;
	(pc) =	sbr.rel @p0 .LBB2_17-.Ltmp10, $4  }
0x7e: {  	_ = 	snop  }
0x7f: {  	[tilespmem:s17], [sflag:$0x1] =	stream.linear.gather @p1 [hbm4b:s14+s4], $0x50, $0x38;
	[tilespmem:$0x1E400] =	vst v63  }
0x80: {  	_ = 	snop  }
0x81: {  	[tilespmem:s18], [sflag:$0x1] =	stream.linear.gather @p1 [hbm4b:s13+s4], $0x50, $0x38;
	[tilespmem:$0x1E400] =	vst v63  }
0x82: {  	p0 =	seq.s32 s3, $0x7C  }
.Ltmp11:
0x83: {  	_ = 	snop;
	(pc) =	sbr.rel @p0 .LBB2_18-.Ltmp11, $1  }
0x84: {  	_ =	sdelay $0x3  }
0x85: {  	_ =	swait.ge [sflag:s9], $0x50  }
0x86: {  	[sflag:s9] =	ssyncset.done $0x0  }
0x87: {  	[sflag:s9] =	ssyncadd.s32 $0xFFFFFFB0  }
0x88: {  	_ =	swait.ge [sflag:s9], $0x50  }
0x89: {  	[sflag:s9] =	ssyncset.done $0x0  }
0x8a: {  	[sflag:s9] =	ssyncadd.s32 $0xFFFFFFB0  }
.LBB2_17:
0x8b: {  	[tilespmem:s7], [sflag:$0x8] =	stream.indirect.gather [hbm4b:s1+s21], $0x80, s28, s21, $0xb8;
	[tilespmem:$0x1E400] =	vst v63  }
.LBB2_18:
.Ltmp12:
0x8c: {  	(pc) =	sbr.rel .LBB2_25-.Ltmp12, $4  }
0x8d: {  	_ =	swait.ge [sflag:s8], $0x2800  }
0x8e: {  	[sflag:s8] =	ssyncset.done $0x0  }
0x8f: {  	[sflag:s8] =	ssyncadd.s32 $0xFFFFD800  }
0x90: {  	[spmem:s2] =	stream.indirect.scatter.add.f32 [tilespmem:s30], [sflag:$0xB], $0x80, s23, s21, $0xb8;
	[tilespmem:$0x1E400] =	vst v63  }
.LBB2_9:
0x91: {  	p0 =	slt.u32 s3, $0x2  }
0x92: {  	s5 =	simm.s32 @!p0 $0xC  }
0x93: {  	_ =	swait.ge @!p0 [sflag:s5], $0x2800  }
0x94: {  	p1 =	sgt.u32 @!p0 s3, $0x7A;
	[sflag:s5] =	ssyncset.done @!p0 $0x0  }
0x95: {  	p1 =	por p0, !p1;
	[sflag:s5] =	ssyncadd.s32 @!p0 $0xFFFFD800;
	p0 =	seq.s32 s3, $0x0  }
.Ltmp13:
0x96: {  	_ = 	snop;
	(pc) =	sbr.rel @p0 .LBB2_13-.Ltmp13, $4  }
0x97: {  	_ = 	snop  }
0x98: {  	[tilespmem:s28], [sflag:$0x4] =	stream.linear.gather @p1 [hbm4b:s14+s4], $0x50, $0x38;
	[tilespmem:$0x1E400] =	vst v63  }
0x99: {  	_ = 	snop  }
0x9a: {  	[tilespmem:s29], [sflag:$0x4] =	stream.linear.gather @p1 [hbm4b:s13+s4], $0x50, $0x38;
	[tilespmem:$0x1E400] =	vst v63  }
0x9b: {  	p0 =	sne.s32 s3, $0x7C  }
.Ltmp14:
0x9c: {  	_ = 	snop;
	(pc) =	sbr.rel @!p0 .LBB2_11-.Ltmp14, $1  }
0x9d: {  	_ =	sdelay $0x3  }
0x9e: {  	_ =	swait.ge [sflag:s0], $0x50  }
.Ltmp15:
0x9f: {  	[sflag:s0] =	ssyncset.done $0x0;
	(pc) =	sbr.rel .LBB2_13-.Ltmp15, $4  }
0xa0: {  	[sflag:s0] =	ssyncadd.s32 $0xFFFFFFB0  }
0xa1: {  	_ =	swait.ge [sflag:s0], $0x50  }
0xa2: {  	[sflag:s0] =	ssyncset.done $0x0  }
0xa3: {  	[sflag:s0] =	ssyncadd.s32 $0xFFFFFFB0  }
.LBB2_20:
0xa4: {  	s5 =	simm.s32 @!p0 $0xA  }
0xa5: {  	_ =	swait.ge @!p0 [sflag:s5], $0x2800  }
0xa6: {  	[sflag:s5] =	ssyncset.done @!p0 $0x0  }
0xa7: {  	p1 =	por p0, !p1;
	[sflag:s5] =	ssyncadd.s32 @!p0 $0xFFFFD800;
	p0 =	seq.s32 s3, $0x0  }
.Ltmp16:
0xa8: {  	_ = 	snop;
	(pc) =	sbr.rel @p0 .LBB2_23-.Ltmp16, $4  }
0xa9: {  	_ = 	snop  }
0xaa: {  	[tilespmem:s19], [sflag:$0x2] =	stream.linear.gather @p1 [hbm4b:s14+s4], $0x50, $0x38;
	[tilespmem:$0x1E400] =	vst v63  }
0xab: {  	_ = 	snop  }
0xac: {  	[tilespmem:s20], [sflag:$0x2] =	stream.linear.gather @p1 [hbm4b:s13+s4], $0x50, $0x38;
	[tilespmem:$0x1E400] =	vst v63  }
0xad: {  	p0 =	seq.s32 s3, $0x7C  }
.Ltmp17:
0xae: {  	_ = 	snop;
	(pc) =	sbr.rel @p0 .LBB2_24-.Ltmp17, $1  }
0xaf: {  	_ =	sdelay $0x3  }
0xb0: {  	_ =	swait.ge [sflag:s11], $0x50  }
0xb1: {  	[sflag:s11] =	ssyncset.done $0x0  }
0xb2: {  	[sflag:s11] =	ssyncadd.s32 $0xFFFFFFB0  }
0xb3: {  	_ =	swait.ge [sflag:s11], $0x50  }
0xb4: {  	[sflag:s11] =	ssyncset.done $0x0  }
0xb5: {  	[sflag:s11] =	ssyncadd.s32 $0xFFFFFFB0  }
.LBB2_23:
0xb6: {  	[tilespmem:s4], [sflag:$0x5] =	stream.indirect.gather [hbm4b:s1+s21], $0x80, s17, s21, $0xb8;
	[tilespmem:$0x1E400] =	vst v63  }
.LBB2_24:
.Ltmp18:
0xb7: {  	(pc) =	sbr.rel .LBB2_25-.Ltmp18, $4  }
0xb8: {  	_ =	swait.ge [sflag:s10], $0x2800  }
0xb9: {  	[sflag:s10] =	ssyncset.done $0x0  }
0xba: {  	[sflag:s10] =	ssyncadd.s32 $0xFFFFD800  }
0xbb: {  	[spmem:s2] =	stream.indirect.scatter.add.f32 [tilespmem:s7], [sflag:$0xC], $0x80, s29, s21, $0xb8;
	[tilespmem:$0x1E400] =	vst v63  }
.LBB2_27:
0xbc: {  	_ =	sfence.sel $0x180000  }
0xbd: {  	[bflag:$0x0] =	sbarrier.arrive $0xFFFF  }
0xbe: {  	_ =	strace $0x9000004D  }
0xbf: {  	s0 =	stileid.u32;
	[bflag:$0x2] =	sbarrier.arrive $0xFFFF  }
0xc0: {  	p0 =	sne.s32 s0, $0x0;
	s0 =	rddreg [dreg:$0x3]  }
0xc1: {  	s0 =	sadd.s32 @!p0 $0x100000, s0  }
0xc2: {  	[sflag:s0] =	ssyncadd.tile.s32 @!p0 $0x1;
	_ =	shalt  }
.Lfunc_end2:
_tile_overlayer_lowered:
.L_overlay_start_2:
0xc3: {  	(tag) =	ssettag $0x2  }
0xc4: {  	s0 =	rddreg [dreg:$0x0];
	s2 =	stileid.u32  }
0xc5: {  	s1 =	rddreg [dreg:$0x1];
	p0 =	sne.s32 s2, $0x0  }
0xc6: {  	s3 =	rddreg [dreg:$0x2];
	[bflag:$0x3] =	sbarrier.arrive $0xFFFF;
	s2 =	simm.s32 @!p0 $0x1C0D  }
0xc7: {  	[timem:s3], [sflag:s2] =	dma.local @!p0 [hbm:s0], s1  }
0xc8: {  	s0 =	simm.s32 @!p0 $0xD  }
0xc9: {  	_ =	swait.ge @!p0 [sflag:s0], s1  }
0xca: {  	s1 =	ssub.s32 @!p0 $0x0, s1;
	[sflag:s0] =	ssyncset.done @!p0 $0x0  }
0xcb: {  	[sflag:s0] =	ssyncadd.s32 @!p0 s1  }
0xcc: {  	[bflag:$0x3] =	sbarrier.arrive $0xFFFF  }
0xcd: {  	_ =	shalt  }

// kernel: kernel.8.cloned.1.call-start
scs
__scs_entry_jumppad:
0x0: {  	(pc) =	sbr.rel $0x88, $3  }
0x1: {  	(tag) =	ssettag $0x0;
	lr =	simm.s32 $0x1  }
0x2: {  	[smem:$0x3F9A] =	sst lr;
	_ =	strace $0xD0000000  }
0x3: {  	_ = 	snop  }
0x4: {  	_ = 	snop  }
0x5: {  	_ = 	snop  }
0x6: {  	_ = 	snop  }
0x7: {  	_ = 	snop  }
__scs_overlays_trampoline_lowered:
0x8: {  	[smem:$0x3FA9] =	sst s0  }
0x9: {  	[smem:$0x3FAA] =	sst s1  }
0xa: {  	[smem:$0x3FAB] =	sst s2  }
0xb: {  	[smem:$0x3FAC] =	sst s3  }
0xc: {  	[smem:$0x3FAD] =	sst s4  }
0xd: {  	[smem:$0x3FAE] =	sst s5  }
0xe: {  	[smem:$0x3FAF] =	sst s6  }
0xf: {  	[smem:$0x3FB0] =	sst s7  }
0x10: {  	[smem:$0x3FB1] =	sst s8  }
0x11: {  	[smem:$0x3FB2] =	sst s9;
	s0 =	simm.s32 @!p0 $0x0  }
0x12: {  	s1 =	sld [smem:$0x3F98];
	s0 =	simm.s32 @p0 $0x1  }
0x13: {  	[smem:$0x3FB3] =	sst s0;
	s0 =	simm.s32 @!p1 $0x0  }
0x14: {  	s2 =	sld [smem:$0x3F97];
	s0 =	simm.s32 @p1 $0x1  }
0x15: {  	[smem:$0x3FB4] =	sst s0;
	s0 =	simm.s32 @!p2 $0x0  }
0x16: {  	s3 =	sld [smem:$0x3FDB];
	s0 =	simm.s32 @p2 $0x1  }
0x17: {  	s4 =	simm.s32 $0x1BF5;
	[smem:$0x3FB6] =	sst s0  }
0x18: {  	s0 =	sld [smem:$0x3F99];
	_ =	swait.ge [sflag:s4], $0x0  }
0x19: {  	s7 =	sld [smem:$0x3F9A]  }
0x1a: {  	s8 =	sadd.s32 $0xFFFFE003, lr  }
0x1b: {  	s9 =	sadd.s32 $0xFFFFFEF7, lr;
	s5 =	simm.s32 $0xFFFFFFFF;
	p2 =	slt.u32 s8, $0xFFFFF086  }
0x1c: {  	p1 =	slt.u32 s9, $0xF7A;
	s5 =	simm.s32 @!p2 $0x0  }
0x1d: {  	s5 =	simm.s32 @p1 $0x1;
	p0 =	seq.s32 s7, s2  }
0x1e: {  	s7 =	smul.u32 @!p0 $0xF7A, s2;
	p2 =	seq.s32 @!p0 s5, $0x0  }
0x1f: {  	s9 =	smul.u32 $0xF7A, s1;
	s8 =	simm.s32 @!p0 $0x1BF5;
	p2 =	por !p2, p0  }
0x20: {  	[sflag:s8] =	ssyncset.s32 @!p0 $0xFFFFF086;
	s6 =	sadd.s32 @!p0 s3, s7;
	s7 =	simm.s32 @!p0 $0x108  }
0x21: {  	s3 =	sadd.s32 s3, s9;
	s6 =	sadd.s32 @!p0 $0x88, s6;
	s7 =	simm.s32 @p2 $0x1082  }
0x22: {  	[simem:s7], [sflag:s8] =	dma.local @!p0 [hbm:s6], $0xF7A  }
0x23: {  	s9 =	sor.u32 $0xD0000000, s2;
	s6 =	simm.s32 $0x108;
	_ =	swait.ge @!p0 [sflag:s8], $0x0  }
0x24: {  	s3 =	sadd.s32 $0x88, s3;
	s6 =	simm.s32 @!p1 $0x1082;
	[sflag:s4] =	ssyncset.s32 $0xFFFFF086  }
0x25: {  	[simem:s6], [sflag:s4] =	dma.local [hbm:s3], $0xF7A  }
0x26: {  	[smem:$0x3F9A] =	sst s1;
	(tag) =	ssettag s2;
	_ =	strace s9  }
0x27: {  	s1 =	sld [smem:$0x3FAA]  }
0x28: {  	s2 =	sld [smem:$0x3FAB]  }
0x29: {  	s4 =	sld [smem:$0x3FAD]  }
0x2a: {  	p0 =	seq.s32 s5, $0x0;
	s5 =	sld [smem:$0x3FAE]  }
0x2b: {  	s6 =	sld [smem:$0x3FAF]  }
0x2c: {  	s7 =	sld [smem:$0x3FB0]  }
0x2d: {  	s3 =	simm.s32 $0x108;
	s8 =	sld [smem:$0x3FB1]  }
0x2e: {  	s3 =	simm.s32 @!p0 $0x1082;
	s9 =	sld [smem:$0x3FB2]  }
0x2f: {  	lr =	sadd.s32 s0, s3;
	s0 =	sld [smem:$0x3FA9]  }
0x30: {  	s3 =	sld [smem:$0x3FAC]  }
0x31: {  	[smem:$0x3FB5] =	sst s10  }
0x32: {  	s10 =	sld [smem:$0x3FB3];
	_ =	sdelay $0x3  }
0x33: {  	p0 =	seq.s32 s10, $0x1;
	s10 =	sld [smem:$0x3FB5];
	_ =	sdelay $0x3  }
0x34: {  	[smem:$0x3FB5] =	sst s10  }
0x35: {  	s10 =	sld [smem:$0x3FB4];
	_ =	sdelay $0x3  }
0x36: {  	p1 =	seq.s32 s10, $0x1;
	s10 =	sld [smem:$0x3FB5];
	_ =	sdelay $0x3  }
0x37: {  	[smem:$0x3FB5] =	sst s10  }
0x38: {  	s10 =	sld [smem:$0x3FB6]  }
0x39: {  	_ = 	snop;
	(pc) =	sbr.ind lr, $3  }
0x3a: {  	_ = 	snop  }
0x3b: {  	_ = 	snop  }
0x3c: {  	p2 =	seq.s32 s10, $0x1;
	s10 =	sld [smem:$0x3FB5]  }
0x3d: {  	_ =	shalt  }
0x3e: {  	_ =	shalt  }
0x3f: {  	_ =	shalt  }
0x40: {  	_ =	shalt  }
0x41: {  	_ =	shalt  }
0x42: {  	_ =	shalt  }
0x43: {  	_ =	shalt  }
0x44: {  	_ =	shalt  }
0x45: {  	_ =	shalt  }
0x46: {  	_ =	shalt  }
0x47: {  	_ =	shalt  }
0x48: {  	_ =	shalt  }
0x49: {  	_ =	shalt  }
0x4a: {  	_ =	shalt  }
0x4b: {  	_ =	shalt  }
0x4c: {  	_ =	shalt  }
0x4d: {  	_ =	shalt  }
0x4e: {  	_ =	shalt  }
0x4f: {  	_ =	shalt  }
0x50: {  	_ =	shalt  }
0x51: {  	_ =	shalt  }
0x52: {  	_ =	shalt  }
0x53: {  	_ =	shalt  }
0x54: {  	_ =	shalt  }
0x55: {  	_ =	shalt  }
0x56: {  	_ =	shalt  }
0x57: {  	_ =	shalt  }
0x58: {  	_ =	shalt  }
0x59: {  	_ =	shalt  }
0x5a: {  	_ =	shalt  }
0x5b: {  	_ =	shalt  }
0x5c: {  	_ =	shalt  }
0x5d: {  	_ =	shalt  }
0x5e: {  	_ =	shalt  }
0x5f: {  	_ =	shalt  }
0x60: {  	_ =	shalt  }
0x61: {  	_ =	shalt  }
0x62: {  	_ =	shalt  }
0x63: {  	_ =	shalt  }
0x64: {  	_ =	shalt  }
0x65: {  	_ =	shalt  }
0x66: {  	_ =	shalt  }
0x67: {  	_ =	shalt  }
0x68: {  	_ =	shalt  }
0x69: {  	_ =	shalt  }
0x6a: {  	_ =	shalt  }
0x6b: {  	_ =	shalt  }
0x6c: {  	_ =	shalt  }
0x6d: {  	_ =	shalt  }
0x6e: {  	_ =	shalt  }
0x6f: {  	_ =	shalt  }
0x70: {  	_ =	shalt  }
0x71: {  	_ =	shalt  }
0x72: {  	_ =	shalt  }
0x73: {  	_ =	shalt  }
0x74: {  	_ =	shalt  }
0x75: {  	_ =	shalt  }
0x76: {  	_ =	shalt  }
0x77: {  	_ =	shalt  }
0x78: {  	_ =	shalt  }
0x79: {  	_ =	shalt  }
0x7a: {  	_ =	shalt  }
0x7b: {  	_ =	shalt  }
0x7c: {  	_ =	shalt  }
0x7d: {  	_ =	shalt  }
0x7e: {  	_ =	shalt  }
0x7f: {  	_ =	shalt  }
0x80: {  	_ =	shalt  }
0x81: {  	_ =	shalt  }
0x82: {  	_ =	shalt  }
0x83: {  	_ =	shalt  }
0x84: {  	_ =	shalt  }
0x85: {  	_ =	shalt  }
0x86: {  	_ =	shalt  }
0x87: {  	_ =	shalt  }
.Lfunc_end0:
.L_simem_size_0:
called_computation_lowered:
.L_overlay_start_0:
0x88: {  	s2 =	sld [smem:$0x3FD9]  }
0x89: {  	s3 =	sld [smem:$0x3FFE];
	_ =	sdelay $0x1  }
0x8a: {  	s1 =	srdreg.scid  }
0x8b: {  	s0 =	sand.u32 $0x1, s1  }
0x8c: {  	s17 =	sshll.u32 s0, $0xA;
	s2 =	sadd.s32 s3, s2  }
0x8d: {  	s2 =	sadd.s32 s2, s17  }
0x8e: {  	[smem:$0x3FC1] =	sst s2  }
0x8f: {  	_ = 	snop  }
0x90: {  	s2 =	sld [smem:$0x3FD0];
	(tm) =	ssettm $0x1  }
0x91: {  	s18 =	sld [smem:$0x3FFB];
	_ =	sdelay $0x3  }
0x92: {  	_ =	strace s18  }
0x93: {  	s3 =	sld [smem:$0x3FFC];
	_ =	sdelay $0x3  }
0x94: {  	_ =	strace s3  }
0x95: {  	s3 =	sld [smem:$0x3FFD];
	_ =	sdelay $0x3  }
0x96: {  	_ =	strace s3  }
0x97: {  	_ =	strace $0x8FFFFFFF  }
0x98: {  	s19 =	sld [smem:$0x3FDB];
	_ =	sdelay $0x1  }
0x99: {  	s4 =	simm.s32 $_scs_section_size  }
0x9a: {  	s5 =	simm.s32 $_size__tile_overlayer_lowered;
	s6 =	simm.s32 $_tile_overlayer_lowered  }
0x9b: {  	s22 =	simm.s32 $0x1BFF;
	s21 =	sshll.u32 s6, $0x1;
	s3 =	sadd.s32 s4, s19  }
0x9c: {  	s7 =	simm.s32 $0x0;
	s20 =	sshll.u32 s5, $0x1;
	s5 =	sadd.s32 s21, s3  }
0x9d: {  	[timem:s7], [sflag:s22] =	dma.local [hbm:s5], s20  }
0x9e: {  	_ =	swait.ge [sflag:s22], s20  }
0x9f: {  	s4 =	ssub.s32 $0x0, s20;
	[sflag:s22] =	ssyncset.done $0x0  }
0xa0: {  	[sflag:s22] =	ssyncadd.s32 s4;
	_ =	sdelay $0x1  }
0xa1: {  	s23 =	simm.s32 $0x1B8B  }
0xa2: {  	_ =	swait.ge [sflag:s23], $0x1  }
0xa3: {  	[sflag:s23] =	ssyncset.done $0x0  }
0xa4: {  	s25 =	simm.s32 $0x1B8E;
	s24 =	sld [smem:$0x3FFE];
	[sflag:s23] =	ssyncadd.s32 $0xFFFFFFFF  }
0xa5: {  	s26 =	simm.s32 $execute0_lowered;
	[smem:$0x3FD2] =	sst s25  }
0xa6: {  	s5 =	sshll.u32 s26, $0x1;
	_ =	strace $0x80000046;
	[dreg:$0x1] =	wrdreg $0xFFFFFFFF  }
0xa7: {  	s28 =	simm.s32 $_size_execute0_lowered;
	s3 =	sadd.s32 s3, s5;
	[dreg:$0x0] =	wrdreg $0x0  }
0xa8: {  	s5 =	sshll.u32 s28, $0x1;
	[dreg:$0x2] =	wrdreg s3  }
0xa9: {  	[dreg:$0x3] =	wrdreg s5  }
0xaa: {  	[dreg:$0x4] =	wrdreg $0xC0  }
0xab: {  	_ =	task [dreg:s7], $0x5FFFF  }
0xac: {  	[dreg:$0x1] =	wrdreg $0xFFFFFFFF  }
0xad: {  	[dreg:$0x0] =	wrdreg $0x60  }
0xae: {  	[dreg:$0x2] =	wrdreg s2  }
0xaf: {  	[dreg:$0x3] =	wrdreg s24  }
0xb0: {  	[dreg:$0x4] =	wrdreg $0x4000  }
0xb1: {  	[dreg:$0x5] =	wrdreg $0x9  }
0xb2: {  	_ =	task.clear_ibuf [dreg:s7], $0x6FFFF;
	_ =	strace $0x90000046  }
0xb3: {  	s29 =	simm.s32 $0x9;
	_ =	strace $0x80000048  }
0xb4: {  	_ =	swait.ge [sflag:s29], $0x1  }
0xb5: {  	[sflag:s29] =	ssyncadd.s32 $0xFFFFFFFF  }
0xb6: {  	_ =	strace $0x90000048  }
0xb7: {  	_ =	sfence  }
0xb8: {  	s30 =	sld [smem:$0x0];
	_ =	sdelay $0x2  }
0xb9: {  	s31 =	sshll.u32 s1, $0xD;
	s1 =	sshrl.u32 s1, $0x2  }
0xba: {  	s3 =	sand.u32 $0x4000, s31;
	s1 =	sadd.s32 s1, s30  }
0xbb: {  	s0 =	sor.u32 s3, s0;
	s1 =	sshll.u32 s1, $0x11  }
0xbc: {  	s0 =	sor.u32 s1, s0  }
0xbd: {  	s0 =	sadd.s32 $0x8F2B, s0  }
0xbe: {  	[sflag:s0] =	ssyncadd.remote.s32 $0x1  }
0xbf: {  	_ =	sfence.sel $0xFFFF  }
0xc0: {  	[dreg:$0x0] =	wrdreg $0xFFFFFFFF;
	(pc) =	sbr.abs _section_cstart, $3  }
0xc1: {  	[dreg:$0x1] =	wrdreg $0xFFFFFFFF  }
0xc2: {  	_ =	task.clear_ibuf [dreg:s7], $0x2FFFF;
	_ =	strace $0x9FFFFFFF  }
0xc3: {  	(tm) =	ssettm $0x7FFFFFFF  }
tec
execute0_lowered:
.L_overlay_start_1:
0x0: {  	(tag) =	ssettag $0x1  }
0x1: {  	s0 =	rddreg [dreg:$0x0]  }
0x2: {  	s3 =	rddreg [dreg:$0x1]  }
0x3: {  	s1 =	rddreg [dreg:$0x2];
	s2 =	simm.s32 $0x0;
	s4 =	srdreg.scid  }
0x4: {  	s8 =	stileid.u32;
	s13 =	simm.s32 $0xF;
	s14 =	simm.s32 $0x380  }
0x5: {  	s15 =	simm.s32 $0x80;
	s16 =	simm.s32 $0x1;
	s17 =	simm.s32 $0x2  }
0x6: {  	s18 =	simm.s32 $0x200;
	s19 =	simm.s32 $0x3;
	s28 =	simm.s32 $0x4  }
0x7: {  	s29 =	simm.s32 $0x180;
	s30 =	simm.s32 $0x300;
	s31 =	simm.s32 $0x5  }
0x8: {  	[smem:$0x7FF] =	sst s2;
	s5 =	sadd.s32 $0x15C00, s3;
	s4 =	sand.u32 $0x1, s4  }
0x9: {  	s9 =	smul.u32 $0x1E880, s8;
	s10 =	sadd.s32 $0x19A00, s3;
	s22 =	sshll.u32 s8, $0x6  }
0xa: {  	s12 =	smul.u32 $0x2780, s8;
	_ =	strace $0x80000047;
	[dreg:$0x4] =	wrdreg s5  }
0xb: {  	s20 =	ssub.s32 $0x2, s4;
	s6 =	sshll.u32 s4, $0x4;
	[dreg:$0x5] =	wrdreg s10  }
0xc: {  	s23 =	smul.u32 $0x27800, s4;
	p0 =	seq.s32 s4, $0x1;
	s4 =	simm.s32 $0x56E00  }
0xd: {  	s7 =	sshrl.u32 s20, $0x1;
	s6 =	sor.u32 s8, s6;
	s11 =	sadd.s32 s9, s1  }
0xe: {  	s4 =	simm.s32 @!p0 $0x19C00;
	s24 =	sshrl.u32 s9, $0x3;
	s5 =	ssub.s32 s20, s7  }
0xf: {  	s21 =	smul.u32 $0x2780, s6;
	s6 =	sor.u32 $0x1C0F, s22;
	s10 =	sadd.s32 s12, s23  }
0x10: {  	s3 =	sadd.s32 s4, s3;
	s12 =	sshrl.u32 s11, $0x3;
	s20 =	simm.s32 $0x100  }
0x11: {  	s22 =	simm.s32 $0xD;
	s23 =	simm.s32 $0xE;
	s25 =	sadd.s32 $0x100, s10  }
.Ltmp0:
0x12: {  	s9 =	smax.u32 s5, $0x1;
	s10 =	sadd.s32 s3, s24;
	(pc) =	sbr.rel .LBB2_1-.Ltmp0, $4  }
0x13: {  	s24 =	simm.s32 $0x8;
	s7 =	sshrl.u32 s21, $0x3;
	s26 =	sshrl.u32 s25, $0x3  }
0x14: {  	s21 =	simm.s32 $0xC;
	s25 =	simm.s32 $0x9;
	s7 =	sadd.s32 s0, s7  }
0x15: {  	s3 =	sadd.s32 s26, s0;
	[dreg:$0x6] =	wrdreg s7;
	s7 =	sadd.s32 $0x10, s7  }
0x16: {  	s26 =	simm.s32 $0x280;
	s0 =	simm.s32 $0x0;
	[dreg:$0x7] =	wrdreg s7  }
.LBB2_14:
0x17: {  	_ =	swait.ge [sflag:s21], $0x80  }
0x18: {  	[sflag:s21] =	ssyncset.done $0x0  }
0x19: {  	[sflag:s21] =	ssyncadd.s32 $0xFFFFFF80  }
0x1a: {  	_ =	swait.ge [sflag:s22], $0x80  }
0x1b: {  	[sflag:s22] =	ssyncset.done $0x0  }
0x1c: {  	[sflag:s22] =	ssyncadd.s32 $0xFFFFFF80  }
0x1d: {  	_ =	swait.ge [sflag:s23], $0x80  }
0x1e: {  	[sflag:s23] =	ssyncset.done $0x0  }
0x1f: {  	[sflag:s23] =	ssyncadd.s32 $0xFFFFFF80  }
0x20: {  	_ =	swait.ge [sflag:s24], $0x80  }
0x21: {  	[sflag:s24] =	ssyncset.done $0x0  }
0x22: {  	[sflag:s24] =	ssyncadd.s32 $0xFFFFFF80  }
0x23: {  	_ =	swait.ge [sflag:s25], $0x80  }
0x24: {  	s0 =	sadd.s32 $0x1, s0;
	[sflag:s25] =	ssyncset.done $0x0  }
0x25: {  	p0 =	sne.s32 s0, s9;
	[sflag:s25] =	ssyncadd.s32 $0xFFFFFF80  }
.Ltmp1:
0x26: {  	[bflag:$0x0] =	sbarrier.arrive $0xFFFF;
	(pc) =	sbr.rel @!p0 .LBB2_15-.Ltmp1, $4  }
0x27: {  	[hbm:s10], [sflag:s6] =	dma.local [spmem:s12], $0x3D10  }
0x28: {  	_ =	swait.ge [sflag:s13], $0x3D10  }
0x29: {  	[sflag:s13] =	ssyncset.done $0x0  }
0x2a: {  	[sflag:s13] =	ssyncadd.s32 $0xFFFFC2F0  }
.LBB2_1:
0x2b: {  	s4 =	rddreg [dreg:$0x4]  }
0x2c: {  	[spmem:s12], [sflag:s6] =	dma.local [hbm:s4], $0x3D10  }
0x2d: {  	_ =	swait.ge [sflag:s13], $0x3D10  }
0x2e: {  	[sflag:s13] =	ssyncset.done $0x0  }
0x2f: {  	s7 =	rddreg [dreg:$0x5];
	[sflag:s13] =	ssyncadd.s32 $0xFFFFC2F0  }
0x30: {  	[tilespmem:s14], [sflag:$0xF] =	stream.linear.gather [hbm4b:s7+s2], $0x80, $0x38;
	[tilespmem:$0x1EC80] =	vst v63  }
0x31: {  	_ =	swait.ge [sflag:s13], $0x80  }
0x32: {  	[sflag:s13] =	ssyncset.done $0x0  }
0x33: {  	[sflag:s13] =	ssyncadd.s32 $0xFFFFFF80  }
0x34: {  	[bflag:$0x0] =	sbarrier.arrive $0xFFFF  }
0x35: {  	s8 =	rddreg [dreg:$0x6]  }
0x36: {  	[tilespmem:s2], [sflag:$0xF] =	stream.linear.gather [hbm4b:s8+s2], $0x80, $0x38;
	[tilespmem:$0x1EC80] =	vst v63  }
0x37: {  	_ =	swait.ge [sflag:s13], $0x80  }
0x38: {  	[sflag:s13] =	ssyncset.done $0x0  }
.Ltmp2:
0x39: {  	s11 =	rddreg [dreg:$0x7];
	[sflag:s13] =	ssyncadd.s32 $0xFFFFFF80;
	(pc) =	sbr.rel .LBB2_2-.Ltmp2, $4  }
0x3a: {  	[tilespmem:s15], [sflag:$0xF] =	stream.linear.gather [hbm4b:s11+s2], $0x80, $0x38;
	[tilespmem:$0x1EC80] =	vst v63  }
0x3b: {  	_ =	swait.ge [sflag:s13], $0x80  }
0x3c: {  	[sflag:s13] =	ssyncset.done $0x0  }
0x3d: {  	s4 =	simm.s32 $0x0;
	s11 =	smov.u32 s3;
	[sflag:s13] =	ssyncadd.s32 $0xFFFFFF80  }
.LBB2_9:
0x3e: {  	p0 =	seq.s32 s5, $0x5  }
0x3f: {  	s5 =	simm.s32 @p0 $0x8  }
0x40: {  	p1 =	sgt.u32 @p0 s4, $0x4C;
	_ =	swait.ge @p0 [sflag:s5], $0x80  }
0x41: {  	p1 =	por p1, !p0;
	[sflag:s5] =	ssyncset.done @p0 $0x0  }
0x42: {  	[sflag:s5] =	ssyncadd.s32 @p0 $0xFFFFFF80;
	s5 =	simm.s32 @!p1 $0x0  }
0x43: {  	[tilespmem:s5], [sflag:$0x1] =	stream.linear.gather @!p1 [hbm4b:s11+s5], $0x80, $0x38;
	[tilespmem:$0x1EC80] =	vst v63  }
0x44: {  	s5 =	simm.s32 @p0 $0x6  }
0x45: {  	_ =	swait.ge @p0 [sflag:s5], $0x80  }
0x46: {  	s8 =	simm.s32 @p0 $0x280;
	[sflag:s5] =	ssyncset.done @p0 $0x0  }
0x47: {  	s7 =	simm.s32 @p0 $0x380;
	[sflag:s5] =	ssyncadd.s32 @p0 $0xFFFFFF80;
	s5 =	simm.s32 @p0 $0x80  }
0x48: {  	[spmem:s1] =	stream.indirect.scatter.add.f32 @p0 [tilespmem:s7], [sflag:$0xD], $0x1, s8, s5, $0xb8;
	[tilespmem:$0x1EC80] =	vst v63  }
0x49: {  	s5 =	simm.s32 @!p0 $0x9  }
0x4a: {  	p1 =	sgt.u32 @!p0 s4, $0x4C;
	_ =	swait.ge @!p0 [sflag:s5], $0x80  }
0x4b: {  	p1 =	por p1, p0;
	[sflag:s5] =	ssyncset.done @!p0 $0x0  }
0x4c: {  	s7 =	simm.s32 @!p1 $0x80;
	[sflag:s5] =	ssyncadd.s32 @!p0 $0xFFFFFF80;
	s5 =	simm.s32 @!p1 $0x0  }
0x4d: {  	[tilespmem:s7], [sflag:$0x2] =	stream.linear.gather @!p1 [hbm4b:s11+s5], $0x80, $0x38;
	[tilespmem:$0x1EC80] =	vst v63  }
0x4e: {  	s5 =	simm.s32 @!p0 $0x7  }
0x4f: {  	_ =	swait.ge @!p0 [sflag:s5], $0x80  }
0x50: {  	s8 =	simm.s32 @!p0 $0x380;
	[sflag:s5] =	ssyncset.done @!p0 $0x0  }
0x51: {  	s7 =	simm.s32 @!p0 $0x300;
	[sflag:s5] =	ssyncadd.s32 @!p0 $0xFFFFFF80;
	s5 =	simm.s32 @!p0 $0x80  }
0x52: {  	[spmem:s1] =	stream.indirect.scatter.add.f32 @!p0 [tilespmem:s8], [sflag:$0xE], $0x1, s7, s5, $0xb8;
	[tilespmem:$0x1EC80] =	vst v63  }
.LBB2_13:
0x53: {  	s4 =	sadd.s32 $0x1, s4  }
0x54: {  	p0 =	sne.s32 s4, $0x4F  }
.Ltmp3:
0x55: {  	_ = 	snop;
	(pc) =	sbr.rel @!p0 .LBB2_14-.Ltmp3, $2  }
0x56: {  	_ =	sdelay $0x2  }
0x57: {  	s11 =	sadd.s32 $0x10, s11  }
.LBB2_2:
0x58: {  	s5 =	smul.u32 $0x25, s4;
	_ =	sdelay $0x1  }
0x59: {  	s5 =	sshrl.u32 s5, $0x8  }
0x5a: {  	s8 =	ssub.s32 s4, s5  }
0x5b: {  	s8 =	sand.u32 $0xFE, s8  }
0x5c: {  	s8 =	sshrl.u32 s8, $0x1  }
0x5d: {  	s5 =	sadd.s32 s5, s8  }
0x5e: {  	s5 =	sand.u32 $0xFC, s5  }
0x5f: {  	s5 =	sshrl.u32 s5, $0x2  }
0x60: {  	s5 =	smul.u32 $0x7, s5;
	_ =	sdelay $0x1  }
0x61: {  	s5 =	ssub.s32 s4, s5  }
0x62: {  	s5 =	sand.u32 $0xFF, s5  }
0x63: {  	p0 =	sgt.s32 s5, $0x2  }
.Ltmp4:
0x64: {  	_ = 	snop;
	(pc) =	sbr.rel @!p0 .LBB2_3-.Ltmp4, $1  }
0x65: {  	_ =	sdelay $0x3  }
0x66: {  	p0 =	sgt.s32 s5, $0x4  }
.Ltmp5:
0x67: {  	_ = 	snop;
	(pc) =	sbr.rel @p0 .LBB2_9-.Ltmp5, $1  }
0x68: {  	_ =	sdelay $0x3  }
0x69: {  	p2 =	seq.s32 s5, $0x3  }
.Ltmp6:
0x6a: {  	_ = 	snop;
	(pc) =	sbr.rel @!p2 .LBB2_12-.Ltmp6, $3  }
0x6b: {  	_ =	sdelay $0x1  }
0x6c: {  	p0 =	slt.u32 s4, $0x5  }
0x6d: {  	p1 =	sgt.u32 @!p0 s4, $0x4C  }
0x6e: {  	s5 =	simm.s32 @!p0 $0xD  }
0x6f: {  	_ =	swait.ge @!p0 [sflag:s5], $0x80  }
0x70: {  	[sflag:s5] =	ssyncset.done @!p0 $0x0  }
0x71: {  	p1 =	por p0, !p1;
	[sflag:s5] =	ssyncadd.s32 @!p0 $0xFFFFFF80  }
0x72: {  	[tilespmem:s26], [sflag:$0x6] =	stream.linear.gather @p1 [hbm4b:s11+s2], $0x80, $0x38;
	[tilespmem:$0x1EC80] =	vst v63  }
.Ltmp7:
0x73: {  	_ = 	snop;
	(pc) =	sbr.rel .LBB2_13-.Ltmp7, $4  }
0x74: {  	_ =	swait.ge [sflag:s28], $0x80  }
0x75: {  	[sflag:s28] =	ssyncset.done $0x0  }
0x76: {  	[sflag:s28] =	ssyncadd.s32 $0xFFFFFF80  }
0x77: {  	[spmem:s1] =	stream.indirect.scatter.add.f32 [tilespmem:s14], [sflag:$0xB], $0x1, s29, s15, $0xb8;
	[tilespmem:$0x1EC80] =	vst v63  }
.LBB2_3:
0x78: {  	p0 =	seq.s32 s5, $0x0  }
.Ltmp8:
0x79: {  	_ = 	snop;
	(pc) =	sbr.rel @p0 .LBB2_10-.Ltmp8, $1  }
0x7a: {  	_ =	sdelay $0x3  }
0x7b: {  	p0 =	seq.s32 s5, $0x1  }
.Ltmp9:
0x7c: {  	_ = 	snop;
	(pc) =	sbr.rel @!p0 .LBB2_11-.Ltmp9, $1  }
0x7d: {  	_ =	sdelay $0x3  }
0x7e: {  	p0 =	slt.u32 s4, $0x5  }
0x7f: {  	s5 =	simm.s32 @!p0 $0xB;
	p1 =	sgt.u32 @!p0 s4, $0x4C  }
0x80: {  	_ =	swait.ge @!p0 [sflag:s5], $0x80;
	p1 =	por p0, !p1  }
0x81: {  	[sflag:s5] =	ssyncset.done @!p0 $0x0;
	s7 =	simm.s32 @p1 $0x180  }
0x82: {  	[sflag:s5] =	ssyncadd.s32 @!p0 $0xFFFFFF80;
	s5 =	simm.s32 @p1 $0x0;
	p0 =	slt.u32 @p1 s4, $0x2  }
0x83: {  	[tilespmem:s7], [sflag:$0x4] =	stream.linear.gather @p1 [hbm4b:s11+s5], $0x80, $0x38;
	[tilespmem:$0x1EC80] =	vst v63  }
.Ltmp10:
0x84: {  	p0 =	por !p1, !p0;
	(pc) =	sbr.rel .LBB2_13-.Ltmp10, $4  }
0x85: {  	_ =	swait.ge @p0 [sflag:s17], $0x80  }
0x86: {  	[sflag:s17] =	ssyncset.done @p0 $0x0  }
0x87: {  	[sflag:s17] =	ssyncadd.s32 @p0 $0xFFFFFF80  }
0x88: {  	[spmem:s1] =	stream.indirect.scatter.add.f32 [tilespmem:s14], [sflag:$0x9], $0x1, s15, s15, $0xb8;
	[tilespmem:$0x1EC80] =	vst v63  }
.LBB2_10:
0x89: {  	p0 =	slt.u32 s4, $0x5  }
0x8a: {  	s5 =	simm.s32 @!p0 $0xA;
	p1 =	sgt.u32 @!p0 s4, $0x4C  }
0x8b: {  	_ =	swait.ge @!p0 [sflag:s5], $0x80;
	p1 =	por p0, !p1  }
0x8c: {  	[sflag:s5] =	ssyncset.done @!p0 $0x0;
	s7 =	simm.s32 @p1 $0x100  }
0x8d: {  	[sflag:s5] =	ssyncadd.s32 @!p0 $0xFFFFFF80;
	s5 =	simm.s32 @p1 $0x0;
	p0 =	slt.u32 @p1 s4, $0x2  }
0x8e: {  	[tilespmem:s7], [sflag:$0x3] =	stream.linear.gather @p1 [hbm4b:s11+s5], $0x80, $0x38;
	[tilespmem:$0x1EC80] =	vst v63  }
.Ltmp11:
0x8f: {  	p0 =	por !p1, !p0;
	(pc) =	sbr.rel .LBB2_13-.Ltmp11, $4  }
0x90: {  	_ =	swait.ge @p0 [sflag:s16], $0x80  }
0x91: {  	[sflag:s16] =	ssyncset.done @p0 $0x0  }
0x92: {  	[sflag:s16] =	ssyncadd.s32 @p0 $0xFFFFFF80  }
0x93: {  	[spmem:s1] =	stream.indirect.scatter.add.f32 [tilespmem:s14], [sflag:$0x8], $0x1, s2, s15, $0xb8;
	[tilespmem:$0x1EC80] =	vst v63  }
.LBB2_11:
0x94: {  	p0 =	slt.u32 s4, $0x5  }
0x95: {  	s5 =	simm.s32 @!p0 $0xC  }
0x96: {  	_ =	swait.ge @!p0 [sflag:s5], $0x80  }
0x97: {  	p1 =	sgt.u32 @!p0 s4, $0x4C;
	[sflag:s5] =	ssyncset.done @!p0 $0x0  }
0x98: {  	p1 =	por p0, !p1;
	[sflag:s5] =	ssyncadd.s32 @!p0 $0xFFFFFF80  }
0x99: {  	[tilespmem:s18], [sflag:$0x5] =	stream.linear.gather @p1 [hbm4b:s11+s2], $0x80, $0x38;
	[tilespmem:$0x1EC80] =	vst v63  }
.Ltmp12:
0x9a: {  	_ = 	snop;
	(pc) =	sbr.rel .LBB2_13-.Ltmp12, $4  }
0x9b: {  	_ =	swait.ge [sflag:s19], $0x80  }
0x9c: {  	[sflag:s19] =	ssyncset.done $0x0  }
0x9d: {  	[sflag:s19] =	ssyncadd.s32 $0xFFFFFF80  }
0x9e: {  	[spmem:s1] =	stream.indirect.scatter.add.f32 [tilespmem:s14], [sflag:$0xA], $0x1, s20, s15, $0xb8;
	[tilespmem:$0x1EC80] =	vst v63  }
.LBB2_12:
0x9f: {  	s5 =	simm.s32 @!p0 $0xE  }
0xa0: {  	_ =	swait.ge @!p0 [sflag:s5], $0x80  }
0xa1: {  	[sflag:s5] =	ssyncset.done @!p0 $0x0  }
0xa2: {  	p1 =	por p0, !p1;
	[sflag:s5] =	ssyncadd.s32 @!p0 $0xFFFFFF80  }
0xa3: {  	[tilespmem:s30], [sflag:$0x7] =	stream.linear.gather @p1 [hbm4b:s11+s2], $0x80, $0x38;
	[tilespmem:$0x1EC80] =	vst v63  }
.Ltmp13:
0xa4: {  	_ = 	snop;
	(pc) =	sbr.rel .LBB2_13-.Ltmp13, $4  }
0xa5: {  	_ =	swait.ge [sflag:s31], $0x80  }
0xa6: {  	[sflag:s31] =	ssyncset.done $0x0  }
0xa7: {  	[sflag:s31] =	ssyncadd.s32 $0xFFFFFF80  }
0xa8: {  	[spmem:s1] =	stream.indirect.scatter.add.f32 [tilespmem:s14], [sflag:$0xC], $0x1, s18, s15, $0xb8;
	[tilespmem:$0x1EC80] =	vst v63  }
.LBB2_15:
0xa9: {  	_ =	sfence.sel $0x180000  }
0xaa: {  	[bflag:$0x0] =	sbarrier.arrive $0xFFFF  }
0xab: {  	_ =	strace $0x90000047  }
0xac: {  	s0 =	stileid.u32;
	[bflag:$0x2] =	sbarrier.arrive $0xFFFF  }
0xad: {  	p0 =	sne.s32 s0, $0x0;
	s0 =	rddreg [dreg:$0x3]  }
0xae: {  	s0 =	sadd.s32 @!p0 $0x100000, s0  }
0xaf: {  	[sflag:s0] =	ssyncadd.tile.s32 @!p0 $0x1;
	_ =	shalt  }
.Lfunc_end2:
_tile_overlayer_lowered:
.L_overlay_start_2:
0xb0: {  	(tag) =	ssettag $0x2  }
0xb1: {  	s0 =	rddreg [dreg:$0x0];
	s2 =	stileid.u32  }
0xb2: {  	s1 =	rddreg [dreg:$0x1];
	p0 =	sne.s32 s2, $0x0  }
0xb3: {  	s3 =	rddreg [dreg:$0x2];
	[bflag:$0x3] =	sbarrier.arrive $0xFFFF;
	s2 =	simm.s32 @!p0 $0x1C0F  }
0xb4: {  	[timem:s3], [sflag:s2] =	dma.local @!p0 [hbm:s0], s1  }
0xb5: {  	s0 =	simm.s32 @!p0 $0xF  }
0xb6: {  	_ =	swait.ge @!p0 [sflag:s0], s1  }
0xb7: {  	s1 =	ssub.s32 @!p0 $0x0, s1;
	[sflag:s0] =	ssyncset.done @!p0 $0x0  }
0xb8: {  	[sflag:s0] =	ssyncadd.s32 @!p0 s1  }
0xb9: {  	[bflag:$0x3] =	sbarrier.arrive $0xFFFF  }
0xba: {  	_ =	shalt  }

</sc_bundles>
